<compile_context>
chip_gen: v7x
topology: tpu7x:2x2x1
jax: 0.10.2.dev20260603
libtpu: 0.0.44.dev20260713+nightly
codegen_flags: <defaults>
</compile_context>

<pallas_src>
import functools

import jax
import jax.numpy as jnp
from jax import lax
from jax.experimental import pallas as pl
from jax.experimental.pallas import tpu as pltpu
from jax.experimental.pallas import tpu_sc as plsc

_NC = 2
_NS = 16
_NW = _NC * _NS
_CH = 40


def _mesh():
    return plsc.VectorSubcoreMesh(core_axis_name="c", subcore_axis_name="s")


def _gather_rows(table, idx):
    e_total = idx.shape[0]
    d = table.shape[1]
    per_w = e_total // _NW
    n_ch = per_w // _CH

    @functools.partial(
        pl.kernel,
        mesh=_mesh(),
        out_type=jax.ShapeDtypeStruct((e_total, d), jnp.float32),
        scratch_types=[
            pltpu.VMEM((_CH,), jnp.int32),
            pltpu.VMEM((_CH, d), jnp.float32),
            pltpu.SemaphoreType.DMA,
        ],
    )
    def k(table_hbm, idx_hbm, out_hbm, idx_v, rows_v, sem):
        wid = lax.axis_index("s") * _NC + lax.axis_index("c")
        base = wid * per_w

        def body(i, carry):
            off = base + i * _CH
            pltpu.sync_copy(idx_hbm.at[pl.ds(off, _CH)], idx_v)
            pltpu.async_copy(table_hbm.at[idx_v], rows_v, sem).wait()
            pltpu.sync_copy(rows_v, out_hbm.at[pl.ds(off, _CH)])
            return carry

        lax.fori_loop(0, n_ch, body, 0)

    return k(table, idx)


def _scatter_add_rows(vals, idx, n_rows):
    e_total, d = vals.shape
    rp = n_rows + ((-n_rows) % (8 * _NS))
    rpw = rp // _NS
    per_w = e_total // _NW
    n_ch = per_w // _CH
    zrows = jnp.zeros((rpw, d), jnp.float32)

    @functools.partial(
        pl.kernel,
        mesh=_mesh(),
        out_type=jax.ShapeDtypeStruct((_NC, rp, d), jnp.float32),
        scratch_types=[
            pltpu.VMEM((_CH,), jnp.int32),
            pltpu.VMEM((_CH, d), jnp.float32),
            pltpu.VMEM_SHARED((rp, d), jnp.float32),
            pltpu.SemaphoreType.DMA,
            pltpu.SemaphoreType.DMA,
        ],
    )
    def k(vals_hbm, idx_hbm, z_hbm, out_hbm, idx_v, vals_v, accum, sem_i, sem_v):
        cid = lax.axis_index("c")
        sid = lax.axis_index("s")
        pltpu.sync_copy(z_hbm, accum.at[pl.ds(sid * rpw, rpw)])
        plsc.subcore_barrier()

        wid = sid * _NC + cid
        base = wid * per_w

        def body(i, carry):
            off = base + i * _CH
            cp_i = pltpu.async_copy(idx_hbm.at[pl.ds(off, _CH)], idx_v, sem_i)
            cp_v = pltpu.async_copy(vals_hbm.at[pl.ds(off, _CH)], vals_v, sem_v)
            cp_i.wait()
            cp_v.wait()
            pltpu.sync_copy(vals_v, accum.at[idx_v], add=True)
            return carry

        lax.fori_loop(0, n_ch, body, 0)
        plsc.subcore_barrier()
        pltpu.sync_copy(accum.at[pl.ds(sid * rpw, rpw)],
                        out_hbm.at[cid, pl.ds(sid * rpw, rpw)])

    return k(vals, idx, zrows)


def _tc_node_proj(pca, pimg, w_p_src, w_p_dst, b1p, w_i_src, w_i_dst, b1i):
    n = pca.shape[0]
    hid = w_p_src.shape[1]

    def body(pca_r, pimg_r, wps, wpd, bp, wis, wid_, bi, o0, o1, o2, o3):
        o0[...] = jnp.dot(pca_r[...], wps[...], preferred_element_type=jnp.float32)
        o1[...] = jnp.dot(pca_r[...], wpd[...], preferred_element_type=jnp.float32) + bp[...]
        o2[...] = jnp.dot(pimg_r[...], wis[...], preferred_element_type=jnp.float32)
        o3[...] = jnp.dot(pimg_r[...], wid_[...], preferred_element_type=jnp.float32) + bi[...]

    out_sd = jax.ShapeDtypeStruct((n, hid), jnp.float32)
    return pl.pallas_call(body, out_shape=[out_sd] * 4)(
        pca, pimg, w_p_src, w_p_dst, b1p.reshape(1, -1),
        w_i_src, w_i_dst, b1i.reshape(1, -1))


def _tc_scores(g_src, g_dst, w2p_pad, w2i_pad, b2_pad):
    e_total = g_src.shape[0]
    blk = 2000
    row = lambda i: (i, 0)
    full = lambda i: (0, 0)

    def body(s_r, d_r, wp, wi, bb, out_r):
        hp = jnp.maximum(s_r[:, 0:64] + d_r[:, 0:64], 0.0)
        hi = jnp.maximum(s_r[:, 64:128] + d_r[:, 64:128], 0.0)
        s = (jnp.dot(hp, wp[...], preferred_element_type=jnp.float32)
             + jnp.dot(hi, wi[...], preferred_element_type=jnp.float32)
             + bb[...])
        s = jnp.where(s >= 0.0, s, 0.01 * s)
        out_r[...] = jnp.exp(s)

    return pl.pallas_call(
        body,
        grid=(e_total // blk,),
        in_specs=[pl.BlockSpec((blk, 256), row), pl.BlockSpec((blk, 128), row),
                  pl.BlockSpec((64, 128), full), pl.BlockSpec((64, 128), full),
                  pl.BlockSpec((1, 128), full)],
        out_specs=pl.BlockSpec((blk, 128), row),
        out_shape=jax.ShapeDtypeStruct((e_total, 128), jnp.float32),
    )(g_src, g_dst, w2p_pad, w2i_pad, b2_pad)


def _tc_msgs(g_src, e_vals):
    e_total = g_src.shape[0]
    blk = 2000
    row = lambda i: (i, 0)

    def body(s_r, e_r, o0, o1, o2, o3):
        h = s_r[:, 128:192]
        for head, o in enumerate((o0, o1, o2, o3)):
            o[...] = jnp.concatenate(
                [h * e_r[:, head:head + 1], h * e_r[:, 4 + head:5 + head]], axis=1)

    out_sd = jax.ShapeDtypeStruct((e_total, 128), jnp.float32)
    return pl.pallas_call(
        body,
        grid=(e_total // blk,),
        in_specs=[pl.BlockSpec((blk, 256), row), pl.BlockSpec((blk, 128), row)],
        out_specs=[pl.BlockSpec((blk, 128), row)] * 4,
        out_shape=[out_sd] * 4,
    )(g_src, e_vals)


def _tc_norm(m_parts, s_part, n_nodes):
    rp = s_part.shape[1]
    blk = 2000
    spec = pl.BlockSpec((_NC, blk, 128), lambda i: (0, i, 0))

    def body(m0, m1, m2, m3, s_r, o0, o1, o2, o3):
        s = s_r[0] + s_r[1]
        for head, (m_r, o) in enumerate(zip((m0, m1, m2, m3), (o0, o1, o2, o3))):
            m = m_r[0] + m_r[1]
            den = jnp.concatenate(
                [jnp.broadcast_to(s[:, head:head + 1], (blk, 64)),
                 jnp.broadcast_to(s[:, 4 + head:5 + head], (blk, 64))], axis=1)
            o[...] = jnp.where(den > 0.0, m / den, 0.0)

    out_sd = jax.ShapeDtypeStruct((n_nodes, 128), jnp.float32)
    return pl.pallas_call(
        body,
        grid=(n_nodes // blk,),
        in_specs=[spec] * 5,
        out_specs=[pl.BlockSpec((blk, 128), lambda i: (i, 0))] * 4,
        out_shape=[out_sd] * 4,
    )(*m_parts, s_part)


def kernel(h, pca, pimg, edge_index,
           W1_pca, b1_pca, W2_pca, b2_pca,
           W1_pi, b1_pi, W2_pi, b2_pi):
    n_nodes, hid = h.shape
    src = edge_index[0]
    dst = edge_index[1]
    pca_dim = pca.shape[1]
    pi_dim = pimg.shape[1]

    zc = lambda c: jnp.zeros((hid, c), jnp.float32)
    w2p_pad = jnp.concatenate([W2_pca, zc(124)], axis=1)
    w2i_pad = jnp.concatenate([zc(4), W2_pi, zc(120)], axis=1)
    b2_pad = jnp.concatenate(
        [b2_pca, b2_pi, jnp.zeros((120,), jnp.float32)]).reshape(1, 128)

    p_ps, p_pd, p_is, p_id = _tc_node_proj(
        pca, pimg, W1_pca[:pca_dim], W1_pca[pca_dim:], b1_pca,
        W1_pi[:pi_dim], W1_pi[pi_dim:], b1_pi)

    t_src = jnp.concatenate(
        [p_ps, p_is, h, jnp.zeros((n_nodes, hid), jnp.float32)], axis=1)
    t_dst = jnp.concatenate([p_pd, p_id], axis=1)

    g_src = _gather_rows(t_src, src)
    g_dst = _gather_rows(t_dst, dst)

    e_vals = _tc_scores(g_src, g_dst, w2p_pad, w2i_pad, b2_pad)

    msgs = _tc_msgs(g_src, e_vals)

    m_parts = [_scatter_add_rows(m, dst, n_nodes) for m in msgs]
    s_part = _scatter_add_rows(e_vals, dst, n_nodes)

    outs = _tc_norm(m_parts, s_part, n_nodes)
    return jnp.stack(outs, axis=1)

# --- scband reference (transcript-rebuilt; emitter-appended) ---
"""Pipeline reference for scband-edge-attention-88098369176143 (READ-ONLY COPY).

The authoritative reference and input builder live on the scoring server;
editing this copy changes nothing except your own understanding.
"""

import jax, jax.numpy as jnp
import numpy as np

N = 10000
E = 160000
PCA_DIM = 128
PI_DIM = 16
HID = 64        # node feature dim of h
MLP_HID = 64    # hidden dim of attention MLPs
HEADS = 4


def _init_linear(key, fan_in, fan_out):
    kW, kb = jax.random.split(key)
    bound = 1.0 / np.sqrt(fan_in)
    W = jax.random.uniform(kW, (fan_in, fan_out), jnp.float32, -bound, bound)
    b = jax.random.uniform(kb, (fan_out,), jnp.float32, -bound, bound)
    return W, b


def setup_inputs(seed: int = 0) -> dict:
    key = jax.random.key(seed)
    ks = jax.random.split(key, 8)
    h = jax.random.normal(ks[0], (N, HID), jnp.float32)
    pca = jax.random.normal(ks[1], (N, PCA_DIM), jnp.float32)
    pimg = jax.random.normal(ks[2], (N, PI_DIM), jnp.float32)
    edge_index = jax.random.randint(ks[3], (2, E), 0, N, dtype=jnp.int32)
    W1_pca, b1_pca = _init_linear(ks[4], 2 * PCA_DIM, MLP_HID)
    W2_pca, b2_pca = _init_linear(ks[5], MLP_HID, HEADS)
    W1_pi, b1_pi = _init_linear(ks[6], 2 * PI_DIM, MLP_HID)
    W2_pi, b2_pi = _init_linear(ks[7], MLP_HID, HEADS)
    return {
        "h": h, "pca": pca, "pimg": pimg, "edge_index": edge_index,
        "W1_pca": W1_pca, "b1_pca": b1_pca, "W2_pca": W2_pca, "b2_pca": b2_pca,
        "W1_pi": W1_pi, "b1_pi": b1_pi, "W2_pi": W2_pi, "b2_pi": b2_pi,
    }


def _mlp(x, W1, b1, W2, b2):
    # MLP_Layer(num_layers=2, batch_norm=False): Linear -> ReLU -> Linear
    return jax.nn.relu(x @ W1 + b1) @ W2 + b2


def _leaky_relu(x):
    return jnp.where(x >= 0, x, 0.01 * x)


def _edge_softmax(scores, dst, n_nodes):
    # softmax over incoming edges of each destination node, per head
    m = jax.ops.segment_max(scores, dst, num_segments=n_nodes)
    m = jnp.where(jnp.isneginf(m), 0.0, m)
    e = jnp.exp(scores - m[dst])
    s = jax.ops.segment_sum(e, dst, num_segments=n_nodes)
    return e / s[dst]


def reference(h, pca, pimg, edge_index,
              W1_pca, b1_pca, W2_pca, b2_pca,
              W1_pi, b1_pi, W2_pi, b2_pi):
    src = edge_index[0]
    dst = edge_index[1]
    n_nodes = h.shape[0]

    # --- pca attention branch ---
    h_pca = jnp.concatenate([pca[src], pca[dst]], axis=1)          # [E, 2*PCA]
    pcascore = _leaky_relu(_mlp(h_pca, W1_pca, b1_pca, W2_pca, b2_pca))  # [E, H]
    a_pca = _edge_softmax(pcascore, dst, n_nodes)                   # [E, H]
    msg_pca = h[src][:, None, :] * a_pca[:, :, None]                # [E, H, HID]
    out_pca = jax.ops.segment_sum(msg_pca, dst, num_segments=n_nodes)  # [N, H, HID]

    # --- persistence-image attention branch (pi_dim != 0) ---
    h_pi = jnp.concatenate([pimg[src], pimg[dst]], axis=1)          # [E, 2*PI]
    piscore = _leaky_relu(_mlp(h_pi, W1_pi, b1_pi, W2_pi, b2_pi))   # [E, H]
    a_pi = _edge_softmax(piscore, dst, n_nodes)                     # [E, H]
    msg_pi = h[src][:, None, :] * a_pi[:, :, None]                  # [E, H, HID]
    out_pi = jax.ops.segment_sum(msg_pi, dst, num_segments=n_nodes)  # [N, H, HID]

    return jnp.concatenate([out_pca, out_pi], axis=-1)              # [N, H, 2*HID]

if __name__ == "__main__":
    import jax
    _d = setup_inputs()
    print(jax.jit(kernel)(*tuple(_d.values())))

</pallas_src>

<mosaic_0001>
#map = affine_map<(d0, d1) -> (0, 0)>
#map1 = affine_map<(d0, d1) -> (0)>
module attributes {stable_mosaic.version = 14 : i64} {
  func.func @k(%arg0: i32, %arg1: i32, %arg2: memref<10000x128xf32, #tpu.memory_space<hbm>>, %arg3: memref<160000xi32, #tpu.memory_space<hbm>>, %arg4: memref<160000x128xf32, #tpu.memory_space<hbm>>, %arg5: memref<40xi32, #tpu.memory_space<vmem>>, %arg6: memref<40x128xf32, #tpu.memory_space<vmem>>, %arg7: memref<!tpu.dma_semaphore, #tpu.memory_space<semaphore_mem>>) attributes {dimension_semantics = [#tpu.dimension_semantics<core_parallel>, #tpu.dimension_semantics<subcore_parallel>], iteration_bounds = array<i64: 2, 16>, scalar_prefetch = 0 : i64, scratch_operands = 3 : i64, tpu.core_type = #tpu.core_type<sc_vector_subcore>, window_params = [{transform_indices = #map}, {transform_indices = #map1}, {transform_indices = #map}]} {
    %mul3A = arith.constant 2 : i32
    %mul3A_0 = arith.muli %arg1, %mul3A : i32
    %add3A = arith.addi %mul3A_0, %arg0 : i32
    %mul3A_1 = arith.constant 5000 : i32
    %mul3A_2 = arith.muli %add3A, %mul3A_1 : i32
    %scan3A = arith.constant 0 : i32
    %scan3A_3 = arith.constant 0 : i32
    %scan3A_4 = arith.constant 125 : i32
    %scan3A_5 = arith.addi %scan3A_3, %scan3A_4 : i32
    %scan3A_6 = arith.constant 1 : i32
    scf.for %scan3A_8 = %scan3A_3 to %scan3A_5 step %scan3A_6  : i32 {
      %mul3A_9 = arith.constant 40 : i32
      %mul3A_10 = arith.muli %scan3A_8, %mul3A_9 : i32
      %add3A_11 = arith.addi %mul3A_2, %mul3A_10 : i32
      "tpu.region"() ({
        %run_scoped3A = tpu.sem_alloc : memref<!tpu.dma_semaphore, #tpu.memory_space<semaphore_mem>>
        %dma_start3A_16 = tpu.memref_slice %arg3[%add3A_11] : memref<160000xi32, #tpu.memory_space<hbm>> -> memref<40xi32, #tpu.memory_space<hbm>>
        %dma_start3A_17 = tpu.memref_slice %arg3[%add3A_11] : memref<160000xi32, #tpu.memory_space<hbm>> -> memref<40xi32, #tpu.memory_space<hbm>>
        tpu.enqueue_dma source(%dma_start3A_17 : memref<40xi32, #tpu.memory_space<hbm>>) target(%arg5 : memref<40xi32, #tpu.memory_space<vmem>>) target_semaphore(%run_scoped3A : memref<!tpu.dma_semaphore, #tpu.memory_space<semaphore_mem>>)
        %dma_wait3A_18 = tpu.memref_slice %arg3[%add3A_11] : memref<160000xi32, #tpu.memory_space<hbm>> -> memref<40xi32, #tpu.memory_space<hbm>>
        %dma_wait3A_19 = tpu.memref_slice %arg3[%add3A_11] : memref<160000xi32, #tpu.memory_space<hbm>> -> memref<40xi32, #tpu.memory_space<hbm>>
        tpu.wait_dma2 semaphore(%run_scoped3A : memref<!tpu.dma_semaphore, #tpu.memory_space<semaphore_mem>>) src(%dma_wait3A_19 : memref<40xi32, #tpu.memory_space<hbm>>) dst(%arg5 : memref<40xi32, #tpu.memory_space<vmem>>)
        tpu.yield
      }) : () -> ()
      %dma_start3A = arith.constant 0 : i32
      %dma_start3A_12 = arith.constant 0 : i32
      %dma_start3A_13 = tpu.memref_slice %arg2[%dma_start3A, %dma_start3A_12] : memref<10000x128xf32, #tpu.memory_space<hbm>> -> memref<10000x128xf32, #tpu.memory_space<hbm>>
      tpu.enqueue_indirect_dma source(%dma_start3A_13 : memref<10000x128xf32, #tpu.memory_space<hbm>>) target(%arg6 : memref<40x128xf32, #tpu.memory_space<vmem>>) offsets(%arg5 : memref<40xi32, #tpu.memory_space<vmem>>) semaphore(%arg7 : memref<!tpu.dma_semaphore, #tpu.memory_space<semaphore_mem>>)
      %dma_wait3A = arith.constant 0 : i32
      %dma_wait3A_14 = arith.constant 0 : i32
      %dma_wait3A_15 = tpu.memref_slice %arg2[%dma_wait3A, %dma_wait3A_14] : memref<10000x128xf32, #tpu.memory_space<hbm>> -> memref<10000x128xf32, #tpu.memory_space<hbm>>
      tpu.wait_indirect_dma semaphore(%arg7 : memref<!tpu.dma_semaphore, #tpu.memory_space<semaphore_mem>>) src(%dma_wait3A_15 : memref<10000x128xf32, #tpu.memory_space<hbm>>) dst(%arg6 : memref<40x128xf32, #tpu.memory_space<vmem>>)
      "tpu.region"() ({
        %run_scoped3A = tpu.sem_alloc : memref<!tpu.dma_semaphore, #tpu.memory_space<semaphore_mem>>
        %dma_start3A_16 = arith.constant 0 : i32
        %dma_start3A_17 = tpu.memref_slice %arg4[%add3A_11, %dma_start3A_16] : memref<160000x128xf32, #tpu.memory_space<hbm>> -> memref<40x128xf32, #tpu.memory_space<hbm>>
        %dma_start3A_18 = arith.constant 0 : i32
        %dma_start3A_19 = tpu.memref_slice %arg4[%add3A_11, %dma_start3A_18] : memref<160000x128xf32, #tpu.memory_space<hbm>> -> memref<40x128xf32, #tpu.memory_space<hbm>>
        tpu.enqueue_dma source(%arg6 : memref<40x128xf32, #tpu.memory_space<vmem>>) target(%dma_start3A_19 : memref<40x128xf32, #tpu.memory_space<hbm>>) target_semaphore(%run_scoped3A : memref<!tpu.dma_semaphore, #tpu.memory_space<semaphore_mem>>)
        %dma_wait3A_20 = arith.constant 0 : i32
        %dma_wait3A_21 = tpu.memref_slice %arg4[%add3A_11, %dma_wait3A_20] : memref<160000x128xf32, #tpu.memory_space<hbm>> -> memref<40x128xf32, #tpu.memory_space<hbm>>
        %dma_wait3A_22 = arith.constant 0 : i32
        %dma_wait3A_23 = tpu.memref_slice %arg4[%add3A_11, %dma_wait3A_22] : memref<160000x128xf32, #tpu.memory_space<hbm>> -> memref<40x128xf32, #tpu.memory_space<hbm>>
        tpu.wait_dma2 semaphore(%run_scoped3A : memref<!tpu.dma_semaphore, #tpu.memory_space<semaphore_mem>>) src(%arg6 : memref<40x128xf32, #tpu.memory_space<vmem>>) dst(%dma_wait3A_23 : memref<40x128xf32, #tpu.memory_space<hbm>>)
        tpu.yield
      }) : () -> ()
    }
    %scan3A_7 = arith.constant 125 : i32
    return
  }
}

#map = affine_map<(d0, d1) -> (0, 0)>
#map1 = affine_map<(d0, d1) -> (0)>
#map2 = affine_map<(d0, d1) -> (0, 0, 0)>
module attributes {stable_mosaic.version = 14 : i64} {
  func.func @k(%arg0: i32, %arg1: i32, %arg2: memref<160000x128xf32, #tpu.memory_space<hbm>>, %arg3: memref<160000xi32, #tpu.memory_space<hbm>>, %arg4: memref<632x128xf32, #tpu.memory_space<hbm>>, %arg5: memref<2x10112x128xf32, #tpu.memory_space<hbm>>, %arg6: memref<40xi32, #tpu.memory_space<vmem>>, %arg7: memref<40x128xf32, #tpu.memory_space<vmem>>, %arg8: memref<10112x128xf32, #tpu.memory_space<vmem_shared>>, %arg9: memref<!tpu.dma_semaphore, #tpu.memory_space<semaphore_mem>>, %arg10: memref<!tpu.dma_semaphore, #tpu.memory_space<semaphore_mem>>) attributes {dimension_semantics = [#tpu.dimension_semantics<core_parallel>, #tpu.dimension_semantics<subcore_parallel>], iteration_bounds = array<i64: 2, 16>, scalar_prefetch = 0 : i64, scratch_operands = 5 : i64, tpu.core_type = #tpu.core_type<sc_vector_subcore>, window_params = [{transform_indices = #map}, {transform_indices = #map1}, {transform_indices = #map}, {transform_indices = #map2}]} {
    %mul3A = arith.constant 632 : i32
    %mul3A_0 = arith.muli %arg1, %mul3A : i32
    "tpu.region"() ({
      %run_scoped3A = tpu.sem_alloc : memref<!tpu.dma_semaphore, #tpu.memory_space<semaphore_mem>>
      %dma_start3A = arith.constant 0 : i32
      %dma_start3A_15 = tpu.memref_slice %arg8[%mul3A_0, %dma_start3A] : memref<10112x128xf32, #tpu.memory_space<vmem_shared>> -> memref<632x128xf32, #tpu.memory_space<vmem_shared>>
      tpu.enqueue_dma source(%arg4 : memref<632x128xf32, #tpu.memory_space<hbm>>) target(%dma_start3A_15 : memref<632x128xf32, #tpu.memory_space<vmem_shared>>) target_semaphore(%run_scoped3A : memref<!tpu.dma_semaphore, #tpu.memory_space<semaphore_mem>>)
      %dma_wait3A = arith.constant 0 : i32
      %dma_wait3A_16 = tpu.memref_slice %arg8[%mul3A_0, %dma_wait3A] : memref<10112x128xf32, #tpu.memory_space<vmem_shared>> -> memref<632x128xf32, #tpu.memory_space<vmem_shared>>
      tpu.wait_dma2 semaphore(%run_scoped3A : memref<!tpu.dma_semaphore, #tpu.memory_space<semaphore_mem>>) src(%arg4 : memref<632x128xf32, #tpu.memory_space<hbm>>) dst(%dma_wait3A_16 : memref<632x128xf32, #tpu.memory_space<vmem_shared>>)
      tpu.yield
    }) : () -> ()
    %barrier3A = arith.constant 0 : index
    tpu.barrier barrier_id(%barrier3A)
    %mul3A_1 = arith.constant 2 : i32
    %mul3A_2 = arith.muli %arg1, %mul3A_1 : i32
    %add3A = arith.addi %mul3A_2, %arg0 : i32
    %mul3A_3 = arith.constant 5000 : i32
    %mul3A_4 = arith.muli %add3A, %mul3A_3 : i32
    %scan3A = arith.constant 0 : i32
    %scan3A_5 = arith.constant 0 : i32
    %scan3A_6 = arith.constant 125 : i32
    %scan3A_7 = arith.addi %scan3A_5, %scan3A_6 : i32
    %scan3A_8 = arith.constant 1 : i32
    scf.for %scan3A_15 = %scan3A_5 to %scan3A_7 step %scan3A_8  : i32 {
      %mul3A_16 = arith.constant 40 : i32
      %mul3A_17 = arith.muli %scan3A_15, %mul3A_16 : i32
      %add3A_18 = arith.addi %mul3A_4, %mul3A_17 : i32
      %dma_start3A = tpu.memref_slice %arg3[%add3A_18] : memref<160000xi32, #tpu.memory_space<hbm>> -> memref<40xi32, #tpu.memory_space<hbm>>
      %dma_start3A_19 = tpu.memref_slice %arg3[%add3A_18] : memref<160000xi32, #tpu.memory_space<hbm>> -> memref<40xi32, #tpu.memory_space<hbm>>
      tpu.enqueue_dma source(%dma_start3A_19 : memref<40xi32, #tpu.memory_space<hbm>>) target(%arg6 : memref<40xi32, #tpu.memory_space<vmem>>) target_semaphore(%arg9 : memref<!tpu.dma_semaphore, #tpu.memory_space<semaphore_mem>>)
      %dma_start3A_20 = arith.constant 0 : i32
      %dma_start3A_21 = tpu.memref_slice %arg2[%add3A_18, %dma_start3A_20] : memref<160000x128xf32, #tpu.memory_space<hbm>> -> memref<40x128xf32, #tpu.memory_space<hbm>>
      %dma_start3A_22 = arith.constant 0 : i32
      %dma_start3A_23 = tpu.memref_slice %arg2[%add3A_18, %dma_start3A_22] : memref<160000x128xf32, #tpu.memory_space<hbm>> -> memref<40x128xf32, #tpu.memory_space<hbm>>
      tpu.enqueue_dma source(%dma_start3A_23 : memref<40x128xf32, #tpu.memory_space<hbm>>) target(%arg7 : memref<40x128xf32, #tpu.memory_space<vmem>>) target_semaphore(%arg10 : memref<!tpu.dma_semaphore, #tpu.memory_space<semaphore_mem>>)
      %dma_wait3A = tpu.memref_slice %arg3[%add3A_18] : memref<160000xi32, #tpu.memory_space<hbm>> -> memref<40xi32, #tpu.memory_space<hbm>>
      %dma_wait3A_24 = tpu.memref_slice %arg3[%add3A_18] : memref<160000xi32, #tpu.memory_space<hbm>> -> memref<40xi32, #tpu.memory_space<hbm>>
      tpu.wait_dma2 semaphore(%arg9 : memref<!tpu.dma_semaphore, #tpu.memory_space<semaphore_mem>>) src(%dma_wait3A_24 : memref<40xi32, #tpu.memory_space<hbm>>) dst(%arg6 : memref<40xi32, #tpu.memory_space<vmem>>)
      %dma_wait3A_25 = arith.constant 0 : i32
      %dma_wait3A_26 = tpu.memref_slice %arg2[%add3A_18, %dma_wait3A_25] : memref<160000x128xf32, #tpu.memory_space<hbm>> -> memref<40x128xf32, #tpu.memory_space<hbm>>
      %dma_wait3A_27 = arith.constant 0 : i32
      %dma_wait3A_28 = tpu.memref_slice %arg2[%add3A_18, %dma_wait3A_27] : memref<160000x128xf32, #tpu.memory_space<hbm>> -> memref<40x128xf32, #tpu.memory_space<hbm>>
      tpu.wait_dma2 semaphore(%arg10 : memref<!tpu.dma_semaphore, #tpu.memory_space<semaphore_mem>>) src(%dma_wait3A_28 : memref<40x128xf32, #tpu.memory_space<hbm>>) dst(%arg7 : memref<40x128xf32, #tpu.memory_space<vmem>>)
      "tpu.region"() ({
        %run_scoped3A = tpu.sem_alloc : memref<!tpu.dma_semaphore, #tpu.memory_space<semaphore_mem>>
        %dma_start3A_29 = arith.constant 0 : i32
        %dma_start3A_30 = arith.constant 0 : i32
        %dma_start3A_31 = tpu.memref_slice %arg8[%dma_start3A_29, %dma_start3A_30] : memref<10112x128xf32, #tpu.memory_space<vmem_shared>> -> memref<10112x128xf32, #tpu.memory_space<vmem_shared>>
        tpu.enqueue_indirect_dma source(%arg7 : memref<40x128xf32, #tpu.memory_space<vmem>>) target(%dma_start3A_31 : memref<10112x128xf32, #tpu.memory_space<vmem_shared>>) offsets(%arg6 : memref<40xi32, #tpu.memory_space<vmem>>) semaphore(%run_scoped3A : memref<!tpu.dma_semaphore, #tpu.memory_space<semaphore_mem>>) {add = true}
        %dma_wait3A_32 = arith.constant 0 : i32
        %dma_wait3A_33 = arith.constant 0 : i32
        %dma_wait3A_34 = tpu.memref_slice %arg8[%dma_wait3A_32, %dma_wait3A_33] : memref<10112x128xf32, #tpu.memory_space<vmem_shared>> -> memref<10112x128xf32, #tpu.memory_space<vmem_shared>>
        tpu.wait_indirect_dma semaphore(%run_scoped3A : memref<!tpu.dma_semaphore, #tpu.memory_space<semaphore_mem>>) src(%arg7 : memref<40x128xf32, #tpu.memory_space<vmem>>) dst(%dma_wait3A_34 : memref<10112x128xf32, #tpu.memory_space<vmem_shared>>)
        tpu.yield
      }) : () -> ()
    }
    %scan3A_9 = arith.constant 125 : i32
    %barrier3A_10 = arith.constant 0 : index
    tpu.barrier barrier_id(%barrier3A_10)
    %mul3A_11 = arith.constant 632 : i32
    %mul3A_12 = arith.muli %arg1, %mul3A_11 : i32
    %mul3A_13 = arith.constant 632 : i32
    %mul3A_14 = arith.muli %arg1, %mul3A_13 : i32
    "tpu.region"() ({
      %run_scoped3A = tpu.sem_alloc : memref<!tpu.dma_semaphore, #tpu.memory_space<semaphore_mem>>
      %dma_start3A = arith.constant 0 : i32
      %dma_start3A_15 = tpu.memref_slice %arg5[%arg0, %mul3A_14, %dma_start3A] : memref<2x10112x128xf32, #tpu.memory_space<hbm>> -> memref<1x632x128xf32, #tpu.memory_space<hbm>>
      %dma_start3A_16 = tpu.memref_squeeze %dma_start3A_15 : memref<1x632x128xf32, #tpu.memory_space<hbm>> -> memref<632x128xf32, #tpu.memory_space<hbm>>
      %dma_start3A_17 = arith.constant 0 : i32
      %dma_start3A_18 = tpu.memref_slice %arg8[%mul3A_12, %dma_start3A_17] : memref<10112x128xf32, #tpu.memory_space<vmem_shared>> -> memref<632x128xf32, #tpu.memory_space<vmem_shared>>
      tpu.enqueue_dma source(%dma_start3A_18 : memref<632x128xf32, #tpu.memory_space<vmem_shared>>) target(%dma_start3A_16 : memref<632x128xf32, #tpu.memory_space<hbm>>) target_semaphore(%run_scoped3A : memref<!tpu.dma_semaphore, #tpu.memory_space<semaphore_mem>>)
      %dma_wait3A = arith.constant 0 : i32
      %dma_wait3A_19 = tpu.memref_slice %arg5[%arg0, %mul3A_14, %dma_wait3A] : memref<2x10112x128xf32, #tpu.memory_space<hbm>> -> memref<1x632x128xf32, #tpu.memory_space<hbm>>
      %dma_wait3A_20 = tpu.memref_squeeze %dma_wait3A_19 : memref<1x632x128xf32, #tpu.memory_space<hbm>> -> memref<632x128xf32, #tpu.memory_space<hbm>>
      %dma_wait3A_21 = arith.constant 0 : i32
      %dma_wait3A_22 = tpu.memref_slice %arg8[%mul3A_12, %dma_wait3A_21] : memref<10112x128xf32, #tpu.memory_space<vmem_shared>> -> memref<632x128xf32, #tpu.memory_space<vmem_shared>>
      tpu.wait_dma2 semaphore(%run_scoped3A : memref<!tpu.dma_semaphore, #tpu.memory_space<semaphore_mem>>) src(%dma_wait3A_22 : memref<632x128xf32, #tpu.memory_space<vmem_shared>>) dst(%dma_wait3A_20 : memref<632x128xf32, #tpu.memory_space<hbm>>)
      tpu.yield
    }) : () -> ()
    return
  }
}

#map = affine_map<(d0, d1) -> (0, 0)>
#map1 = affine_map<(d0, d1) -> (0)>
#map2 = affine_map<(d0, d1) -> (0, 0, 0)>
module attributes {stable_mosaic.version = 14 : i64} {
  func.func @k(%arg0: i32, %arg1: i32, %arg2: memref<160000x128xf32, #tpu.memory_space<hbm>>, %arg3: memref<160000xi32, #tpu.memory_space<hbm>>, %arg4: memref<632x128xf32, #tpu.memory_space<hbm>>, %arg5: memref<2x10112x128xf32, #tpu.memory_space<hbm>>, %arg6: memref<40xi32, #tpu.memory_space<vmem>>, %arg7: memref<40x128xf32, #tpu.memory_space<vmem>>, %arg8: memref<10112x128xf32, #tpu.memory_space<vmem_shared>>, %arg9: memref<!tpu.dma_semaphore, #tpu.memory_space<semaphore_mem>>, %arg10: memref<!tpu.dma_semaphore, #tpu.memory_space<semaphore_mem>>) attributes {dimension_semantics = [#tpu.dimension_semantics<core_parallel>, #tpu.dimension_semantics<subcore_parallel>], iteration_bounds = array<i64: 2, 16>, scalar_prefetch = 0 : i64, scratch_operands = 5 : i64, tpu.core_type = #tpu.core_type<sc_vector_subcore>, window_params = [{transform_indices = #map}, {transform_indices = #map1}, {transform_indices = #map}, {transform_indices = #map2}]} {
    %mul3A = arith.constant 632 : i32
    %mul3A_0 = arith.muli %arg1, %mul3A : i32
    "tpu.region"() ({
      %run_scoped3A = tpu.sem_alloc : memref<!tpu.dma_semaphore, #tpu.memory_space<semaphore_mem>>
      %dma_start3A = arith.constant 0 : i32
      %dma_start3A_15 = tpu.memref_slice %arg8[%mul3A_0, %dma_start3A] : memref<10112x128xf32, #tpu.memory_space<vmem_shared>> -> memref<632x128xf32, #tpu.memory_space<vmem_shared>>
      tpu.enqueue_dma source(%arg4 : memref<632x128xf32, #tpu.memory_space<hbm>>) target(%dma_start3A_15 : memref<632x128xf32, #tpu.memory_space<vmem_shared>>) target_semaphore(%run_scoped3A : memref<!tpu.dma_semaphore, #tpu.memory_space<semaphore_mem>>)
      %dma_wait3A = arith.constant 0 : i32
      %dma_wait3A_16 = tpu.memref_slice %arg8[%mul3A_0, %dma_wait3A] : memref<10112x128xf32, #tpu.memory_space<vmem_shared>> -> memref<632x128xf32, #tpu.memory_space<vmem_shared>>
      tpu.wait_dma2 semaphore(%run_scoped3A : memref<!tpu.dma_semaphore, #tpu.memory_space<semaphore_mem>>) src(%arg4 : memref<632x128xf32, #tpu.memory_space<hbm>>) dst(%dma_wait3A_16 : memref<632x128xf32, #tpu.memory_space<vmem_shared>>)
      tpu.yield
    }) : () -> ()
    %barrier3A = arith.constant 0 : index
    tpu.barrier barrier_id(%barrier3A)
    %mul3A_1 = arith.constant 2 : i32
    %mul3A_2 = arith.muli %arg1, %mul3A_1 : i32
    %add3A = arith.addi %mul3A_2, %arg0 : i32
    %mul3A_3 = arith.constant 5000 : i32
    %mul3A_4 = arith.muli %add3A, %mul3A_3 : i32
    %scan3A = arith.constant 0 : i32
    %scan3A_5 = arith.constant 0 : i32
    %scan3A_6 = arith.constant 125 : i32
    %scan3A_7 = arith.addi %scan3A_5, %scan3A_6 : i32
    %scan3A_8 = arith.constant 1 : i32
    scf.for %scan3A_15 = %scan3A_5 to %scan3A_7 step %scan3A_8  : i32 {
      %mul3A_16 = arith.constant 40 : i32
      %mul3A_17 = arith.muli %scan3A_15, %mul3A_16 : i32
      %add3A_18 = arith.addi %mul3A_4, %mul3A_17 : i32
      %dma_start3A = tpu.memref_slice %arg3[%add3A_18] : memref<160000xi32, #tpu.memory_space<hbm>> -> memref<40xi32, #tpu.memory_space<hbm>>
      %dma_start3A_19 = tpu.memref_slice %arg3[%add3A_18] : memref<160000xi32, #tpu.memory_space<hbm>> -> memref<40xi32, #tpu.memory_space<hbm>>
      tpu.enqueue_dma source(%dma_start3A_19 : memref<40xi32, #tpu.memory_space<hbm>>) target(%arg6 : memref<40xi32, #tpu.memory_space<vmem>>) target_semaphore(%arg9 : memref<!tpu.dma_semaphore, #tpu.memory_space<semaphore_mem>>)
      %dma_start3A_20 = arith.constant 0 : i32
      %dma_start3A_21 = tpu.memref_slice %arg2[%add3A_18, %dma_start3A_20] : memref<160000x128xf32, #tpu.memory_space<hbm>> -> memref<40x128xf32, #tpu.memory_space<hbm>>
      %dma_start3A_22 = arith.constant 0 : i32
      %dma_start3A_23 = tpu.memref_slice %arg2[%add3A_18, %dma_start3A_22] : memref<160000x128xf32, #tpu.memory_space<hbm>> -> memref<40x128xf32, #tpu.memory_space<hbm>>
      tpu.enqueue_dma source(%dma_start3A_23 : memref<40x128xf32, #tpu.memory_space<hbm>>) target(%arg7 : memref<40x128xf32, #tpu.memory_space<vmem>>) target_semaphore(%arg10 : memref<!tpu.dma_semaphore, #tpu.memory_space<semaphore_mem>>)
      %dma_wait3A = tpu.memref_slice %arg3[%add3A_18] : memref<160000xi32, #tpu.memory_space<hbm>> -> memref<40xi32, #tpu.memory_space<hbm>>
      %dma_wait3A_24 = tpu.memref_slice %arg3[%add3A_18] : memref<160000xi32, #tpu.memory_space<hbm>> -> memref<40xi32, #tpu.memory_space<hbm>>
      tpu.wait_dma2 semaphore(%arg9 : memref<!tpu.dma_semaphore, #tpu.memory_space<semaphore_mem>>) src(%dma_wait3A_24 : memref<40xi32, #tpu.memory_space<hbm>>) dst(%arg6 : memref<40xi32, #tpu.memory_space<vmem>>)
      %dma_wait3A_25 = arith.constant 0 : i32
      %dma_wait3A_26 = tpu.memref_slice %arg2[%add3A_18, %dma_wait3A_25] : memref<160000x128xf32, #tpu.memory_space<hbm>> -> memref<40x128xf32, #tpu.memory_space<hbm>>
      %dma_wait3A_27 = arith.constant 0 : i32
      %dma_wait3A_28 = tpu.memref_slice %arg2[%add3A_18, %dma_wait3A_27] : memref<160000x128xf32, #tpu.memory_space<hbm>> -> memref<40x128xf32, #tpu.memory_space<hbm>>
      tpu.wait_dma2 semaphore(%arg10 : memref<!tpu.dma_semaphore, #tpu.memory_space<semaphore_mem>>) src(%dma_wait3A_28 : memref<40x128xf32, #tpu.memory_space<hbm>>) dst(%arg7 : memref<40x128xf32, #tpu.memory_space<vmem>>)
      "tpu.region"() ({
        %run_scoped3A = tpu.sem_alloc : memref<!tpu.dma_semaphore, #tpu.memory_space<semaphore_mem>>
        %dma_start3A_29 = arith.constant 0 : i32
        %dma_start3A_30 = arith.constant 0 : i32
        %dma_start3A_31 = tpu.memref_slice %arg8[%dma_start3A_29, %dma_start3A_30] : memref<10112x128xf32, #tpu.memory_space<vmem_shared>> -> memref<10112x128xf32, #tpu.memory_space<vmem_shared>>
        tpu.enqueue_indirect_dma source(%arg7 : memref<40x128xf32, #tpu.memory_space<vmem>>) target(%dma_start3A_31 : memref<10112x128xf32, #tpu.memory_space<vmem_shared>>) offsets(%arg6 : memref<40xi32, #tpu.memory_space<vmem>>) semaphore(%run_scoped3A : memref<!tpu.dma_semaphore, #tpu.memory_space<semaphore_mem>>) {add = true}
        %dma_wait3A_32 = arith.constant 0 : i32
        %dma_wait3A_33 = arith.constant 0 : i32
        %dma_wait3A_34 = tpu.memref_slice %arg8[%dma_wait3A_32, %dma_wait3A_33] : memref<10112x128xf32, #tpu.memory_space<vmem_shared>> -> memref<10112x128xf32, #tpu.memory_space<vmem_shared>>
        tpu.wait_indirect_dma semaphore(%run_scoped3A : memref<!tpu.dma_semaphore, #tpu.memory_space<semaphore_mem>>) src(%arg7 : memref<40x128xf32, #tpu.memory_space<vmem>>) dst(%dma_wait3A_34 : memref<10112x128xf32, #tpu.memory_space<vmem_shared>>)
        tpu.yield
      }) : () -> ()
    }
    %scan3A_9 = arith.constant 125 : i32
    %barrier3A_10 = arith.constant 0 : index
    tpu.barrier barrier_id(%barrier3A_10)
    %mul3A_11 = arith.constant 632 : i32
    %mul3A_12 = arith.muli %arg1, %mul3A_11 : i32
    %mul3A_13 = arith.constant 632 : i32
    %mul3A_14 = arith.muli %arg1, %mul3A_13 : i32
    "tpu.region"() ({
      %run_scoped3A = tpu.sem_alloc : memref<!tpu.dma_semaphore, #tpu.memory_space<semaphore_mem>>
      %dma_start3A = arith.constant 0 : i32
      %dma_start3A_15 = tpu.memref_slice %arg5[%arg0, %mul3A_14, %dma_start3A] : memref<2x10112x128xf32, #tpu.memory_space<hbm>> -> memref<1x632x128xf32, #tpu.memory_space<hbm>>
      %dma_start3A_16 = tpu.memref_squeeze %dma_start3A_15 : memref<1x632x128xf32, #tpu.memory_space<hbm>> -> memref<632x128xf32, #tpu.memory_space<hbm>>
      %dma_start3A_17 = arith.constant 0 : i32
      %dma_start3A_18 = tpu.memref_slice %arg8[%mul3A_12, %dma_start3A_17] : memref<10112x128xf32, #tpu.memory_space<vmem_shared>> -> memref<632x128xf32, #tpu.memory_space<vmem_shared>>
      tpu.enqueue_dma source(%dma_start3A_18 : memref<632x128xf32, #tpu.memory_space<vmem_shared>>) target(%dma_start3A_16 : memref<632x128xf32, #tpu.memory_space<hbm>>) target_semaphore(%run_scoped3A : memref<!tpu.dma_semaphore, #tpu.memory_space<semaphore_mem>>)
      %dma_wait3A = arith.constant 0 : i32
      %dma_wait3A_19 = tpu.memref_slice %arg5[%arg0, %mul3A_14, %dma_wait3A] : memref<2x10112x128xf32, #tpu.memory_space<hbm>> -> memref<1x632x128xf32, #tpu.memory_space<hbm>>
      %dma_wait3A_20 = tpu.memref_squeeze %dma_wait3A_19 : memref<1x632x128xf32, #tpu.memory_space<hbm>> -> memref<632x128xf32, #tpu.memory_space<hbm>>
      %dma_wait3A_21 = arith.constant 0 : i32
      %dma_wait3A_22 = tpu.memref_slice %arg8[%mul3A_12, %dma_wait3A_21] : memref<10112x128xf32, #tpu.memory_space<vmem_shared>> -> memref<632x128xf32, #tpu.memory_space<vmem_shared>>
      tpu.wait_dma2 semaphore(%run_scoped3A : memref<!tpu.dma_semaphore, #tpu.memory_space<semaphore_mem>>) src(%dma_wait3A_22 : memref<632x128xf32, #tpu.memory_space<vmem_shared>>) dst(%dma_wait3A_20 : memref<632x128xf32, #tpu.memory_space<hbm>>)
      tpu.yield
    }) : () -> ()
    return
  }
}

#map = affine_map<(d0, d1) -> (0, 0)>
#map1 = affine_map<(d0, d1) -> (0)>
module attributes {stable_mosaic.version = 14 : i64} {
  func.func @k(%arg0: i32, %arg1: i32, %arg2: memref<10000x256xf32, #tpu.memory_space<hbm>>, %arg3: memref<160000xi32, #tpu.memory_space<hbm>>, %arg4: memref<160000x256xf32, #tpu.memory_space<hbm>>, %arg5: memref<40xi32, #tpu.memory_space<vmem>>, %arg6: memref<40x256xf32, #tpu.memory_space<vmem>>, %arg7: memref<!tpu.dma_semaphore, #tpu.memory_space<semaphore_mem>>) attributes {dimension_semantics = [#tpu.dimension_semantics<core_parallel>, #tpu.dimension_semantics<subcore_parallel>], iteration_bounds = array<i64: 2, 16>, scalar_prefetch = 0 : i64, scratch_operands = 3 : i64, tpu.core_type = #tpu.core_type<sc_vector_subcore>, window_params = [{transform_indices = #map}, {transform_indices = #map1}, {transform_indices = #map}]} {
    %mul3A = arith.constant 2 : i32
    %mul3A_0 = arith.muli %arg1, %mul3A : i32
    %add3A = arith.addi %mul3A_0, %arg0 : i32
    %mul3A_1 = arith.constant 5000 : i32
    %mul3A_2 = arith.muli %add3A, %mul3A_1 : i32
    %scan3A = arith.constant 0 : i32
    %scan3A_3 = arith.constant 0 : i32
    %scan3A_4 = arith.constant 125 : i32
    %scan3A_5 = arith.addi %scan3A_3, %scan3A_4 : i32
    %scan3A_6 = arith.constant 1 : i32
    scf.for %scan3A_8 = %scan3A_3 to %scan3A_5 step %scan3A_6  : i32 {
      %mul3A_9 = arith.constant 40 : i32
      %mul3A_10 = arith.muli %scan3A_8, %mul3A_9 : i32
      %add3A_11 = arith.addi %mul3A_2, %mul3A_10 : i32
      "tpu.region"() ({
        %run_scoped3A = tpu.sem_alloc : memref<!tpu.dma_semaphore, #tpu.memory_space<semaphore_mem>>
        %dma_start3A_16 = tpu.memref_slice %arg3[%add3A_11] : memref<160000xi32, #tpu.memory_space<hbm>> -> memref<40xi32, #tpu.memory_space<hbm>>
        %dma_start3A_17 = tpu.memref_slice %arg3[%add3A_11] : memref<160000xi32, #tpu.memory_space<hbm>> -> memref<40xi32, #tpu.memory_space<hbm>>
        tpu.enqueue_dma source(%dma_start3A_17 : memref<40xi32, #tpu.memory_space<hbm>>) target(%arg5 : memref<40xi32, #tpu.memory_space<vmem>>) target_semaphore(%run_scoped3A : memref<!tpu.dma_semaphore, #tpu.memory_space<semaphore_mem>>)
        %dma_wait3A_18 = tpu.memref_slice %arg3[%add3A_11] : memref<160000xi32, #tpu.memory_space<hbm>> -> memref<40xi32, #tpu.memory_space<hbm>>
        %dma_wait3A_19 = tpu.memref_slice %arg3[%add3A_11] : memref<160000xi32, #tpu.memory_space<hbm>> -> memref<40xi32, #tpu.memory_space<hbm>>
        tpu.wait_dma2 semaphore(%run_scoped3A : memref<!tpu.dma_semaphore, #tpu.memory_space<semaphore_mem>>) src(%dma_wait3A_19 : memref<40xi32, #tpu.memory_space<hbm>>) dst(%arg5 : memref<40xi32, #tpu.memory_space<vmem>>)
        tpu.yield
      }) : () -> ()
      %dma_start3A = arith.constant 0 : i32
      %dma_start3A_12 = arith.constant 0 : i32
      %dma_start3A_13 = tpu.memref_slice %arg2[%dma_start3A, %dma_start3A_12] : memref<10000x256xf32, #tpu.memory_space<hbm>> -> memref<10000x256xf32, #tpu.memory_space<hbm>>
      tpu.enqueue_indirect_dma source(%dma_start3A_13 : memref<10000x256xf32, #tpu.memory_space<hbm>>) target(%arg6 : memref<40x256xf32, #tpu.memory_space<vmem>>) offsets(%arg5 : memref<40xi32, #tpu.memory_space<vmem>>) semaphore(%arg7 : memref<!tpu.dma_semaphore, #tpu.memory_space<semaphore_mem>>)
      %dma_wait3A = arith.constant 0 : i32
      %dma_wait3A_14 = arith.constant 0 : i32
      %dma_wait3A_15 = tpu.memref_slice %arg2[%dma_wait3A, %dma_wait3A_14] : memref<10000x256xf32, #tpu.memory_space<hbm>> -> memref<10000x256xf32, #tpu.memory_space<hbm>>
      tpu.wait_indirect_dma semaphore(%arg7 : memref<!tpu.dma_semaphore, #tpu.memory_space<semaphore_mem>>) src(%dma_wait3A_15 : memref<10000x256xf32, #tpu.memory_space<hbm>>) dst(%arg6 : memref<40x256xf32, #tpu.memory_space<vmem>>)
      "tpu.region"() ({
        %run_scoped3A = tpu.sem_alloc : memref<!tpu.dma_semaphore, #tpu.memory_space<semaphore_mem>>
        %dma_start3A_16 = arith.constant 0 : i32
        %dma_start3A_17 = tpu.memref_slice %arg4[%add3A_11, %dma_start3A_16] : memref<160000x256xf32, #tpu.memory_space<hbm>> -> memref<40x256xf32, #tpu.memory_space<hbm>>
        %dma_start3A_18 = arith.constant 0 : i32
        %dma_start3A_19 = tpu.memref_slice %arg4[%add3A_11, %dma_start3A_18] : memref<160000x256xf32, #tpu.memory_space<hbm>> -> memref<40x256xf32, #tpu.memory_space<hbm>>
        tpu.enqueue_dma source(%arg6 : memref<40x256xf32, #tpu.memory_space<vmem>>) target(%dma_start3A_19 : memref<40x256xf32, #tpu.memory_space<hbm>>) target_semaphore(%run_scoped3A : memref<!tpu.dma_semaphore, #tpu.memory_space<semaphore_mem>>)
        %dma_wait3A_20 = arith.constant 0 : i32
        %dma_wait3A_21 = tpu.memref_slice %arg4[%add3A_11, %dma_wait3A_20] : memref<160000x256xf32, #tpu.memory_space<hbm>> -> memref<40x256xf32, #tpu.memory_space<hbm>>
        %dma_wait3A_22 = arith.constant 0 : i32
        %dma_wait3A_23 = tpu.memref_slice %arg4[%add3A_11, %dma_wait3A_22] : memref<160000x256xf32, #tpu.memory_space<hbm>> -> memref<40x256xf32, #tpu.memory_space<hbm>>
        tpu.wait_dma2 semaphore(%run_scoped3A : memref<!tpu.dma_semaphore, #tpu.memory_space<semaphore_mem>>) src(%arg6 : memref<40x256xf32, #tpu.memory_space<vmem>>) dst(%dma_wait3A_23 : memref<40x256xf32, #tpu.memory_space<hbm>>)
        tpu.yield
      }) : () -> ()
    }
    %scan3A_7 = arith.constant 125 : i32
    return
  }
}

#map = affine_map<(d0, d1) -> (0, 0)>
#map1 = affine_map<(d0, d1) -> (0)>
#map2 = affine_map<(d0, d1) -> (0, 0, 0)>
module attributes {stable_mosaic.version = 14 : i64} {
  func.func @k(%arg0: i32, %arg1: i32, %arg2: memref<160000x128xf32, #tpu.memory_space<hbm>>, %arg3: memref<160000xi32, #tpu.memory_space<hbm>>, %arg4: memref<632x128xf32, #tpu.memory_space<hbm>>, %arg5: memref<2x10112x128xf32, #tpu.memory_space<hbm>>, %arg6: memref<40xi32, #tpu.memory_space<vmem>>, %arg7: memref<40x128xf32, #tpu.memory_space<vmem>>, %arg8: memref<10112x128xf32, #tpu.memory_space<vmem_shared>>, %arg9: memref<!tpu.dma_semaphore, #tpu.memory_space<semaphore_mem>>, %arg10: memref<!tpu.dma_semaphore, #tpu.memory_space<semaphore_mem>>) attributes {dimension_semantics = [#tpu.dimension_semantics<core_parallel>, #tpu.dimension_semantics<subcore_parallel>], iteration_bounds = array<i64: 2, 16>, scalar_prefetch = 0 : i64, scratch_operands = 5 : i64, tpu.core_type = #tpu.core_type<sc_vector_subcore>, window_params = [{transform_indices = #map}, {transform_indices = #map1}, {transform_indices = #map}, {transform_indices = #map2}]} {
    %mul3A = arith.constant 632 : i32
    %mul3A_0 = arith.muli %arg1, %mul3A : i32
    "tpu.region"() ({
      %run_scoped3A = tpu.sem_alloc : memref<!tpu.dma_semaphore, #tpu.memory_space<semaphore_mem>>
      %dma_start3A = arith.constant 0 : i32
      %dma_start3A_15 = tpu.memref_slice %arg8[%mul3A_0, %dma_start3A] : memref<10112x128xf32, #tpu.memory_space<vmem_shared>> -> memref<632x128xf32, #tpu.memory_space<vmem_shared>>
      tpu.enqueue_dma source(%arg4 : memref<632x128xf32, #tpu.memory_space<hbm>>) target(%dma_start3A_15 : memref<632x128xf32, #tpu.memory_space<vmem_shared>>) target_semaphore(%run_scoped3A : memref<!tpu.dma_semaphore, #tpu.memory_space<semaphore_mem>>)
      %dma_wait3A = arith.constant 0 : i32
      %dma_wait3A_16 = tpu.memref_slice %arg8[%mul3A_0, %dma_wait3A] : memref<10112x128xf32, #tpu.memory_space<vmem_shared>> -> memref<632x128xf32, #tpu.memory_space<vmem_shared>>
      tpu.wait_dma2 semaphore(%run_scoped3A : memref<!tpu.dma_semaphore, #tpu.memory_space<semaphore_mem>>) src(%arg4 : memref<632x128xf32, #tpu.memory_space<hbm>>) dst(%dma_wait3A_16 : memref<632x128xf32, #tpu.memory_space<vmem_shared>>)
      tpu.yield
    }) : () -> ()
    %barrier3A = arith.constant 0 : index
    tpu.barrier barrier_id(%barrier3A)
    %mul3A_1 = arith.constant 2 : i32
    %mul3A_2 = arith.muli %arg1, %mul3A_1 : i32
    %add3A = arith.addi %mul3A_2, %arg0 : i32
    %mul3A_3 = arith.constant 5000 : i32
    %mul3A_4 = arith.muli %add3A, %mul3A_3 : i32
    %scan3A = arith.constant 0 : i32
    %scan3A_5 = arith.constant 0 : i32
    %scan3A_6 = arith.constant 125 : i32
    %scan3A_7 = arith.addi %scan3A_5, %scan3A_6 : i32
    %scan3A_8 = arith.constant 1 : i32
    scf.for %scan3A_15 = %scan3A_5 to %scan3A_7 step %scan3A_8  : i32 {
      %mul3A_16 = arith.constant 40 : i32
      %mul3A_17 = arith.muli %scan3A_15, %mul3A_16 : i32
      %add3A_18 = arith.addi %mul3A_4, %mul3A_17 : i32
      %dma_start3A = tpu.memref_slice %arg3[%add3A_18] : memref<160000xi32, #tpu.memory_space<hbm>> -> memref<40xi32, #tpu.memory_space<hbm>>
      %dma_start3A_19 = tpu.memref_slice %arg3[%add3A_18] : memref<160000xi32, #tpu.memory_space<hbm>> -> memref<40xi32, #tpu.memory_space<hbm>>
      tpu.enqueue_dma source(%dma_start3A_19 : memref<40xi32, #tpu.memory_space<hbm>>) target(%arg6 : memref<40xi32, #tpu.memory_space<vmem>>) target_semaphore(%arg9 : memref<!tpu.dma_semaphore, #tpu.memory_space<semaphore_mem>>)
      %dma_start3A_20 = arith.constant 0 : i32
      %dma_start3A_21 = tpu.memref_slice %arg2[%add3A_18, %dma_start3A_20] : memref<160000x128xf32, #tpu.memory_space<hbm>> -> memref<40x128xf32, #tpu.memory_space<hbm>>
      %dma_start3A_22 = arith.constant 0 : i32
      %dma_start3A_23 = tpu.memref_slice %arg2[%add3A_18, %dma_start3A_22] : memref<160000x128xf32, #tpu.memory_space<hbm>> -> memref<40x128xf32, #tpu.memory_space<hbm>>
      tpu.enqueue_dma source(%dma_start3A_23 : memref<40x128xf32, #tpu.memory_space<hbm>>) target(%arg7 : memref<40x128xf32, #tpu.memory_space<vmem>>) target_semaphore(%arg10 : memref<!tpu.dma_semaphore, #tpu.memory_space<semaphore_mem>>)
      %dma_wait3A = tpu.memref_slice %arg3[%add3A_18] : memref<160000xi32, #tpu.memory_space<hbm>> -> memref<40xi32, #tpu.memory_space<hbm>>
      %dma_wait3A_24 = tpu.memref_slice %arg3[%add3A_18] : memref<160000xi32, #tpu.memory_space<hbm>> -> memref<40xi32, #tpu.memory_space<hbm>>
      tpu.wait_dma2 semaphore(%arg9 : memref<!tpu.dma_semaphore, #tpu.memory_space<semaphore_mem>>) src(%dma_wait3A_24 : memref<40xi32, #tpu.memory_space<hbm>>) dst(%arg6 : memref<40xi32, #tpu.memory_space<vmem>>)
      %dma_wait3A_25 = arith.constant 0 : i32
      %dma_wait3A_26 = tpu.memref_slice %arg2[%add3A_18, %dma_wait3A_25] : memref<160000x128xf32, #tpu.memory_space<hbm>> -> memref<40x128xf32, #tpu.memory_space<hbm>>
      %dma_wait3A_27 = arith.constant 0 : i32
      %dma_wait3A_28 = tpu.memref_slice %arg2[%add3A_18, %dma_wait3A_27] : memref<160000x128xf32, #tpu.memory_space<hbm>> -> memref<40x128xf32, #tpu.memory_space<hbm>>
      tpu.wait_dma2 semaphore(%arg10 : memref<!tpu.dma_semaphore, #tpu.memory_space<semaphore_mem>>) src(%dma_wait3A_28 : memref<40x128xf32, #tpu.memory_space<hbm>>) dst(%arg7 : memref<40x128xf32, #tpu.memory_space<vmem>>)
      "tpu.region"() ({
        %run_scoped3A = tpu.sem_alloc : memref<!tpu.dma_semaphore, #tpu.memory_space<semaphore_mem>>
        %dma_start3A_29 = arith.constant 0 : i32
        %dma_start3A_30 = arith.constant 0 : i32
        %dma_start3A_31 = tpu.memref_slice %arg8[%dma_start3A_29, %dma_start3A_30] : memref<10112x128xf32, #tpu.memory_space<vmem_shared>> -> memref<10112x128xf32, #tpu.memory_space<vmem_shared>>
        tpu.enqueue_indirect_dma source(%arg7 : memref<40x128xf32, #tpu.memory_space<vmem>>) target(%dma_start3A_31 : memref<10112x128xf32, #tpu.memory_space<vmem_shared>>) offsets(%arg6 : memref<40xi32, #tpu.memory_space<vmem>>) semaphore(%run_scoped3A : memref<!tpu.dma_semaphore, #tpu.memory_space<semaphore_mem>>) {add = true}
        %dma_wait3A_32 = arith.constant 0 : i32
        %dma_wait3A_33 = arith.constant 0 : i32
        %dma_wait3A_34 = tpu.memref_slice %arg8[%dma_wait3A_32, %dma_wait3A_33] : memref<10112x128xf32, #tpu.memory_space<vmem_shared>> -> memref<10112x128xf32, #tpu.memory_space<vmem_shared>>
        tpu.wait_indirect_dma semaphore(%run_scoped3A : memref<!tpu.dma_semaphore, #tpu.memory_space<semaphore_mem>>) src(%arg7 : memref<40x128xf32, #tpu.memory_space<vmem>>) dst(%dma_wait3A_34 : memref<10112x128xf32, #tpu.memory_space<vmem_shared>>)
        tpu.yield
      }) : () -> ()
    }
    %scan3A_9 = arith.constant 125 : i32
    %barrier3A_10 = arith.constant 0 : index
    tpu.barrier barrier_id(%barrier3A_10)
    %mul3A_11 = arith.constant 632 : i32
    %mul3A_12 = arith.muli %arg1, %mul3A_11 : i32
    %mul3A_13 = arith.constant 632 : i32
    %mul3A_14 = arith.muli %arg1, %mul3A_13 : i32
    "tpu.region"() ({
      %run_scoped3A = tpu.sem_alloc : memref<!tpu.dma_semaphore, #tpu.memory_space<semaphore_mem>>
      %dma_start3A = arith.constant 0 : i32
      %dma_start3A_15 = tpu.memref_slice %arg5[%arg0, %mul3A_14, %dma_start3A] : memref<2x10112x128xf32, #tpu.memory_space<hbm>> -> memref<1x632x128xf32, #tpu.memory_space<hbm>>
      %dma_start3A_16 = tpu.memref_squeeze %dma_start3A_15 : memref<1x632x128xf32, #tpu.memory_space<hbm>> -> memref<632x128xf32, #tpu.memory_space<hbm>>
      %dma_start3A_17 = arith.constant 0 : i32
      %dma_start3A_18 = tpu.memref_slice %arg8[%mul3A_12, %dma_start3A_17] : memref<10112x128xf32, #tpu.memory_space<vmem_shared>> -> memref<632x128xf32, #tpu.memory_space<vmem_shared>>
      tpu.enqueue_dma source(%dma_start3A_18 : memref<632x128xf32, #tpu.memory_space<vmem_shared>>) target(%dma_start3A_16 : memref<632x128xf32, #tpu.memory_space<hbm>>) target_semaphore(%run_scoped3A : memref<!tpu.dma_semaphore, #tpu.memory_space<semaphore_mem>>)
      %dma_wait3A = arith.constant 0 : i32
      %dma_wait3A_19 = tpu.memref_slice %arg5[%arg0, %mul3A_14, %dma_wait3A] : memref<2x10112x128xf32, #tpu.memory_space<hbm>> -> memref<1x632x128xf32, #tpu.memory_space<hbm>>
      %dma_wait3A_20 = tpu.memref_squeeze %dma_wait3A_19 : memref<1x632x128xf32, #tpu.memory_space<hbm>> -> memref<632x128xf32, #tpu.memory_space<hbm>>
      %dma_wait3A_21 = arith.constant 0 : i32
      %dma_wait3A_22 = tpu.memref_slice %arg8[%mul3A_12, %dma_wait3A_21] : memref<10112x128xf32, #tpu.memory_space<vmem_shared>> -> memref<632x128xf32, #tpu.memory_space<vmem_shared>>
      tpu.wait_dma2 semaphore(%run_scoped3A : memref<!tpu.dma_semaphore, #tpu.memory_space<semaphore_mem>>) src(%dma_wait3A_22 : memref<632x128xf32, #tpu.memory_space<vmem_shared>>) dst(%dma_wait3A_20 : memref<632x128xf32, #tpu.memory_space<hbm>>)
      tpu.yield
    }) : () -> ()
    return
  }
}

#map = affine_map<(d0, d1) -> (0, 0)>
#map1 = affine_map<(d0, d1) -> (0)>
#map2 = affine_map<(d0, d1) -> (0, 0, 0)>
module attributes {stable_mosaic.version = 14 : i64} {
  func.func @k(%arg0: i32, %arg1: i32, %arg2: memref<160000x128xf32, #tpu.memory_space<hbm>>, %arg3: memref<160000xi32, #tpu.memory_space<hbm>>, %arg4: memref<632x128xf32, #tpu.memory_space<hbm>>, %arg5: memref<2x10112x128xf32, #tpu.memory_space<hbm>>, %arg6: memref<40xi32, #tpu.memory_space<vmem>>, %arg7: memref<40x128xf32, #tpu.memory_space<vmem>>, %arg8: memref<10112x128xf32, #tpu.memory_space<vmem_shared>>, %arg9: memref<!tpu.dma_semaphore, #tpu.memory_space<semaphore_mem>>, %arg10: memref<!tpu.dma_semaphore, #tpu.memory_space<semaphore_mem>>) attributes {dimension_semantics = [#tpu.dimension_semantics<core_parallel>, #tpu.dimension_semantics<subcore_parallel>], iteration_bounds = array<i64: 2, 16>, scalar_prefetch = 0 : i64, scratch_operands = 5 : i64, tpu.core_type = #tpu.core_type<sc_vector_subcore>, window_params = [{transform_indices = #map}, {transform_indices = #map1}, {transform_indices = #map}, {transform_indices = #map2}]} {
    %mul3A = arith.constant 632 : i32
    %mul3A_0 = arith.muli %arg1, %mul3A : i32
    "tpu.region"() ({
      %run_scoped3A = tpu.sem_alloc : memref<!tpu.dma_semaphore, #tpu.memory_space<semaphore_mem>>
      %dma_start3A = arith.constant 0 : i32
      %dma_start3A_15 = tpu.memref_slice %arg8[%mul3A_0, %dma_start3A] : memref<10112x128xf32, #tpu.memory_space<vmem_shared>> -> memref<632x128xf32, #tpu.memory_space<vmem_shared>>
      tpu.enqueue_dma source(%arg4 : memref<632x128xf32, #tpu.memory_space<hbm>>) target(%dma_start3A_15 : memref<632x128xf32, #tpu.memory_space<vmem_shared>>) target_semaphore(%run_scoped3A : memref<!tpu.dma_semaphore, #tpu.memory_space<semaphore_mem>>)
      %dma_wait3A = arith.constant 0 : i32
      %dma_wait3A_16 = tpu.memref_slice %arg8[%mul3A_0, %dma_wait3A] : memref<10112x128xf32, #tpu.memory_space<vmem_shared>> -> memref<632x128xf32, #tpu.memory_space<vmem_shared>>
      tpu.wait_dma2 semaphore(%run_scoped3A : memref<!tpu.dma_semaphore, #tpu.memory_space<semaphore_mem>>) src(%arg4 : memref<632x128xf32, #tpu.memory_space<hbm>>) dst(%dma_wait3A_16 : memref<632x128xf32, #tpu.memory_space<vmem_shared>>)
      tpu.yield
    }) : () -> ()
    %barrier3A = arith.constant 0 : index
    tpu.barrier barrier_id(%barrier3A)
    %mul3A_1 = arith.constant 2 : i32
    %mul3A_2 = arith.muli %arg1, %mul3A_1 : i32
    %add3A = arith.addi %mul3A_2, %arg0 : i32
    %mul3A_3 = arith.constant 5000 : i32
    %mul3A_4 = arith.muli %add3A, %mul3A_3 : i32
    %scan3A = arith.constant 0 : i32
    %scan3A_5 = arith.constant 0 : i32
    %scan3A_6 = arith.constant 125 : i32
    %scan3A_7 = arith.addi %scan3A_5, %scan3A_6 : i32
    %scan3A_8 = arith.constant 1 : i32
    scf.for %scan3A_15 = %scan3A_5 to %scan3A_7 step %scan3A_8  : i32 {
      %mul3A_16 = arith.constant 40 : i32
      %mul3A_17 = arith.muli %scan3A_15, %mul3A_16 : i32
      %add3A_18 = arith.addi %mul3A_4, %mul3A_17 : i32
      %dma_start3A = tpu.memref_slice %arg3[%add3A_18] : memref<160000xi32, #tpu.memory_space<hbm>> -> memref<40xi32, #tpu.memory_space<hbm>>
      %dma_start3A_19 = tpu.memref_slice %arg3[%add3A_18] : memref<160000xi32, #tpu.memory_space<hbm>> -> memref<40xi32, #tpu.memory_space<hbm>>
      tpu.enqueue_dma source(%dma_start3A_19 : memref<40xi32, #tpu.memory_space<hbm>>) target(%arg6 : memref<40xi32, #tpu.memory_space<vmem>>) target_semaphore(%arg9 : memref<!tpu.dma_semaphore, #tpu.memory_space<semaphore_mem>>)
      %dma_start3A_20 = arith.constant 0 : i32
      %dma_start3A_21 = tpu.memref_slice %arg2[%add3A_18, %dma_start3A_20] : memref<160000x128xf32, #tpu.memory_space<hbm>> -> memref<40x128xf32, #tpu.memory_space<hbm>>
      %dma_start3A_22 = arith.constant 0 : i32
      %dma_start3A_23 = tpu.memref_slice %arg2[%add3A_18, %dma_start3A_22] : memref<160000x128xf32, #tpu.memory_space<hbm>> -> memref<40x128xf32, #tpu.memory_space<hbm>>
      tpu.enqueue_dma source(%dma_start3A_23 : memref<40x128xf32, #tpu.memory_space<hbm>>) target(%arg7 : memref<40x128xf32, #tpu.memory_space<vmem>>) target_semaphore(%arg10 : memref<!tpu.dma_semaphore, #tpu.memory_space<semaphore_mem>>)
      %dma_wait3A = tpu.memref_slice %arg3[%add3A_18] : memref<160000xi32, #tpu.memory_space<hbm>> -> memref<40xi32, #tpu.memory_space<hbm>>
      %dma_wait3A_24 = tpu.memref_slice %arg3[%add3A_18] : memref<160000xi32, #tpu.memory_space<hbm>> -> memref<40xi32, #tpu.memory_space<hbm>>
      tpu.wait_dma2 semaphore(%arg9 : memref<!tpu.dma_semaphore, #tpu.memory_space<semaphore_mem>>) src(%dma_wait3A_24 : memref<40xi32, #tpu.memory_space<hbm>>) dst(%arg6 : memref<40xi32, #tpu.memory_space<vmem>>)
      %dma_wait3A_25 = arith.constant 0 : i32
      %dma_wait3A_26 = tpu.memref_slice %arg2[%add3A_18, %dma_wait3A_25] : memref<160000x128xf32, #tpu.memory_space<hbm>> -> memref<40x128xf32, #tpu.memory_space<hbm>>
      %dma_wait3A_27 = arith.constant 0 : i32
      %dma_wait3A_28 = tpu.memref_slice %arg2[%add3A_18, %dma_wait3A_27] : memref<160000x128xf32, #tpu.memory_space<hbm>> -> memref<40x128xf32, #tpu.memory_space<hbm>>
      tpu.wait_dma2 semaphore(%arg10 : memref<!tpu.dma_semaphore, #tpu.memory_space<semaphore_mem>>) src(%dma_wait3A_28 : memref<40x128xf32, #tpu.memory_space<hbm>>) dst(%arg7 : memref<40x128xf32, #tpu.memory_space<vmem>>)
      "tpu.region"() ({
        %run_scoped3A = tpu.sem_alloc : memref<!tpu.dma_semaphore, #tpu.memory_space<semaphore_mem>>
        %dma_start3A_29 = arith.constant 0 : i32
        %dma_start3A_30 = arith.constant 0 : i32
        %dma_start3A_31 = tpu.memref_slice %arg8[%dma_start3A_29, %dma_start3A_30] : memref<10112x128xf32, #tpu.memory_space<vmem_shared>> -> memref<10112x128xf32, #tpu.memory_space<vmem_shared>>
        tpu.enqueue_indirect_dma source(%arg7 : memref<40x128xf32, #tpu.memory_space<vmem>>) target(%dma_start3A_31 : memref<10112x128xf32, #tpu.memory_space<vmem_shared>>) offsets(%arg6 : memref<40xi32, #tpu.memory_space<vmem>>) semaphore(%run_scoped3A : memref<!tpu.dma_semaphore, #tpu.memory_space<semaphore_mem>>) {add = true}
        %dma_wait3A_32 = arith.constant 0 : i32
        %dma_wait3A_33 = arith.constant 0 : i32
        %dma_wait3A_34 = tpu.memref_slice %arg8[%dma_wait3A_32, %dma_wait3A_33] : memref<10112x128xf32, #tpu.memory_space<vmem_shared>> -> memref<10112x128xf32, #tpu.memory_space<vmem_shared>>
        tpu.wait_indirect_dma semaphore(%run_scoped3A : memref<!tpu.dma_semaphore, #tpu.memory_space<semaphore_mem>>) src(%arg7 : memref<40x128xf32, #tpu.memory_space<vmem>>) dst(%dma_wait3A_34 : memref<10112x128xf32, #tpu.memory_space<vmem_shared>>)
        tpu.yield
      }) : () -> ()
    }
    %scan3A_9 = arith.constant 125 : i32
    %barrier3A_10 = arith.constant 0 : index
    tpu.barrier barrier_id(%barrier3A_10)
    %mul3A_11 = arith.constant 632 : i32
    %mul3A_12 = arith.muli %arg1, %mul3A_11 : i32
    %mul3A_13 = arith.constant 632 : i32
    %mul3A_14 = arith.muli %arg1, %mul3A_13 : i32
    "tpu.region"() ({
      %run_scoped3A = tpu.sem_alloc : memref<!tpu.dma_semaphore, #tpu.memory_space<semaphore_mem>>
      %dma_start3A = arith.constant 0 : i32
      %dma_start3A_15 = tpu.memref_slice %arg5[%arg0, %mul3A_14, %dma_start3A] : memref<2x10112x128xf32, #tpu.memory_space<hbm>> -> memref<1x632x128xf32, #tpu.memory_space<hbm>>
      %dma_start3A_16 = tpu.memref_squeeze %dma_start3A_15 : memref<1x632x128xf32, #tpu.memory_space<hbm>> -> memref<632x128xf32, #tpu.memory_space<hbm>>
      %dma_start3A_17 = arith.constant 0 : i32
      %dma_start3A_18 = tpu.memref_slice %arg8[%mul3A_12, %dma_start3A_17] : memref<10112x128xf32, #tpu.memory_space<vmem_shared>> -> memref<632x128xf32, #tpu.memory_space<vmem_shared>>
      tpu.enqueue_dma source(%dma_start3A_18 : memref<632x128xf32, #tpu.memory_space<vmem_shared>>) target(%dma_start3A_16 : memref<632x128xf32, #tpu.memory_space<hbm>>) target_semaphore(%run_scoped3A : memref<!tpu.dma_semaphore, #tpu.memory_space<semaphore_mem>>)
      %dma_wait3A = arith.constant 0 : i32
      %dma_wait3A_19 = tpu.memref_slice %arg5[%arg0, %mul3A_14, %dma_wait3A] : memref<2x10112x128xf32, #tpu.memory_space<hbm>> -> memref<1x632x128xf32, #tpu.memory_space<hbm>>
      %dma_wait3A_20 = tpu.memref_squeeze %dma_wait3A_19 : memref<1x632x128xf32, #tpu.memory_space<hbm>> -> memref<632x128xf32, #tpu.memory_space<hbm>>
      %dma_wait3A_21 = arith.constant 0 : i32
      %dma_wait3A_22 = tpu.memref_slice %arg8[%mul3A_12, %dma_wait3A_21] : memref<10112x128xf32, #tpu.memory_space<vmem_shared>> -> memref<632x128xf32, #tpu.memory_space<vmem_shared>>
      tpu.wait_dma2 semaphore(%run_scoped3A : memref<!tpu.dma_semaphore, #tpu.memory_space<semaphore_mem>>) src(%dma_wait3A_22 : memref<632x128xf32, #tpu.memory_space<vmem_shared>>) dst(%dma_wait3A_20 : memref<632x128xf32, #tpu.memory_space<hbm>>)
      tpu.yield
    }) : () -> ()
    return
  }
}

#map = affine_map<(d0, d1) -> (0, 0)>
#map1 = affine_map<(d0, d1) -> (0)>
#map2 = affine_map<(d0, d1) -> (0, 0, 0)>
module attributes {stable_mosaic.version = 14 : i64} {
  func.func @k(%arg0: i32, %arg1: i32, %arg2: memref<160000x128xf32, #tpu.memory_space<hbm>>, %arg3: memref<160000xi32, #tpu.memory_space<hbm>>, %arg4: memref<632x128xf32, #tpu.memory_space<hbm>>, %arg5: memref<2x10112x128xf32, #tpu.memory_space<hbm>>, %arg6: memref<40xi32, #tpu.memory_space<vmem>>, %arg7: memref<40x128xf32, #tpu.memory_space<vmem>>, %arg8: memref<10112x128xf32, #tpu.memory_space<vmem_shared>>, %arg9: memref<!tpu.dma_semaphore, #tpu.memory_space<semaphore_mem>>, %arg10: memref<!tpu.dma_semaphore, #tpu.memory_space<semaphore_mem>>) attributes {dimension_semantics = [#tpu.dimension_semantics<core_parallel>, #tpu.dimension_semantics<subcore_parallel>], iteration_bounds = array<i64: 2, 16>, scalar_prefetch = 0 : i64, scratch_operands = 5 : i64, tpu.core_type = #tpu.core_type<sc_vector_subcore>, window_params = [{transform_indices = #map}, {transform_indices = #map1}, {transform_indices = #map}, {transform_indices = #map2}]} {
    %mul3A = arith.constant 632 : i32
    %mul3A_0 = arith.muli %arg1, %mul3A : i32
    "tpu.region"() ({
      %run_scoped3A = tpu.sem_alloc : memref<!tpu.dma_semaphore, #tpu.memory_space<semaphore_mem>>
      %dma_start3A = arith.constant 0 : i32
      %dma_start3A_15 = tpu.memref_slice %arg8[%mul3A_0, %dma_start3A] : memref<10112x128xf32, #tpu.memory_space<vmem_shared>> -> memref<632x128xf32, #tpu.memory_space<vmem_shared>>
      tpu.enqueue_dma source(%arg4 : memref<632x128xf32, #tpu.memory_space<hbm>>) target(%dma_start3A_15 : memref<632x128xf32, #tpu.memory_space<vmem_shared>>) target_semaphore(%run_scoped3A : memref<!tpu.dma_semaphore, #tpu.memory_space<semaphore_mem>>)
      %dma_wait3A = arith.constant 0 : i32
      %dma_wait3A_16 = tpu.memref_slice %arg8[%mul3A_0, %dma_wait3A] : memref<10112x128xf32, #tpu.memory_space<vmem_shared>> -> memref<632x128xf32, #tpu.memory_space<vmem_shared>>
      tpu.wait_dma2 semaphore(%run_scoped3A : memref<!tpu.dma_semaphore, #tpu.memory_space<semaphore_mem>>) src(%arg4 : memref<632x128xf32, #tpu.memory_space<hbm>>) dst(%dma_wait3A_16 : memref<632x128xf32, #tpu.memory_space<vmem_shared>>)
      tpu.yield
    }) : () -> ()
    %barrier3A = arith.constant 0 : index
    tpu.barrier barrier_id(%barrier3A)
    %mul3A_1 = arith.constant 2 : i32
    %mul3A_2 = arith.muli %arg1, %mul3A_1 : i32
    %add3A = arith.addi %mul3A_2, %arg0 : i32
    %mul3A_3 = arith.constant 5000 : i32
    %mul3A_4 = arith.muli %add3A, %mul3A_3 : i32
    %scan3A = arith.constant 0 : i32
    %scan3A_5 = arith.constant 0 : i32
    %scan3A_6 = arith.constant 125 : i32
    %scan3A_7 = arith.addi %scan3A_5, %scan3A_6 : i32
    %scan3A_8 = arith.constant 1 : i32
    scf.for %scan3A_15 = %scan3A_5 to %scan3A_7 step %scan3A_8  : i32 {
      %mul3A_16 = arith.constant 40 : i32
      %mul3A_17 = arith.muli %scan3A_15, %mul3A_16 : i32
      %add3A_18 = arith.addi %mul3A_4, %mul3A_17 : i32
      %dma_start3A = tpu.memref_slice %arg3[%add3A_18] : memref<160000xi32, #tpu.memory_space<hbm>> -> memref<40xi32, #tpu.memory_space<hbm>>
      %dma_start3A_19 = tpu.memref_slice %arg3[%add3A_18] : memref<160000xi32, #tpu.memory_space<hbm>> -> memref<40xi32, #tpu.memory_space<hbm>>
      tpu.enqueue_dma source(%dma_start3A_19 : memref<40xi32, #tpu.memory_space<hbm>>) target(%arg6 : memref<40xi32, #tpu.memory_space<vmem>>) target_semaphore(%arg9 : memref<!tpu.dma_semaphore, #tpu.memory_space<semaphore_mem>>)
      %dma_start3A_20 = arith.constant 0 : i32
      %dma_start3A_21 = tpu.memref_slice %arg2[%add3A_18, %dma_start3A_20] : memref<160000x128xf32, #tpu.memory_space<hbm>> -> memref<40x128xf32, #tpu.memory_space<hbm>>
      %dma_start3A_22 = arith.constant 0 : i32
      %dma_start3A_23 = tpu.memref_slice %arg2[%add3A_18, %dma_start3A_22] : memref<160000x128xf32, #tpu.memory_space<hbm>> -> memref<40x128xf32, #tpu.memory_space<hbm>>
      tpu.enqueue_dma source(%dma_start3A_23 : memref<40x128xf32, #tpu.memory_space<hbm>>) target(%arg7 : memref<40x128xf32, #tpu.memory_space<vmem>>) target_semaphore(%arg10 : memref<!tpu.dma_semaphore, #tpu.memory_space<semaphore_mem>>)
      %dma_wait3A = tpu.memref_slice %arg3[%add3A_18] : memref<160000xi32, #tpu.memory_space<hbm>> -> memref<40xi32, #tpu.memory_space<hbm>>
      %dma_wait3A_24 = tpu.memref_slice %arg3[%add3A_18] : memref<160000xi32, #tpu.memory_space<hbm>> -> memref<40xi32, #tpu.memory_space<hbm>>
      tpu.wait_dma2 semaphore(%arg9 : memref<!tpu.dma_semaphore, #tpu.memory_space<semaphore_mem>>) src(%dma_wait3A_24 : memref<40xi32, #tpu.memory_space<hbm>>) dst(%arg6 : memref<40xi32, #tpu.memory_space<vmem>>)
      %dma_wait3A_25 = arith.constant 0 : i32
      %dma_wait3A_26 = tpu.memref_slice %arg2[%add3A_18, %dma_wait3A_25] : memref<160000x128xf32, #tpu.memory_space<hbm>> -> memref<40x128xf32, #tpu.memory_space<hbm>>
      %dma_wait3A_27 = arith.constant 0 : i32
      %dma_wait3A_28 = tpu.memref_slice %arg2[%add3A_18, %dma_wait3A_27] : memref<160000x128xf32, #tpu.memory_space<hbm>> -> memref<40x128xf32, #tpu.memory_space<hbm>>
      tpu.wait_dma2 semaphore(%arg10 : memref<!tpu.dma_semaphore, #tpu.memory_space<semaphore_mem>>) src(%dma_wait3A_28 : memref<40x128xf32, #tpu.memory_space<hbm>>) dst(%arg7 : memref<40x128xf32, #tpu.memory_space<vmem>>)
      "tpu.region"() ({
        %run_scoped3A = tpu.sem_alloc : memref<!tpu.dma_semaphore, #tpu.memory_space<semaphore_mem>>
        %dma_start3A_29 = arith.constant 0 : i32
        %dma_start3A_30 = arith.constant 0 : i32
        %dma_start3A_31 = tpu.memref_slice %arg8[%dma_start3A_29, %dma_start3A_30] : memref<10112x128xf32, #tpu.memory_space<vmem_shared>> -> memref<10112x128xf32, #tpu.memory_space<vmem_shared>>
        tpu.enqueue_indirect_dma source(%arg7 : memref<40x128xf32, #tpu.memory_space<vmem>>) target(%dma_start3A_31 : memref<10112x128xf32, #tpu.memory_space<vmem_shared>>) offsets(%arg6 : memref<40xi32, #tpu.memory_space<vmem>>) semaphore(%run_scoped3A : memref<!tpu.dma_semaphore, #tpu.memory_space<semaphore_mem>>) {add = true}
        %dma_wait3A_32 = arith.constant 0 : i32
        %dma_wait3A_33 = arith.constant 0 : i32
        %dma_wait3A_34 = tpu.memref_slice %arg8[%dma_wait3A_32, %dma_wait3A_33] : memref<10112x128xf32, #tpu.memory_space<vmem_shared>> -> memref<10112x128xf32, #tpu.memory_space<vmem_shared>>
        tpu.wait_indirect_dma semaphore(%run_scoped3A : memref<!tpu.dma_semaphore, #tpu.memory_space<semaphore_mem>>) src(%arg7 : memref<40x128xf32, #tpu.memory_space<vmem>>) dst(%dma_wait3A_34 : memref<10112x128xf32, #tpu.memory_space<vmem_shared>>)
        tpu.yield
      }) : () -> ()
    }
    %scan3A_9 = arith.constant 125 : i32
    %barrier3A_10 = arith.constant 0 : index
    tpu.barrier barrier_id(%barrier3A_10)
    %mul3A_11 = arith.constant 632 : i32
    %mul3A_12 = arith.muli %arg1, %mul3A_11 : i32
    %mul3A_13 = arith.constant 632 : i32
    %mul3A_14 = arith.muli %arg1, %mul3A_13 : i32
    "tpu.region"() ({
      %run_scoped3A = tpu.sem_alloc : memref<!tpu.dma_semaphore, #tpu.memory_space<semaphore_mem>>
      %dma_start3A = arith.constant 0 : i32
      %dma_start3A_15 = tpu.memref_slice %arg5[%arg0, %mul3A_14, %dma_start3A] : memref<2x10112x128xf32, #tpu.memory_space<hbm>> -> memref<1x632x128xf32, #tpu.memory_space<hbm>>
      %dma_start3A_16 = tpu.memref_squeeze %dma_start3A_15 : memref<1x632x128xf32, #tpu.memory_space<hbm>> -> memref<632x128xf32, #tpu.memory_space<hbm>>
      %dma_start3A_17 = arith.constant 0 : i32
      %dma_start3A_18 = tpu.memref_slice %arg8[%mul3A_12, %dma_start3A_17] : memref<10112x128xf32, #tpu.memory_space<vmem_shared>> -> memref<632x128xf32, #tpu.memory_space<vmem_shared>>
      tpu.enqueue_dma source(%dma_start3A_18 : memref<632x128xf32, #tpu.memory_space<vmem_shared>>) target(%dma_start3A_16 : memref<632x128xf32, #tpu.memory_space<hbm>>) target_semaphore(%run_scoped3A : memref<!tpu.dma_semaphore, #tpu.memory_space<semaphore_mem>>)
      %dma_wait3A = arith.constant 0 : i32
      %dma_wait3A_19 = tpu.memref_slice %arg5[%arg0, %mul3A_14, %dma_wait3A] : memref<2x10112x128xf32, #tpu.memory_space<hbm>> -> memref<1x632x128xf32, #tpu.memory_space<hbm>>
      %dma_wait3A_20 = tpu.memref_squeeze %dma_wait3A_19 : memref<1x632x128xf32, #tpu.memory_space<hbm>> -> memref<632x128xf32, #tpu.memory_space<hbm>>
      %dma_wait3A_21 = arith.constant 0 : i32
      %dma_wait3A_22 = tpu.memref_slice %arg8[%mul3A_12, %dma_wait3A_21] : memref<10112x128xf32, #tpu.memory_space<vmem_shared>> -> memref<632x128xf32, #tpu.memory_space<vmem_shared>>
      tpu.wait_dma2 semaphore(%run_scoped3A : memref<!tpu.dma_semaphore, #tpu.memory_space<semaphore_mem>>) src(%dma_wait3A_22 : memref<632x128xf32, #tpu.memory_space<vmem_shared>>) dst(%dma_wait3A_20 : memref<632x128xf32, #tpu.memory_space<hbm>>)
      tpu.yield
    }) : () -> ()
    return
  }
}

module attributes {stable_mosaic.version = 14 : i64} {
  func.func @body(%arg0: memref<10000x128xf32, #tpu.memory_space<vmem>>, %arg1: memref<10000x16xf32, #tpu.memory_space<vmem>>, %arg2: memref<128x64xf32, #tpu.memory_space<vmem>>, %arg3: memref<128x64xf32, #tpu.memory_space<vmem>>, %arg4: memref<1x64xf32, #tpu.memory_space<vmem>>, %arg5: memref<16x64xf32, #tpu.memory_space<vmem>>, %arg6: memref<16x64xf32, #tpu.memory_space<vmem>>, %arg7: memref<1x64xf32, #tpu.memory_space<vmem>>, %arg8: memref<10000x64xf32, #tpu.memory_space<vmem>>, %arg9: memref<10000x64xf32, #tpu.memory_space<vmem>>, %arg10: memref<10000x64xf32, #tpu.memory_space<vmem>>, %arg11: memref<10000x64xf32, #tpu.memory_space<vmem>>) attributes {dimension_semantics = [], scalar_prefetch = 0 : i64, scratch_operands = 0 : i64, tpu.core_type = #tpu.core_type<tc>} {
    %get3A = arith.constant 0 : index
    %get3A_0 = arith.constant 0 : index
    %get3A_1 = vector.load %arg0[%get3A, %get3A_0] : memref<10000x128xf32, #tpu.memory_space<vmem>>, vector<10000x128xf32>
    %get3A_2 = arith.constant 0 : index
    %get3A_3 = arith.constant 0 : index
    %get3A_4 = vector.load %arg2[%get3A_2, %get3A_3] : memref<128x64xf32, #tpu.memory_space<vmem>>, vector<128x64xf32>
    %dot_general3A = arith.constant dense<0.000000e+00> : vector<10000x64xf32>
    %dot_general3A_5 = tpu.matmul %get3A_1, %get3A_4, %dot_general3A {dimension_numbers = #tpu.dot_dimension_numbers<[1], [0], [0], [1], [0, 0, 1, 1], [], []>, transpose_lhs_hint = false} : vector<10000x128xf32>, vector<128x64xf32>, vector<10000x64xf32> -> vector<10000x64xf32>
    %swap3A = arith.constant 0 : index
    %swap3A_6 = arith.constant 0 : index
    %swap3A_7 = vector.load %arg8[%swap3A, %swap3A_6] : memref<10000x64xf32, #tpu.memory_space<vmem>>, vector<10000x64xf32>
    tpu.vector_store %arg8[%swap3A, %swap3A_6], %dot_general3A_5 {strides = array<i32>} : memref<10000x64xf32, #tpu.memory_space<vmem>>, vector<10000x64xf32>,
    %get3A_8 = arith.constant 0 : index
    %get3A_9 = arith.constant 0 : index
    %get3A_10 = vector.load %arg0[%get3A_8, %get3A_9] : memref<10000x128xf32, #tpu.memory_space<vmem>>, vector<10000x128xf32>
    %get3A_11 = arith.constant 0 : index
    %get3A_12 = arith.constant 0 : index
    %get3A_13 = vector.load %arg3[%get3A_11, %get3A_12] : memref<128x64xf32, #tpu.memory_space<vmem>>, vector<128x64xf32>
    %dot_general3A_14 = arith.constant dense<0.000000e+00> : vector<10000x64xf32>
    %dot_general3A_15 = tpu.matmul %get3A_10, %get3A_13, %dot_general3A_14 {dimension_numbers = #tpu.dot_dimension_numbers<[1], [0], [0], [1], [0, 0, 1, 1], [], []>, transpose_lhs_hint = false} : vector<10000x128xf32>, vector<128x64xf32>, vector<10000x64xf32> -> vector<10000x64xf32>
    %get3A_16 = arith.constant 0 : index
    %get3A_17 = arith.constant 0 : index
    %get3A_18 = vector.load %arg4[%get3A_16, %get3A_17] : memref<1x64xf32, #tpu.memory_space<vmem>>, vector<1x64xf32>
    %add3A = vector.broadcast %get3A_18 : vector<1x64xf32> to vector<10000x64xf32>
    %add3A_19 = arith.addf %dot_general3A_15, %add3A : vector<10000x64xf32>
    %swap3A_20 = arith.constant 0 : index
    %swap3A_21 = arith.constant 0 : index
    %swap3A_22 = vector.load %arg9[%swap3A_20, %swap3A_21] : memref<10000x64xf32, #tpu.memory_space<vmem>>, vector<10000x64xf32>
    tpu.vector_store %arg9[%swap3A_20, %swap3A_21], %add3A_19 {strides = array<i32>} : memref<10000x64xf32, #tpu.memory_space<vmem>>, vector<10000x64xf32>,
    %get3A_23 = arith.constant 0 : index
    %get3A_24 = arith.constant 0 : index
    %get3A_25 = vector.load %arg1[%get3A_23, %get3A_24] : memref<10000x16xf32, #tpu.memory_space<vmem>>, vector<10000x16xf32>
    %get3A_26 = arith.constant 0 : index
    %get3A_27 = arith.constant 0 : index
    %get3A_28 = vector.load %arg5[%get3A_26, %get3A_27] : memref<16x64xf32, #tpu.memory_space<vmem>>, vector<16x64xf32>
    %dot_general3A_29 = arith.constant dense<0.000000e+00> : vector<10000x64xf32>
    %dot_general3A_30 = tpu.matmul %get3A_25, %get3A_28, %dot_general3A_29 {dimension_numbers = #tpu.dot_dimension_numbers<[1], [0], [0], [1], [0, 0, 1, 1], [], []>, transpose_lhs_hint = false} : vector<10000x16xf32>, vector<16x64xf32>, vector<10000x64xf32> -> vector<10000x64xf32>
    %swap3A_31 = arith.constant 0 : index
    %swap3A_32 = arith.constant 0 : index
    %swap3A_33 = vector.load %arg10[%swap3A_31, %swap3A_32] : memref<10000x64xf32, #tpu.memory_space<vmem>>, vector<10000x64xf32>
    tpu.vector_store %arg10[%swap3A_31, %swap3A_32], %dot_general3A_30 {strides = array<i32>} : memref<10000x64xf32, #tpu.memory_space<vmem>>, vector<10000x64xf32>,
    %get3A_34 = arith.constant 0 : index
    %get3A_35 = arith.constant 0 : index
    %get3A_36 = vector.load %arg1[%get3A_34, %get3A_35] : memref<10000x16xf32, #tpu.memory_space<vmem>>, vector<10000x16xf32>
    %get3A_37 = arith.constant 0 : index
    %get3A_38 = arith.constant 0 : index
    %get3A_39 = vector.load %arg6[%get3A_37, %get3A_38] : memref<16x64xf32, #tpu.memory_space<vmem>>, vector<16x64xf32>
    %dot_general3A_40 = arith.constant dense<0.000000e+00> : vector<10000x64xf32>
    %dot_general3A_41 = tpu.matmul %get3A_36, %get3A_39, %dot_general3A_40 {dimension_numbers = #tpu.dot_dimension_numbers<[1], [0], [0], [1], [0, 0, 1, 1], [], []>, transpose_lhs_hint = false} : vector<10000x16xf32>, vector<16x64xf32>, vector<10000x64xf32> -> vector<10000x64xf32>
    %get3A_42 = arith.constant 0 : index
    %get3A_43 = arith.constant 0 : index
    %get3A_44 = vector.load %arg7[%get3A_42, %get3A_43] : memref<1x64xf32, #tpu.memory_space<vmem>>, vector<1x64xf32>
    %add3A_45 = vector.broadcast %get3A_44 : vector<1x64xf32> to vector<10000x64xf32>
    %add3A_46 = arith.addf %dot_general3A_41, %add3A_45 : vector<10000x64xf32>
    %swap3A_47 = arith.constant 0 : index
    %swap3A_48 = arith.constant 0 : index
    %swap3A_49 = vector.load %arg11[%swap3A_47, %swap3A_48] : memref<10000x64xf32, #tpu.memory_space<vmem>>, vector<10000x64xf32>
    tpu.vector_store %arg11[%swap3A_47, %swap3A_48], %add3A_46 {strides = array<i32>} : memref<10000x64xf32, #tpu.memory_space<vmem>>, vector<10000x64xf32>,
    return
  }
}

module attributes {stable_mosaic.version = 14 : i64} {
  func.func @body(%arg0: i32, %arg1: memref<2000x256xf32, #tpu.memory_space<vmem>>, %arg2: memref<2000x128xf32, #tpu.memory_space<vmem>>, %arg3: memref<64x128xf32, #tpu.memory_space<vmem>>, %arg4: memref<64x128xf32, #tpu.memory_space<vmem>>, %arg5: memref<1x128xf32, #tpu.memory_space<vmem>>, %arg6: memref<2000x128xf32, #tpu.memory_space<vmem>>) attributes {dimension_semantics = [#tpu.dimension_semantics<arbitrary>], iteration_bounds = array<i64: 80>, scalar_prefetch = 0 : i64, scratch_operands = 0 : i64, tpu.core_type = #tpu.core_type<tc>, window_params = [{transform_indices = @transform_0, window_bounds = array<i64: 2000, 256>}, {transform_indices = @transform_1, window_bounds = array<i64: 2000, 128>}, {pipeline_mode = #tpu.pipeline_mode<synchronous>, transform_indices = @transform_2, window_bounds = array<i64: 64, 128>}, {pipeline_mode = #tpu.pipeline_mode<synchronous>, transform_indices = @transform_3, window_bounds = array<i64: 64, 128>}, {pipeline_mode = #tpu.pipeline_mode<synchronous>, transform_indices = @transform_4, window_bounds = array<i64: 1, 128>}, {transform_indices = @transform_5, window_bounds = array<i64: 2000, 128>}]} {
    %get3A = arith.constant 0 : index
    %get3A_0 = arith.constant 0 : index
    %get3A_1 = vector.load %arg1[%get3A, %get3A_0] : memref<2000x256xf32, #tpu.memory_space<vmem>>, vector<2000x64xf32>
    %get3A_2 = arith.constant 0 : index
    %get3A_3 = arith.constant 0 : index
    %get3A_4 = vector.load %arg2[%get3A_2, %get3A_3] : memref<2000x128xf32, #tpu.memory_space<vmem>>, vector<2000x64xf32>
    %add3A = arith.addf %get3A_1, %get3A_4 : vector<2000x64xf32>
    %max3A = arith.constant 0.000000e+00 : f32
    %max3A_5 = vector.broadcast %max3A : f32 to vector<2000x64xf32>
    %max3A_6 = arith.maximumf %add3A, %max3A_5 : vector<2000x64xf32>
    %get3A_7 = arith.constant 0 : index
    %get3A_8 = arith.constant 64 : index
    %get3A_9 = vector.load %arg1[%get3A_7, %get3A_8] : memref<2000x256xf32, #tpu.memory_space<vmem>>, vector<2000x64xf32>
    %get3A_10 = arith.constant 0 : index
    %get3A_11 = arith.constant 64 : index
    %get3A_12 = vector.load %arg2[%get3A_10, %get3A_11] : memref<2000x128xf32, #tpu.memory_space<vmem>>, vector<2000x64xf32>
    %add3A_13 = arith.addf %get3A_9, %get3A_12 : vector<2000x64xf32>
    %max3A_14 = arith.constant 0.000000e+00 : f32
    %max3A_15 = vector.broadcast %max3A_14 : f32 to vector<2000x64xf32>
    %max3A_16 = arith.maximumf %add3A_13, %max3A_15 : vector<2000x64xf32>
    %get3A_17 = arith.constant 0 : index
    %get3A_18 = arith.constant 0 : index
    %get3A_19 = vector.load %arg3[%get3A_17, %get3A_18] : memref<64x128xf32, #tpu.memory_space<vmem>>, vector<64x128xf32>
    %dot_general3A = arith.constant dense<0.000000e+00> : vector<2000x128xf32>
    %dot_general3A_20 = tpu.matmul %max3A_6, %get3A_19, %dot_general3A {dimension_numbers = #tpu.dot_dimension_numbers<[1], [0], [0], [1], [0, 0, 1, 1], [], []>, transpose_lhs_hint = false} : vector<2000x64xf32>, vector<64x128xf32>, vector<2000x128xf32> -> vector<2000x128xf32>
    %get3A_21 = arith.constant 0 : index
    %get3A_22 = arith.constant 0 : index
    %get3A_23 = vector.load %arg4[%get3A_21, %get3A_22] : memref<64x128xf32, #tpu.memory_space<vmem>>, vector<64x128xf32>
    %dot_general3A_24 = arith.constant dense<0.000000e+00> : vector<2000x128xf32>
    %dot_general3A_25 = tpu.matmul %max3A_16, %get3A_23, %dot_general3A_24 {dimension_numbers = #tpu.dot_dimension_numbers<[1], [0], [0], [1], [0, 0, 1, 1], [], []>, transpose_lhs_hint = false} : vector<2000x64xf32>, vector<64x128xf32>, vector<2000x128xf32> -> vector<2000x128xf32>
    %add3A_26 = arith.addf %dot_general3A_20, %dot_general3A_25 : vector<2000x128xf32>
    %get3A_27 = arith.constant 0 : index
    %get3A_28 = arith.constant 0 : index
    %get3A_29 = vector.load %arg5[%get3A_27, %get3A_28] : memref<1x128xf32, #tpu.memory_space<vmem>>, vector<1x128xf32>
    %add3A_30 = vector.broadcast %get3A_29 : vector<1x128xf32> to vector<2000x128xf32>
    %add3A_31 = arith.addf %add3A_26, %add3A_30 : vector<2000x128xf32>
    %ge3A = arith.constant 0.000000e+00 : f32
    %ge3A_32 = vector.broadcast %ge3A : f32 to vector<2000x128xf32>
    %ge3A_33 = arith.cmpf oge, %add3A_31, %ge3A_32 : vector<2000x128xf32>
    %mul3A = arith.constant 0.00999999977 : f32
    %mul3A_34 = vector.broadcast %mul3A : f32 to vector<2000x128xf32>
    %mul3A_35 = arith.mulf %mul3A_34, %add3A_31 : vector<2000x128xf32>
    %select_n3A = arith.select %ge3A_33, %add3A_31, %mul3A_35 : vector<2000x128xi1>, vector<2000x128xf32>
    %exp3A = math.exp %select_n3A : vector<2000x128xf32>
    %swap3A = arith.constant 0 : index
    %swap3A_36 = arith.constant 0 : index
    %swap3A_37 = vector.load %arg6[%swap3A, %swap3A_36] : memref<2000x128xf32, #tpu.memory_space<vmem>>, vector<2000x128xf32>
    tpu.vector_store %arg6[%swap3A, %swap3A_36], %exp3A {strides = array<i32>} : memref<2000x128xf32, #tpu.memory_space<vmem>>, vector<2000x128xf32>,
    return
  }
  func.func @transform_0(%arg0: i32) -> (i32, i32) {
    %c0_i32 = arith.constant 0 : i32
    %c0_i32_0 = arith.constant 0 : i32
    return %arg0, %c0_i32 : i32, i32
  }
  func.func @transform_1(%arg0: i32) -> (i32, i32) {
    %c0_i32 = arith.constant 0 : i32
    %c0_i32_0 = arith.constant 0 : i32
    return %arg0, %c0_i32 : i32, i32
  }
  func.func @transform_2(%arg0: i32) -> (i32, i32) {
    %c0_i32 = arith.constant 0 : i32
    %c0_i32_0 = arith.constant 0 : i32
    %c0_i32_1 = arith.constant 0 : i32
    return %c0_i32, %c0_i32_0 : i32, i32
  }
  func.func @transform_3(%arg0: i32) -> (i32, i32) {
    %c0_i32 = arith.constant 0 : i32
    %c0_i32_0 = arith.constant 0 : i32
    %c0_i32_1 = arith.constant 0 : i32
    return %c0_i32, %c0_i32_0 : i32, i32
  }
  func.func @transform_4(%arg0: i32) -> (i32, i32) {
    %c0_i32 = arith.constant 0 : i32
    %c0_i32_0 = arith.constant 0 : i32
    %c0_i32_1 = arith.constant 0 : i32
    return %c0_i32, %c0_i32_0 : i32, i32
  }
  func.func @transform_5(%arg0: i32) -> (i32, i32) {
    %c0_i32 = arith.constant 0 : i32
    %c0_i32_0 = arith.constant 0 : i32
    return %arg0, %c0_i32 : i32, i32
  }
}

module attributes {stable_mosaic.version = 14 : i64} {
  func.func @body(%arg0: i32, %arg1: memref<2000x256xf32, #tpu.memory_space<vmem>>, %arg2: memref<2000x128xf32, #tpu.memory_space<vmem>>, %arg3: memref<2000x128xf32, #tpu.memory_space<vmem>>, %arg4: memref<2000x128xf32, #tpu.memory_space<vmem>>, %arg5: memref<2000x128xf32, #tpu.memory_space<vmem>>, %arg6: memref<2000x128xf32, #tpu.memory_space<vmem>>) attributes {dimension_semantics = [#tpu.dimension_semantics<arbitrary>], iteration_bounds = array<i64: 80>, scalar_prefetch = 0 : i64, scratch_operands = 0 : i64, tpu.core_type = #tpu.core_type<tc>, window_params = [{transform_indices = @transform_0, window_bounds = array<i64: 2000, 256>}, {transform_indices = @transform_1, window_bounds = array<i64: 2000, 128>}, {transform_indices = @transform_2, window_bounds = array<i64: 2000, 128>}, {transform_indices = @transform_3, window_bounds = array<i64: 2000, 128>}, {transform_indices = @transform_4, window_bounds = array<i64: 2000, 128>}, {transform_indices = @transform_5, window_bounds = array<i64: 2000, 128>}]} {
    %get3A = arith.constant 0 : index
    %get3A_0 = arith.constant 128 : index
    %get3A_1 = vector.load %arg1[%get3A, %get3A_0] : memref<2000x256xf32, #tpu.memory_space<vmem>>, vector<2000x64xf32>
    %get3A_2 = arith.constant 0 : index
    %get3A_3 = arith.constant 0 : index
    %get3A_4 = vector.load %arg2[%get3A_2, %get3A_3] : memref<2000x128xf32, #tpu.memory_space<vmem>>, vector<2000x1xf32>
    %mul3A = vector.broadcast %get3A_4 : vector<2000x1xf32> to vector<2000x64xf32>
    %mul3A_5 = arith.mulf %get3A_1, %mul3A : vector<2000x64xf32>
    %get3A_6 = arith.constant 0 : index
    %get3A_7 = arith.constant 4 : index
    %get3A_8 = vector.load %arg2[%get3A_6, %get3A_7] : memref<2000x128xf32, #tpu.memory_space<vmem>>, vector<2000x1xf32>
    %mul3A_9 = vector.broadcast %get3A_8 : vector<2000x1xf32> to vector<2000x64xf32>
    %mul3A_10 = arith.mulf %get3A_1, %mul3A_9 : vector<2000x64xf32>
    %concatenate3A = tpu.concatenate %mul3A_5, %mul3A_10 in 1 : vector<2000x64xf32>, vector<2000x64xf32> -> vector<2000x128xf32>
    %swap3A = arith.constant 0 : index
    %swap3A_11 = arith.constant 0 : index
    %swap3A_12 = vector.load %arg3[%swap3A, %swap3A_11] : memref<2000x128xf32, #tpu.memory_space<vmem>>, vector<2000x128xf32>
    tpu.vector_store %arg3[%swap3A, %swap3A_11], %concatenate3A {strides = array<i32>} : memref<2000x128xf32, #tpu.memory_space<vmem>>, vector<2000x128xf32>,
    %get3A_13 = arith.constant 0 : index
    %get3A_14 = arith.constant 1 : index
    %get3A_15 = vector.load %arg2[%get3A_13, %get3A_14] : memref<2000x128xf32, #tpu.memory_space<vmem>>, vector<2000x1xf32>
    %mul3A_16 = vector.broadcast %get3A_15 : vector<2000x1xf32> to vector<2000x64xf32>
    %mul3A_17 = arith.mulf %get3A_1, %mul3A_16 : vector<2000x64xf32>
    %get3A_18 = arith.constant 0 : index
    %get3A_19 = arith.constant 5 : index
    %get3A_20 = vector.load %arg2[%get3A_18, %get3A_19] : memref<2000x128xf32, #tpu.memory_space<vmem>>, vector<2000x1xf32>
    %mul3A_21 = vector.broadcast %get3A_20 : vector<2000x1xf32> to vector<2000x64xf32>
    %mul3A_22 = arith.mulf %get3A_1, %mul3A_21 : vector<2000x64xf32>
    %concatenate3A_23 = tpu.concatenate %mul3A_17, %mul3A_22 in 1 : vector<2000x64xf32>, vector<2000x64xf32> -> vector<2000x128xf32>
    %swap3A_24 = arith.constant 0 : index
    %swap3A_25 = arith.constant 0 : index
    %swap3A_26 = vector.load %arg4[%swap3A_24, %swap3A_25] : memref<2000x128xf32, #tpu.memory_space<vmem>>, vector<2000x128xf32>
    tpu.vector_store %arg4[%swap3A_24, %swap3A_25], %concatenate3A_23 {strides = array<i32>} : memref<2000x128xf32, #tpu.memory_space<vmem>>, vector<2000x128xf32>,
    %get3A_27 = arith.constant 0 : index
    %get3A_28 = arith.constant 2 : index
    %get3A_29 = vector.load %arg2[%get3A_27, %get3A_28] : memref<2000x128xf32, #tpu.memory_space<vmem>>, vector<2000x1xf32>
    %mul3A_30 = vector.broadcast %get3A_29 : vector<2000x1xf32> to vector<2000x64xf32>
    %mul3A_31 = arith.mulf %get3A_1, %mul3A_30 : vector<2000x64xf32>
    %get3A_32 = arith.constant 0 : index
    %get3A_33 = arith.constant 6 : index
    %get3A_34 = vector.load %arg2[%get3A_32, %get3A_33] : memref<2000x128xf32, #tpu.memory_space<vmem>>, vector<2000x1xf32>
    %mul3A_35 = vector.broadcast %get3A_34 : vector<2000x1xf32> to vector<2000x64xf32>
    %mul3A_36 = arith.mulf %get3A_1, %mul3A_35 : vector<2000x64xf32>
    %concatenate3A_37 = tpu.concatenate %mul3A_31, %mul3A_36 in 1 : vector<2000x64xf32>, vector<2000x64xf32> -> vector<2000x128xf32>
    %swap3A_38 = arith.constant 0 : index
    %swap3A_39 = arith.constant 0 : index
    %swap3A_40 = vector.load %arg5[%swap3A_38, %swap3A_39] : memref<2000x128xf32, #tpu.memory_space<vmem>>, vector<2000x128xf32>
    tpu.vector_store %arg5[%swap3A_38, %swap3A_39], %concatenate3A_37 {strides = array<i32>} : memref<2000x128xf32, #tpu.memory_space<vmem>>, vector<2000x128xf32>,
    %get3A_41 = arith.constant 0 : index
    %get3A_42 = arith.constant 3 : index
    %get3A_43 = vector.load %arg2[%get3A_41, %get3A_42] : memref<2000x128xf32, #tpu.memory_space<vmem>>, vector<2000x1xf32>
    %mul3A_44 = vector.broadcast %get3A_43 : vector<2000x1xf32> to vector<2000x64xf32>
    %mul3A_45 = arith.mulf %get3A_1, %mul3A_44 : vector<2000x64xf32>
    %get3A_46 = arith.constant 0 : index
    %get3A_47 = arith.constant 7 : index
    %get3A_48 = vector.load %arg2[%get3A_46, %get3A_47] : memref<2000x128xf32, #tpu.memory_space<vmem>>, vector<2000x1xf32>
    %mul3A_49 = vector.broadcast %get3A_48 : vector<2000x1xf32> to vector<2000x64xf32>
    %mul3A_50 = arith.mulf %get3A_1, %mul3A_49 : vector<2000x64xf32>
    %concatenate3A_51 = tpu.concatenate %mul3A_45, %mul3A_50 in 1 : vector<2000x64xf32>, vector<2000x64xf32> -> vector<2000x128xf32>
    %swap3A_52 = arith.constant 0 : index
    %swap3A_53 = arith.constant 0 : index
    %swap3A_54 = vector.load %arg6[%swap3A_52, %swap3A_53] : memref<2000x128xf32, #tpu.memory_space<vmem>>, vector<2000x128xf32>
    tpu.vector_store %arg6[%swap3A_52, %swap3A_53], %concatenate3A_51 {strides = array<i32>} : memref<2000x128xf32, #tpu.memory_space<vmem>>, vector<2000x128xf32>,
    return
  }
  func.func @transform_0(%arg0: i32) -> (i32, i32) {
    %c0_i32 = arith.constant 0 : i32
    %c0_i32_0 = arith.constant 0 : i32
    return %arg0, %c0_i32 : i32, i32
  }
  func.func @transform_1(%arg0: i32) -> (i32, i32) {
    %c0_i32 = arith.constant 0 : i32
    %c0_i32_0 = arith.constant 0 : i32
    return %arg0, %c0_i32 : i32, i32
  }
  func.func @transform_2(%arg0: i32) -> (i32, i32) {
    %c0_i32 = arith.constant 0 : i32
    %c0_i32_0 = arith.constant 0 : i32
    return %arg0, %c0_i32 : i32, i32
  }
  func.func @transform_3(%arg0: i32) -> (i32, i32) {
    %c0_i32 = arith.constant 0 : i32
    %c0_i32_0 = arith.constant 0 : i32
    return %arg0, %c0_i32 : i32, i32
  }
  func.func @transform_4(%arg0: i32) -> (i32, i32) {
    %c0_i32 = arith.constant 0 : i32
    %c0_i32_0 = arith.constant 0 : i32
    return %arg0, %c0_i32 : i32, i32
  }
  func.func @transform_5(%arg0: i32) -> (i32, i32) {
    %c0_i32 = arith.constant 0 : i32
    %c0_i32_0 = arith.constant 0 : i32
    return %arg0, %c0_i32 : i32, i32
  }
}

module attributes {stable_mosaic.version = 14 : i64} {
  func.func @body(%arg0: i32, %arg1: memref<2x2000x128xf32, #tpu.memory_space<vmem>>, %arg2: memref<2x2000x128xf32, #tpu.memory_space<vmem>>, %arg3: memref<2x2000x128xf32, #tpu.memory_space<vmem>>, %arg4: memref<2x2000x128xf32, #tpu.memory_space<vmem>>, %arg5: memref<2x2000x128xf32, #tpu.memory_space<vmem>>, %arg6: memref<2000x128xf32, #tpu.memory_space<vmem>>, %arg7: memref<2000x128xf32, #tpu.memory_space<vmem>>, %arg8: memref<2000x128xf32, #tpu.memory_space<vmem>>, %arg9: memref<2000x128xf32, #tpu.memory_space<vmem>>) attributes {dimension_semantics = [#tpu.dimension_semantics<arbitrary>], iteration_bounds = array<i64: 5>, scalar_prefetch = 0 : i64, scratch_operands = 0 : i64, tpu.core_type = #tpu.core_type<tc>, window_params = [{transform_indices = @transform_0, window_bounds = array<i64: 2, 2000, 128>}, {transform_indices = @transform_1, window_bounds = array<i64: 2, 2000, 128>}, {transform_indices = @transform_2, window_bounds = array<i64: 2, 2000, 128>}, {transform_indices = @transform_3, window_bounds = array<i64: 2, 2000, 128>}, {transform_indices = @transform_4, window_bounds = array<i64: 2, 2000, 128>}, {transform_indices = @transform_5, window_bounds = array<i64: 2000, 128>}, {transform_indices = @transform_6, window_bounds = array<i64: 2000, 128>}, {transform_indices = @transform_7, window_bounds = array<i64: 2000, 128>}, {transform_indices = @transform_8, window_bounds = array<i64: 2000, 128>}]} {
    %get3A = arith.constant 0 : index
    %get3A_0 = arith.constant 0 : index
    %get3A_1 = arith.constant 0 : index
    %get3A_2 = vector.load %arg5[%get3A, %get3A_0, %get3A_1] : memref<2x2000x128xf32, #tpu.memory_space<vmem>>, vector<1x2000x128xf32>
    %get3A_3 = vector.shape_cast %get3A_2 : vector<1x2000x128xf32> to vector<2000x128xf32>
    %get3A_4 = arith.constant 1 : index
    %get3A_5 = arith.constant 0 : index
    %get3A_6 = arith.constant 0 : index
    %get3A_7 = vector.load %arg5[%get3A_4, %get3A_5, %get3A_6] : memref<2x2000x128xf32, #tpu.memory_space<vmem>>, vector<1x2000x128xf32>
    %get3A_8 = vector.shape_cast %get3A_7 : vector<1x2000x128xf32> to vector<2000x128xf32>
    %add3A = arith.addf %get3A_3, %get3A_8 : vector<2000x128xf32>
    %get3A_9 = arith.constant 0 : index
    %get3A_10 = arith.constant 0 : index
    %get3A_11 = arith.constant 0 : index
    %get3A_12 = vector.load %arg1[%get3A_9, %get3A_10, %get3A_11] : memref<2x2000x128xf32, #tpu.memory_space<vmem>>, vector<1x2000x128xf32>
    %get3A_13 = vector.shape_cast %get3A_12 : vector<1x2000x128xf32> to vector<2000x128xf32>
    %get3A_14 = arith.constant 1 : index
    %get3A_15 = arith.constant 0 : index
    %get3A_16 = arith.constant 0 : index
    %get3A_17 = vector.load %arg1[%get3A_14, %get3A_15, %get3A_16] : memref<2x2000x128xf32, #tpu.memory_space<vmem>>, vector<1x2000x128xf32>
    %get3A_18 = vector.shape_cast %get3A_17 : vector<1x2000x128xf32> to vector<2000x128xf32>
    %add3A_19 = arith.addf %get3A_13, %get3A_18 : vector<2000x128xf32>
    %slice3A = vector.extract_strided_slice %add3A {offsets = [0, 0], sizes = [2000, 1], strides = [1, 1]} : vector<2000x128xf32> to vector<2000x1xf32>
    %broadcast_in_dim3A = vector.shape_cast %slice3A : vector<2000x1xf32> to vector<2000x1xf32>
    %broadcast_in_dim3A_20 = vector.broadcast %broadcast_in_dim3A : vector<2000x1xf32> to vector<2000x64xf32>
    %slice3A_21 = vector.extract_strided_slice %add3A {offsets = [0, 4], sizes = [2000, 1], strides = [1, 1]} : vector<2000x128xf32> to vector<2000x1xf32>
    %broadcast_in_dim3A_22 = vector.shape_cast %slice3A_21 : vector<2000x1xf32> to vector<2000x1xf32>
    %broadcast_in_dim3A_23 = vector.broadcast %broadcast_in_dim3A_22 : vector<2000x1xf32> to vector<2000x64xf32>
    %concatenate3A = tpu.concatenate %broadcast_in_dim3A_20, %broadcast_in_dim3A_23 in 1 : vector<2000x64xf32>, vector<2000x64xf32> -> vector<2000x128xf32>
    %gt3A = arith.constant 0.000000e+00 : f32
    %gt3A_24 = vector.broadcast %gt3A : f32 to vector<2000x128xf32>
    %gt3A_25 = arith.cmpf ogt, %concatenate3A, %gt3A_24 : vector<2000x128xf32>
    %div3A = arith.divf %add3A_19, %concatenate3A : vector<2000x128xf32>
    %jit3A = arith.constant 0.000000e+00 : f32
    %broadcast_in_dim3A_26 = vector.broadcast %jit3A : f32 to vector<2000x128xf32>
    %select_n3A = arith.select %gt3A_25, %div3A, %broadcast_in_dim3A_26 : vector<2000x128xi1>, vector<2000x128xf32>
    %swap3A = arith.constant 0 : index
    %swap3A_27 = arith.constant 0 : index
    %swap3A_28 = vector.load %arg6[%swap3A, %swap3A_27] : memref<2000x128xf32, #tpu.memory_space<vmem>>, vector<2000x128xf32>
    tpu.vector_store %arg6[%swap3A, %swap3A_27], %select_n3A {strides = array<i32>} : memref<2000x128xf32, #tpu.memory_space<vmem>>, vector<2000x128xf32>,
    %get3A_29 = arith.constant 0 : index
    %get3A_30 = arith.constant 0 : index
    %get3A_31 = arith.constant 0 : index
    %get3A_32 = vector.load %arg2[%get3A_29, %get3A_30, %get3A_31] : memref<2x2000x128xf32, #tpu.memory_space<vmem>>, vector<1x2000x128xf32>
    %get3A_33 = vector.shape_cast %get3A_32 : vector<1x2000x128xf32> to vector<2000x128xf32>
    %get3A_34 = arith.constant 1 : index
    %get3A_35 = arith.constant 0 : index
    %get3A_36 = arith.constant 0 : index
    %get3A_37 = vector.load %arg2[%get3A_34, %get3A_35, %get3A_36] : memref<2x2000x128xf32, #tpu.memory_space<vmem>>, vector<1x2000x128xf32>
    %get3A_38 = vector.shape_cast %get3A_37 : vector<1x2000x128xf32> to vector<2000x128xf32>
    %add3A_39 = arith.addf %get3A_33, %get3A_38 : vector<2000x128xf32>
    %slice3A_40 = vector.extract_strided_slice %add3A {offsets = [0, 1], sizes = [2000, 1], strides = [1, 1]} : vector<2000x128xf32> to vector<2000x1xf32>
    %broadcast_in_dim3A_41 = vector.shape_cast %slice3A_40 : vector<2000x1xf32> to vector<2000x1xf32>
    %broadcast_in_dim3A_42 = vector.broadcast %broadcast_in_dim3A_41 : vector<2000x1xf32> to vector<2000x64xf32>
    %slice3A_43 = vector.extract_strided_slice %add3A {offsets = [0, 5], sizes = [2000, 1], strides = [1, 1]} : vector<2000x128xf32> to vector<2000x1xf32>
    %broadcast_in_dim3A_44 = vector.shape_cast %slice3A_43 : vector<2000x1xf32> to vector<2000x1xf32>
    %broadcast_in_dim3A_45 = vector.broadcast %broadcast_in_dim3A_44 : vector<2000x1xf32> to vector<2000x64xf32>
    %concatenate3A_46 = tpu.concatenate %broadcast_in_dim3A_42, %broadcast_in_dim3A_45 in 1 : vector<2000x64xf32>, vector<2000x64xf32> -> vector<2000x128xf32>
    %gt3A_47 = arith.constant 0.000000e+00 : f32
    %gt3A_48 = vector.broadcast %gt3A_47 : f32 to vector<2000x128xf32>
    %gt3A_49 = arith.cmpf ogt, %concatenate3A_46, %gt3A_48 : vector<2000x128xf32>
    %div3A_50 = arith.divf %add3A_39, %concatenate3A_46 : vector<2000x128xf32>
    %jit3A_51 = arith.constant 0.000000e+00 : f32
    %broadcast_in_dim3A_52 = vector.broadcast %jit3A_51 : f32 to vector<2000x128xf32>
    %select_n3A_53 = arith.select %gt3A_49, %div3A_50, %broadcast_in_dim3A_52 : vector<2000x128xi1>, vector<2000x128xf32>
    %swap3A_54 = arith.constant 0 : index
    %swap3A_55 = arith.constant 0 : index
    %swap3A_56 = vector.load %arg7[%swap3A_54, %swap3A_55] : memref<2000x128xf32, #tpu.memory_space<vmem>>, vector<2000x128xf32>
    tpu.vector_store %arg7[%swap3A_54, %swap3A_55], %select_n3A_53 {strides = array<i32>} : memref<2000x128xf32, #tpu.memory_space<vmem>>, vector<2000x128xf32>,
    %get3A_57 = arith.constant 0 : index
    %get3A_58 = arith.constant 0 : index
    %get3A_59 = arith.constant 0 : index
    %get3A_60 = vector.load %arg3[%get3A_57, %get3A_58, %get3A_59] : memref<2x2000x128xf32, #tpu.memory_space<vmem>>, vector<1x2000x128xf32>
    %get3A_61 = vector.shape_cast %get3A_60 : vector<1x2000x128xf32> to vector<2000x128xf32>
    %get3A_62 = arith.constant 1 : index
    %get3A_63 = arith.constant 0 : index
    %get3A_64 = arith.constant 0 : index
    %get3A_65 = vector.load %arg3[%get3A_62, %get3A_63, %get3A_64] : memref<2x2000x128xf32, #tpu.memory_space<vmem>>, vector<1x2000x128xf32>
    %get3A_66 = vector.shape_cast %get3A_65 : vector<1x2000x128xf32> to vector<2000x128xf32>
    %add3A_67 = arith.addf %get3A_61, %get3A_66 : vector<2000x128xf32>
    %slice3A_68 = vector.extract_strided_slice %add3A {offsets = [0, 2], sizes = [2000, 1], strides = [1, 1]} : vector<2000x128xf32> to vector<2000x1xf32>
    %broadcast_in_dim3A_69 = vector.shape_cast %slice3A_68 : vector<2000x1xf32> to vector<2000x1xf32>
    %broadcast_in_dim3A_70 = vector.broadcast %broadcast_in_dim3A_69 : vector<2000x1xf32> to vector<2000x64xf32>
    %slice3A_71 = vector.extract_strided_slice %add3A {offsets = [0, 6], sizes = [2000, 1], strides = [1, 1]} : vector<2000x128xf32> to vector<2000x1xf32>
    %broadcast_in_dim3A_72 = vector.shape_cast %slice3A_71 : vector<2000x1xf32> to vector<2000x1xf32>
    %broadcast_in_dim3A_73 = vector.broadcast %broadcast_in_dim3A_72 : vector<2000x1xf32> to vector<2000x64xf32>
    %concatenate3A_74 = tpu.concatenate %broadcast_in_dim3A_70, %broadcast_in_dim3A_73 in 1 : vector<2000x64xf32>, vector<2000x64xf32> -> vector<2000x128xf32>
    %gt3A_75 = arith.constant 0.000000e+00 : f32
    %gt3A_76 = vector.broadcast %gt3A_75 : f32 to vector<2000x128xf32>
    %gt3A_77 = arith.cmpf ogt, %concatenate3A_74, %gt3A_76 : vector<2000x128xf32>
    %div3A_78 = arith.divf %add3A_67, %concatenate3A_74 : vector<2000x128xf32>
    %jit3A_79 = arith.constant 0.000000e+00 : f32
    %broadcast_in_dim3A_80 = vector.broadcast %jit3A_79 : f32 to vector<2000x128xf32>
    %select_n3A_81 = arith.select %gt3A_77, %div3A_78, %broadcast_in_dim3A_80 : vector<2000x128xi1>, vector<2000x128xf32>
    %swap3A_82 = arith.constant 0 : index
    %swap3A_83 = arith.constant 0 : index
    %swap3A_84 = vector.load %arg8[%swap3A_82, %swap3A_83] : memref<2000x128xf32, #tpu.memory_space<vmem>>, vector<2000x128xf32>
    tpu.vector_store %arg8[%swap3A_82, %swap3A_83], %select_n3A_81 {strides = array<i32>} : memref<2000x128xf32, #tpu.memory_space<vmem>>, vector<2000x128xf32>,
    %get3A_85 = arith.constant 0 : index
    %get3A_86 = arith.constant 0 : index
    %get3A_87 = arith.constant 0 : index
    %get3A_88 = vector.load %arg4[%get3A_85, %get3A_86, %get3A_87] : memref<2x2000x128xf32, #tpu.memory_space<vmem>>, vector<1x2000x128xf32>
    %get3A_89 = vector.shape_cast %get3A_88 : vector<1x2000x128xf32> to vector<2000x128xf32>
    %get3A_90 = arith.constant 1 : index
    %get3A_91 = arith.constant 0 : index
    %get3A_92 = arith.constant 0 : index
    %get3A_93 = vector.load %arg4[%get3A_90, %get3A_91, %get3A_92] : memref<2x2000x128xf32, #tpu.memory_space<vmem>>, vector<1x2000x128xf32>
    %get3A_94 = vector.shape_cast %get3A_93 : vector<1x2000x128xf32> to vector<2000x128xf32>
    %add3A_95 = arith.addf %get3A_89, %get3A_94 : vector<2000x128xf32>
    %slice3A_96 = vector.extract_strided_slice %add3A {offsets = [0, 3], sizes = [2000, 1], strides = [1, 1]} : vector<2000x128xf32> to vector<2000x1xf32>
    %broadcast_in_dim3A_97 = vector.shape_cast %slice3A_96 : vector<2000x1xf32> to vector<2000x1xf32>
    %broadcast_in_dim3A_98 = vector.broadcast %broadcast_in_dim3A_97 : vector<2000x1xf32> to vector<2000x64xf32>
    %slice3A_99 = vector.extract_strided_slice %add3A {offsets = [0, 7], sizes = [2000, 1], strides = [1, 1]} : vector<2000x128xf32> to vector<2000x1xf32>
    %broadcast_in_dim3A_100 = vector.shape_cast %slice3A_99 : vector<2000x1xf32> to vector<2000x1xf32>
    %broadcast_in_dim3A_101 = vector.broadcast %broadcast_in_dim3A_100 : vector<2000x1xf32> to vector<2000x64xf32>
    %concatenate3A_102 = tpu.concatenate %broadcast_in_dim3A_98, %broadcast_in_dim3A_101 in 1 : vector<2000x64xf32>, vector<2000x64xf32> -> vector<2000x128xf32>
    %gt3A_103 = arith.constant 0.000000e+00 : f32
    %gt3A_104 = vector.broadcast %gt3A_103 : f32 to vector<2000x128xf32>
    %gt3A_105 = arith.cmpf ogt, %concatenate3A_102, %gt3A_104 : vector<2000x128xf32>
    %div3A_106 = arith.divf %add3A_95, %concatenate3A_102 : vector<2000x128xf32>
    %jit3A_107 = arith.constant 0.000000e+00 : f32
    %broadcast_in_dim3A_108 = vector.broadcast %jit3A_107 : f32 to vector<2000x128xf32>
    %select_n3A_109 = arith.select %gt3A_105, %div3A_106, %broadcast_in_dim3A_108 : vector<2000x128xi1>, vector<2000x128xf32>
    %swap3A_110 = arith.constant 0 : index
    %swap3A_111 = arith.constant 0 : index
    %swap3A_112 = vector.load %arg9[%swap3A_110, %swap3A_111] : memref<2000x128xf32, #tpu.memory_space<vmem>>, vector<2000x128xf32>
    tpu.vector_store %arg9[%swap3A_110, %swap3A_111], %select_n3A_109 {strides = array<i32>} : memref<2000x128xf32, #tpu.memory_space<vmem>>, vector<2000x128xf32>,
    return
  }
  func.func @transform_0(%arg0: i32) -> (i32, i32, i32) {
    %c0_i32 = arith.constant 0 : i32
    %c0_i32_0 = arith.constant 0 : i32
    %c0_i32_1 = arith.constant 0 : i32
    return %c0_i32, %arg0, %c0_i32_0 : i32, i32, i32
  }
  func.func @transform_1(%arg0: i32) -> (i32, i32, i32) {
    %c0_i32 = arith.constant 0 : i32
    %c0_i32_0 = arith.constant 0 : i32
    %c0_i32_1 = arith.constant 0 : i32
    return %c0_i32, %arg0, %c0_i32_0 : i32, i32, i32
  }
  func.func @transform_2(%arg0: i32) -> (i32, i32, i32) {
    %c0_i32 = arith.constant 0 : i32
    %c0_i32_0 = arith.constant 0 : i32
    %c0_i32_1 = arith.constant 0 : i32
    return %c0_i32, %arg0, %c0_i32_0 : i32, i32, i32
  }
  func.func @transform_3(%arg0: i32) -> (i32, i32, i32) {
    %c0_i32 = arith.constant 0 : i32
    %c0_i32_0 = arith.constant 0 : i32
    %c0_i32_1 = arith.constant 0 : i32
    return %c0_i32, %arg0, %c0_i32_0 : i32, i32, i32
  }
  func.func @transform_4(%arg0: i32) -> (i32, i32, i32) {
    %c0_i32 = arith.constant 0 : i32
    %c0_i32_0 = arith.constant 0 : i32
    %c0_i32_1 = arith.constant 0 : i32
    return %c0_i32, %arg0, %c0_i32_0 : i32, i32, i32
  }
  func.func @transform_5(%arg0: i32) -> (i32, i32) {
    %c0_i32 = arith.constant 0 : i32
    %c0_i32_0 = arith.constant 0 : i32
    return %arg0, %c0_i32 : i32, i32
  }
  func.func @transform_6(%arg0: i32) -> (i32, i32) {
    %c0_i32 = arith.constant 0 : i32
    %c0_i32_0 = arith.constant 0 : i32
    return %arg0, %c0_i32 : i32, i32
  }
  func.func @transform_7(%arg0: i32) -> (i32, i32) {
    %c0_i32 = arith.constant 0 : i32
    %c0_i32_0 = arith.constant 0 : i32
    return %arg0, %c0_i32 : i32, i32
  }
  func.func @transform_8(%arg0: i32) -> (i32, i32) {
    %c0_i32 = arith.constant 0 : i32
    %c0_i32_0 = arith.constant 0 : i32
    return %arg0, %c0_i32 : i32, i32
  }
}

</mosaic_0001>

<sc_bundles>
// kernel: kernel.13.cloned.1.call-start
scs
__scs_entry_jumppad:
0x0: {  	(pc) =	sbr.rel $0x88, $3  }
0x1: {  	(tag) =	ssettag $0x0;
	lr =	simm.s32 $0x1  }
0x2: {  	[smem:$0x3F95] =	sst lr;
	_ =	strace $0xD0000000  }
0x3: {  	_ = 	snop  }
0x4: {  	_ = 	snop  }
0x5: {  	_ = 	snop  }
0x6: {  	_ = 	snop  }
0x7: {  	_ = 	snop  }
__scs_overlays_trampoline_lowered:
0x8: {  	[smem:$0x3FA4] =	sst s0  }
0x9: {  	[smem:$0x3FA5] =	sst s1  }
0xa: {  	[smem:$0x3FA6] =	sst s2  }
0xb: {  	[smem:$0x3FA7] =	sst s3  }
0xc: {  	[smem:$0x3FA8] =	sst s4  }
0xd: {  	[smem:$0x3FA9] =	sst s5  }
0xe: {  	[smem:$0x3FAA] =	sst s6  }
0xf: {  	[smem:$0x3FAB] =	sst s7  }
0x10: {  	[smem:$0x3FAC] =	sst s8  }
0x11: {  	[smem:$0x3FAD] =	sst s9;
	s0 =	simm.s32 @!p0 $0x0  }
0x12: {  	s1 =	sld [smem:$0x3F93];
	s0 =	simm.s32 @p0 $0x1  }
0x13: {  	[smem:$0x3FAE] =	sst s0;
	s0 =	simm.s32 @!p1 $0x0  }
0x14: {  	s2 =	sld [smem:$0x3F92];
	s0 =	simm.s32 @p1 $0x1  }
0x15: {  	[smem:$0x3FAF] =	sst s0;
	s0 =	simm.s32 @!p2 $0x0  }
0x16: {  	s3 =	sld [smem:$0x3FDB];
	s0 =	simm.s32 @p2 $0x1  }
0x17: {  	s4 =	simm.s32 $0x1BF5;
	[smem:$0x3FB1] =	sst s0  }
0x18: {  	s0 =	sld [smem:$0x3F94];
	_ =	swait.ge [sflag:s4], $0x0  }
0x19: {  	s7 =	sld [smem:$0x3F95]  }
0x1a: {  	s8 =	sadd.s32 $0xFFFFE003, lr  }
0x1b: {  	s9 =	sadd.s32 $0xFFFFFEF7, lr;
	s5 =	simm.s32 $0xFFFFFFFF;
	p2 =	slt.u32 s8, $0xFFFFF086  }
0x1c: {  	p1 =	slt.u32 s9, $0xF7A;
	s5 =	simm.s32 @!p2 $0x0  }
0x1d: {  	s5 =	simm.s32 @p1 $0x1;
	p0 =	seq.s32 s7, s2  }
0x1e: {  	s7 =	smul.u32 @!p0 $0xF7A, s2;
	p2 =	seq.s32 @!p0 s5, $0x0  }
0x1f: {  	s9 =	smul.u32 $0xF7A, s1;
	s8 =	simm.s32 @!p0 $0x1BF5;
	p2 =	por !p2, p0  }
0x20: {  	[sflag:s8] =	ssyncset.s32 @!p0 $0xFFFFF086;
	s6 =	sadd.s32 @!p0 s3, s7;
	s7 =	simm.s32 @!p0 $0x108  }
0x21: {  	s3 =	sadd.s32 s3, s9;
	s6 =	sadd.s32 @!p0 $0x88, s6;
	s7 =	simm.s32 @p2 $0x1082  }
0x22: {  	[simem:s7], [sflag:s8] =	dma.local @!p0 [hbm:s6], $0xF7A  }
0x23: {  	s9 =	sor.u32 $0xD0000000, s2;
	s6 =	simm.s32 $0x108;
	_ =	swait.ge @!p0 [sflag:s8], $0x0  }
0x24: {  	s3 =	sadd.s32 $0x88, s3;
	s6 =	simm.s32 @!p1 $0x1082;
	[sflag:s4] =	ssyncset.s32 $0xFFFFF086  }
0x25: {  	[simem:s6], [sflag:s4] =	dma.local [hbm:s3], $0xF7A  }
0x26: {  	[smem:$0x3F95] =	sst s1;
	(tag) =	ssettag s2;
	_ =	strace s9  }
0x27: {  	s1 =	sld [smem:$0x3FA5]  }
0x28: {  	s2 =	sld [smem:$0x3FA6]  }
0x29: {  	s4 =	sld [smem:$0x3FA8]  }
0x2a: {  	p0 =	seq.s32 s5, $0x0;
	s5 =	sld [smem:$0x3FA9]  }
0x2b: {  	s6 =	sld [smem:$0x3FAA]  }
0x2c: {  	s7 =	sld [smem:$0x3FAB]  }
0x2d: {  	s3 =	simm.s32 $0x108;
	s8 =	sld [smem:$0x3FAC]  }
0x2e: {  	s3 =	simm.s32 @!p0 $0x1082;
	s9 =	sld [smem:$0x3FAD]  }
0x2f: {  	lr =	sadd.s32 s0, s3;
	s0 =	sld [smem:$0x3FA4]  }
0x30: {  	s3 =	sld [smem:$0x3FA7]  }
0x31: {  	[smem:$0x3FB0] =	sst s10  }
0x32: {  	s10 =	sld [smem:$0x3FAE];
	_ =	sdelay $0x3  }
0x33: {  	p0 =	seq.s32 s10, $0x1;
	s10 =	sld [smem:$0x3FB0];
	_ =	sdelay $0x3  }
0x34: {  	[smem:$0x3FB0] =	sst s10  }
0x35: {  	s10 =	sld [smem:$0x3FAF];
	_ =	sdelay $0x3  }
0x36: {  	p1 =	seq.s32 s10, $0x1;
	s10 =	sld [smem:$0x3FB0];
	_ =	sdelay $0x3  }
0x37: {  	[smem:$0x3FB0] =	sst s10  }
0x38: {  	s10 =	sld [smem:$0x3FB1]  }
0x39: {  	_ = 	snop;
	(pc) =	sbr.ind lr, $3  }
0x3a: {  	_ = 	snop  }
0x3b: {  	_ = 	snop  }
0x3c: {  	p2 =	seq.s32 s10, $0x1;
	s10 =	sld [smem:$0x3FB0]  }
0x3d: {  	_ =	shalt  }
0x3e: {  	_ =	shalt  }
0x3f: {  	_ =	shalt  }
0x40: {  	_ =	shalt  }
0x41: {  	_ =	shalt  }
0x42: {  	_ =	shalt  }
0x43: {  	_ =	shalt  }
0x44: {  	_ =	shalt  }
0x45: {  	_ =	shalt  }
0x46: {  	_ =	shalt  }
0x47: {  	_ =	shalt  }
0x48: {  	_ =	shalt  }
0x49: {  	_ =	shalt  }
0x4a: {  	_ =	shalt  }
0x4b: {  	_ =	shalt  }
0x4c: {  	_ =	shalt  }
0x4d: {  	_ =	shalt  }
0x4e: {  	_ =	shalt  }
0x4f: {  	_ =	shalt  }
0x50: {  	_ =	shalt  }
0x51: {  	_ =	shalt  }
0x52: {  	_ =	shalt  }
0x53: {  	_ =	shalt  }
0x54: {  	_ =	shalt  }
0x55: {  	_ =	shalt  }
0x56: {  	_ =	shalt  }
0x57: {  	_ =	shalt  }
0x58: {  	_ =	shalt  }
0x59: {  	_ =	shalt  }
0x5a: {  	_ =	shalt  }
0x5b: {  	_ =	shalt  }
0x5c: {  	_ =	shalt  }
0x5d: {  	_ =	shalt  }
0x5e: {  	_ =	shalt  }
0x5f: {  	_ =	shalt  }
0x60: {  	_ =	shalt  }
0x61: {  	_ =	shalt  }
0x62: {  	_ =	shalt  }
0x63: {  	_ =	shalt  }
0x64: {  	_ =	shalt  }
0x65: {  	_ =	shalt  }
0x66: {  	_ =	shalt  }
0x67: {  	_ =	shalt  }
0x68: {  	_ =	shalt  }
0x69: {  	_ =	shalt  }
0x6a: {  	_ =	shalt  }
0x6b: {  	_ =	shalt  }
0x6c: {  	_ =	shalt  }
0x6d: {  	_ =	shalt  }
0x6e: {  	_ =	shalt  }
0x6f: {  	_ =	shalt  }
0x70: {  	_ =	shalt  }
0x71: {  	_ =	shalt  }
0x72: {  	_ =	shalt  }
0x73: {  	_ =	shalt  }
0x74: {  	_ =	shalt  }
0x75: {  	_ =	shalt  }
0x76: {  	_ =	shalt  }
0x77: {  	_ =	shalt  }
0x78: {  	_ =	shalt  }
0x79: {  	_ =	shalt  }
0x7a: {  	_ =	shalt  }
0x7b: {  	_ =	shalt  }
0x7c: {  	_ =	shalt  }
0x7d: {  	_ =	shalt  }
0x7e: {  	_ =	shalt  }
0x7f: {  	_ =	shalt  }
0x80: {  	_ =	shalt  }
0x81: {  	_ =	shalt  }
0x82: {  	_ =	shalt  }
0x83: {  	_ =	shalt  }
0x84: {  	_ =	shalt  }
0x85: {  	_ =	shalt  }
0x86: {  	_ =	shalt  }
0x87: {  	_ =	shalt  }
.Lfunc_end0:
.L_simem_size_0:
called_computation_lowered:
.L_overlay_start_0:
0x88: {  	s2 =	sld [smem:$0x3FD9]  }
0x89: {  	s3 =	sld [smem:$0x3FFE];
	_ =	sdelay $0x1  }
0x8a: {  	s1 =	srdreg.scid  }
0x8b: {  	s0 =	sand.u32 $0x1, s1  }
0x8c: {  	s17 =	sshll.u32 s0, $0xA;
	s2 =	sadd.s32 s3, s2  }
0x8d: {  	s2 =	sadd.s32 s2, s17  }
0x8e: {  	[smem:$0x3FBC] =	sst s2  }
0x8f: {  	_ = 	snop  }
0x90: {  	s18 =	sld [smem:$0x3FD0];
	(tm) =	ssettm $0x1  }
0x91: {  	s19 =	sld [smem:$0x3FFB];
	_ =	sdelay $0x3  }
0x92: {  	_ =	strace s19  }
0x93: {  	s2 =	sld [smem:$0x3FFC];
	_ =	sdelay $0x3  }
0x94: {  	_ =	strace s2  }
0x95: {  	s2 =	sld [smem:$0x3FFD];
	_ =	sdelay $0x3  }
0x96: {  	_ =	strace s2  }
0x97: {  	_ =	strace $0x8FFFFFFF  }
0x98: {  	s20 =	sld [smem:$0x3FDB];
	_ =	sdelay $0x1  }
0x99: {  	s4 =	simm.s32 $_scs_section_size  }
0x9a: {  	s5 =	simm.s32 $_size__tile_overlayer_lowered;
	s6 =	simm.s32 $_tile_overlayer_lowered  }
0x9b: {  	s7 =	simm.s32 $0x1BFF;
	s21 =	sshll.u32 s6, $0x1;
	s4 =	sadd.s32 s4, s20  }
0x9c: {  	s22 =	simm.s32 $0x0;
	s5 =	sshll.u32 s5, $0x1;
	s6 =	sadd.s32 s21, s4  }
0x9d: {  	[timem:s22], [sflag:s7] =	dma.local [hbm:s6], s5  }
0x9e: {  	_ =	swait.ge [sflag:s7], s5  }
0x9f: {  	s5 =	ssub.s32 $0x0, s5;
	[sflag:s7] =	ssyncset.done $0x0  }
0xa0: {  	[sflag:s7] =	ssyncadd.s32 s5;
	_ =	sdelay $0x1  }
0xa1: {  	s23 =	simm.s32 $0x1B8B  }
0xa2: {  	_ =	swait.ge [sflag:s23], $0x1  }
0xa3: {  	[sflag:s23] =	ssyncset.done $0x0  }
0xa4: {  	[sflag:s23] =	ssyncadd.s32 $0xFFFFFFFF  }
0xa5: {  	s5 =	sld [smem:$0x0]  }
0xa6: {  	s6 =	sand.u32 $0xFFFFFFFE, s1  }
0xa7: {  	p0 =	sne.s32 s1, s6  }
0xa8: {  	s6 =	sshll.u32 @p0 s6, $0xE  }
0xa9: {  	s6 =	sadd.s32 @p0 $0x11B8D, s6;
	s7 =	sshll.u32 @p0 s5, $0x11  }
0xaa: {  	s6 =	sor.u32 @p0 s7, s6  }
0xab: {  	[sflag:s6] =	ssyncadd.remote.s32 @p0 $0x1;
	_ =	sdelay $0x1  }
0xac: {  	s6 =	simm.s32 @p0 $0x1B8D  }
0xad: {  	_ =	swait.eq @p0 [sflag:s6], $0x1  }
0xae: {  	[sflag:s6] =	ssyncadd.s32 @p0 $0xFFFFFFFF  }
0xaf: {  	s7 =	sshll.u32 @!p0 s1, $0xE  }
0xb0: {  	s7 =	sor.u32 @!p0 $0x4000, s7;
	s6 =	simm.s32 @!p0 $0x1B8D  }
0xb1: {  	s5 =	sshll.u32 @!p0 s5, $0x11;
	s7 =	sadd.s32 @!p0 $0x11B8D, s7;
	_ =	swait.eq @!p0 [sflag:s6], $0x1  }
0xb2: {  	s5 =	sor.u32 @!p0 s5, s7;
	[sflag:s6] =	ssyncadd.s32 @!p0 $0xFFFFFFFF  }
0xb3: {  	s25 =	simm.s32 $0x1B8E;
	s24 =	sld [smem:$0x3FFE];
	[sflag:s5] =	ssyncadd.remote.s32 @!p0 $0x1  }
0xb4: {  	s26 =	simm.s32 $execute0_lowered;
	[smem:$0x3FD2] =	sst s25  }
0xb5: {  	s6 =	sshll.u32 s26, $0x1;
	_ =	strace $0x80000049;
	[dreg:$0x1] =	wrdreg $0xFFFFFFFF  }
0xb6: {  	s28 =	simm.s32 $_size_execute0_lowered;
	s4 =	sadd.s32 s4, s6;
	[dreg:$0x0] =	wrdreg $0x0  }
0xb7: {  	s6 =	sshll.u32 s28, $0x1;
	[dreg:$0x2] =	wrdreg s4  }
0xb8: {  	[dreg:$0x3] =	wrdreg s6  }
0xb9: {  	[dreg:$0x4] =	wrdreg $0xC0  }
0xba: {  	_ =	task [dreg:s22], $0x5FFFF  }
0xbb: {  	[dreg:$0x1] =	wrdreg $0xFFFFFFFF  }
0xbc: {  	[dreg:$0x0] =	wrdreg $0x60  }
0xbd: {  	[dreg:$0x2] =	wrdreg s18  }
0xbe: {  	[dreg:$0x3] =	wrdreg s24  }
0xbf: {  	[dreg:$0x4] =	wrdreg $0x9  }
0xc0: {  	_ =	task.clear_ibuf [dreg:s22], $0x5FFFF;
	_ =	strace $0x90000049  }
0xc1: {  	s29 =	simm.s32 $0x9;
	_ =	strace $0x8000004B  }
0xc2: {  	_ =	swait.ge [sflag:s29], $0x1  }
0xc3: {  	[sflag:s29] =	ssyncadd.s32 $0xFFFFFFFF  }
0xc4: {  	_ =	strace $0x9000004B  }
0xc5: {  	_ =	sfence  }
0xc6: {  	s30 =	sld [smem:$0x0];
	_ =	sdelay $0x2  }
0xc7: {  	s31 =	sshll.u32 s1, $0xD;
	s1 =	sshrl.u32 s1, $0x2  }
0xc8: {  	s4 =	sand.u32 $0x4000, s31;
	s1 =	sadd.s32 s1, s30  }
0xc9: {  	s0 =	sor.u32 s4, s0;
	s1 =	sshll.u32 s1, $0x11  }
0xca: {  	s0 =	sor.u32 s1, s0  }
0xcb: {  	s0 =	sadd.s32 $0x8F2B, s0  }
0xcc: {  	[sflag:s0] =	ssyncadd.remote.s32 $0x1  }
0xcd: {  	_ =	sfence.sel $0xFFFF  }
0xce: {  	[dreg:$0x0] =	wrdreg $0xFFFFFFFF;
	(pc) =	sbr.abs _section_cstart, $3  }
0xcf: {  	[dreg:$0x1] =	wrdreg $0xFFFFFFFF  }
0xd0: {  	_ =	task.clear_ibuf [dreg:s22], $0x2FFFF;
	_ =	strace $0x9FFFFFFF  }
0xd1: {  	(tm) =	ssettm $0x7FFFFFFF  }
tec
execute0_lowered:
.L_overlay_start_1:
0x0: {  	(tag) =	ssettag $0x1  }
0x1: {  	s2 =	rddreg [dreg:$0x0];
	s1 =	srdreg.scid  }
0x2: {  	s0 =	stileid.u32;
	s4 =	rddreg [dreg:$0x1];
	s3 =	simm.s32 $0x0  }
0x3: {  	s10 =	simm.s32 $0x1080;
	s11 =	simm.s32 $0x1880;
	s12 =	simm.s32 $0x2080  }
0x4: {  	s13 =	simm.s32 $0x1;
	s14 =	simm.s32 $0x0;
	s6 =	smul.u32 $0x2710, s0  }
0x5: {  	s5 =	sand.u32 $0x1, s1;
	s1 =	rddreg [dreg:$0x2];
	s8 =	smul.u32 $0x4E200, s0  }
0x6: {  	[smem:$0x7FF] =	sst s3;
	s7 =	smul.u32 $0x1388, s5;
	s9 =	ssub.s32 $0x2, s5  }
0x7: {  	_ =	strace $0x8000004A;
	s5 =	smul.u32 $0x27100, s5;
	s31 =	sshrl.u32 s9, $0x1  }
0x8: {  	s30 =	sadd.s32 s8, s4;
	s6 =	sadd.s32 s7, s6;
	s8 =	ssub.s32 s9, s31  }
0x9: {  	v2 =	vlaneseq.u32;
	s5 =	sadd.s32 s5, s30;
	s7 =	simm.s32 $0x2;
	s6 =	sshrl.u32 s6, $0x3  }
0xa: {  	vm0 =	vmmov $0xffff;
	v1 =	vshrl.u32 v2, $0x3;
	s9 =	simm.s32 $0x880;
	s5 =	sadd.s32 $0x2A5000, s5;
	s6 =	sadd.s32 s6, s4  }
0xb: {  	v0 =	vand.u32 $0x7, v2;
	v2 =	vor.u32 $0x8, v2;
	v1 =	vmul.u32 $0x8, v1;
	s4 =	smax.u32 s8, $0x1;
	s8 =	simm.s32 $0x80;
	s6 =	sadd.s32 $0x2E00, s6  }
.LBB2_1:
0xc: {  	s15 =	smov.u32 s5;
	s16 =	simm.s32 $0x0  }
.LBB2_2:
0xd: {  	s17 =	sadd.s32 s16, s6  }
0xe: {  	[tilespmem:s3], [sflag:$0x2] =	stream.linear.gather [hbm4b:s17+s3], $0x28, $0x38;
	[tilespmem:$0x2880] =	vst v63  }
0xf: {  	_ =	swait.ge [sflag:s7], $0x28  }
0x10: {  	[sflag:s7] =	ssyncset.done $0x0  }
0x11: {  	[sflag:s7] =	ssyncadd.s32 $0xFFFFFFD8  }
0x12: {  	v3 =	vld [tilespmem:$0x0];
	_ =	sdelay $0x4  }
0x13: {  	v4 =	vshll.u32 v3, $0x1  }
0x14: {  	v3 =	vand.u32 $0x7, v3;
	v4 =	vand.u32 $0xFFFFFFF0, v4  }
0x15: {  	v3 =	vor.u32 v3, v4  }
0x16: {  	v4 =	vperm.xlane v3, v0;
	_ =	sdelay $0x1  }
0x17: {  	v3 =	vperm.xlane v3, v2;
	v4 =	vadd.s32 v1, v4;
	_ =	sdelay $0x1  }
0x18: {  	v3 =	vadd.s32 v1, v3;
	_ =	sdelay $0x2  }
0x19: {  	[tilespmem:s8], [sflag:$0x1] =	stream.indirect_vreg.gather [hbm4b:s2+s3], $0x80, v4, vm0, $0xb8;
	[tilespmem:$0x2880] =	vst v63  }
0x1a: {  	_ = 	snop  }
0x1b: {  	[tilespmem:s9], [sflag:$0x1] =	stream.indirect_vreg.gather [hbm4b:s2+s3], $0x80, v3, vm0, $0xb8;
	[tilespmem:$0x2880] =	vst v63  }
0x1c: {  	v3 =	vld [tilespmem:$0x10];
	_ =	sdelay $0x4  }
0x1d: {  	v62 =	vshll.u32 v3, $0x1  }
0x1e: {  	v3 =	vand.u32 $0x7, v3;
	v4 =	vand.u32 $0xFFFFFFF0, v62  }
0x1f: {  	v3 =	vor.u32 v3, v4  }
0x20: {  	v4 =	vperm.xlane v3, v0;
	_ =	sdelay $0x1  }
0x21: {  	v3 =	vperm.xlane v3, v2;
	v4 =	vadd.s32 v1, v4;
	_ =	sdelay $0x1  }
0x22: {  	v3 =	vadd.s32 v1, v3;
	_ =	sdelay $0x2  }
0x23: {  	[tilespmem:s10], [sflag:$0x1] =	stream.indirect_vreg.gather [hbm4b:s2+s3], $0x80, v4, vm0, $0xb8;
	[tilespmem:$0x2880] =	vst v63  }
0x24: {  	_ = 	snop  }
0x25: {  	[tilespmem:s11], [sflag:$0x1] =	stream.indirect_vreg.gather [hbm4b:s2+s3], $0x80, v3, vm0, $0xb8;
	[tilespmem:$0x2880] =	vst v63  }
0x26: {  	v3 =	vld.msk [tilespmem:$0x20], $0xff;
	_ =	sdelay $0x4  }
0x27: {  	v63 =	vshll.u32 v3, $0x1  }
0x28: {  	v3 =	vand.u32 $0x7, v3;
	v4 =	vand.u32 $0xFFFFFFF0, v63  }
0x29: {  	v3 =	vor.u32 v3, v4  }
0x2a: {  	v3 =	vperm.xlane v3, v0;
	_ =	sdelay $0x1  }
0x2b: {  	v3 =	vadd.s32 v1, v3;
	_ =	sdelay $0x4  }
0x2c: {  	[tilespmem:s12], [sflag:$0x1] =	stream.indirect_vreg.gather [hbm4b:s2+s3], $0x80, v3, vm0, $0xb8;
	[tilespmem:$0x2880] =	vst v63  }
0x2d: {  	_ =	swait.ge [sflag:s13], $0x2800  }
0x2e: {  	p0 =	sne.s32 s16, $0x26C;
	[sflag:s13] =	ssyncset.done $0x0  }
.Ltmp0:
0x2f: {  	[sflag:s13] =	ssyncadd.s32 $0xFFFFD800;
	(pc) =	sbr.rel @p0 .LBB2_2-.Ltmp0, $4  }
0x30: {  	[hbm4b:s15+s3] =	stream.linear.scatter [tilespmem:s8], [sflag:$0x2], $0x2800, $0x38;
	[tilespmem:$0x2880] =	vst v63  }
0x31: {  	_ =	swait.ge [sflag:s7], $0x2800  }
0x32: {  	[sflag:s7] =	ssyncset.done $0x0  }
0x33: {  	s16 =	sadd.s32 $0x5, s16;
	s15 =	sadd.s32 $0x500, s15;
	[sflag:s7] =	ssyncadd.s32 $0xFFFFD800  }
0x34: {  	s14 =	sadd.s32 $0x1, s14  }
0x35: {  	p0 =	sne.s32 s14, s4  }
.Ltmp1:
0x36: {  	_ = 	snop;
	(pc) =	sbr.rel @p0 .LBB2_1-.Ltmp1, $1  }
0x37: {  	_ =	sdelay $0x3  }
0x38: {  	_ =	sfence.sel $0x180000  }
0x39: {  	[bflag:$0x0] =	sbarrier.arrive $0xFFFF  }
0x3a: {  	p0 =	sne.s32 s0, $0x0;
	_ =	strace $0x9000004A  }
0x3b: {  	s0 =	sadd.s32 @!p0 $0x100000, s1;
	[bflag:$0x2] =	sbarrier.arrive $0xFFFF  }
0x3c: {  	[sflag:s0] =	ssyncadd.tile.s32 @!p0 $0x1;
	_ =	shalt  }
.Lfunc_end2:
_tile_overlayer_lowered:
.L_overlay_start_2:
0x3d: {  	(tag) =	ssettag $0x2  }
0x3e: {  	s0 =	rddreg [dreg:$0x0];
	s2 =	stileid.u32  }
0x3f: {  	s1 =	rddreg [dreg:$0x1];
	p0 =	sne.s32 s2, $0x0  }
0x40: {  	s3 =	rddreg [dreg:$0x2];
	[bflag:$0x3] =	sbarrier.arrive $0xFFFF;
	s2 =	simm.s32 @!p0 $0x1C02  }
0x41: {  	[timem:s3], [sflag:s2] =	dma.local @!p0 [hbm:s0], s1  }
0x42: {  	s0 =	simm.s32 @!p0 $0x2  }
0x43: {  	_ =	swait.ge @!p0 [sflag:s0], s1  }
0x44: {  	s1 =	ssub.s32 @!p0 $0x0, s1;
	[sflag:s0] =	ssyncset.done @!p0 $0x0  }
0x45: {  	[sflag:s0] =	ssyncadd.s32 @!p0 s1  }
0x46: {  	[bflag:$0x3] =	sbarrier.arrive $0xFFFF  }
0x47: {  	_ =	shalt  }

// kernel: kernel.16.cloned.1.call-start
scs
__scs_entry_jumppad:
0x0: {  	(pc) =	sbr.rel $0x88, $3  }
0x1: {  	(tag) =	ssettag $0x0;
	lr =	simm.s32 $0x1  }
0x2: {  	[smem:$0x3F95] =	sst lr;
	_ =	strace $0xD0000000  }
0x3: {  	_ = 	snop  }
0x4: {  	_ = 	snop  }
0x5: {  	_ = 	snop  }
0x6: {  	_ = 	snop  }
0x7: {  	_ = 	snop  }
__scs_overlays_trampoline_lowered:
0x8: {  	[smem:$0x3FA4] =	sst s0  }
0x9: {  	[smem:$0x3FA5] =	sst s1  }
0xa: {  	[smem:$0x3FA6] =	sst s2  }
0xb: {  	[smem:$0x3FA7] =	sst s3  }
0xc: {  	[smem:$0x3FA8] =	sst s4  }
0xd: {  	[smem:$0x3FA9] =	sst s5  }
0xe: {  	[smem:$0x3FAA] =	sst s6  }
0xf: {  	[smem:$0x3FAB] =	sst s7  }
0x10: {  	[smem:$0x3FAC] =	sst s8  }
0x11: {  	[smem:$0x3FAD] =	sst s9;
	s0 =	simm.s32 @!p0 $0x0  }
0x12: {  	s1 =	sld [smem:$0x3F93];
	s0 =	simm.s32 @p0 $0x1  }
0x13: {  	[smem:$0x3FAE] =	sst s0;
	s0 =	simm.s32 @!p1 $0x0  }
0x14: {  	s2 =	sld [smem:$0x3F92];
	s0 =	simm.s32 @p1 $0x1  }
0x15: {  	[smem:$0x3FAF] =	sst s0;
	s0 =	simm.s32 @!p2 $0x0  }
0x16: {  	s3 =	sld [smem:$0x3FDB];
	s0 =	simm.s32 @p2 $0x1  }
0x17: {  	s4 =	simm.s32 $0x1BF5;
	[smem:$0x3FB1] =	sst s0  }
0x18: {  	s0 =	sld [smem:$0x3F94];
	_ =	swait.ge [sflag:s4], $0x0  }
0x19: {  	s7 =	sld [smem:$0x3F95]  }
0x1a: {  	s8 =	sadd.s32 $0xFFFFE003, lr  }
0x1b: {  	s9 =	sadd.s32 $0xFFFFFEF7, lr;
	s5 =	simm.s32 $0xFFFFFFFF;
	p2 =	slt.u32 s8, $0xFFFFF086  }
0x1c: {  	p1 =	slt.u32 s9, $0xF7A;
	s5 =	simm.s32 @!p2 $0x0  }
0x1d: {  	s5 =	simm.s32 @p1 $0x1;
	p0 =	seq.s32 s7, s2  }
0x1e: {  	s7 =	smul.u32 @!p0 $0xF7A, s2;
	p2 =	seq.s32 @!p0 s5, $0x0  }
0x1f: {  	s9 =	smul.u32 $0xF7A, s1;
	s8 =	simm.s32 @!p0 $0x1BF5;
	p2 =	por !p2, p0  }
0x20: {  	[sflag:s8] =	ssyncset.s32 @!p0 $0xFFFFF086;
	s6 =	sadd.s32 @!p0 s3, s7;
	s7 =	simm.s32 @!p0 $0x108  }
0x21: {  	s3 =	sadd.s32 s3, s9;
	s6 =	sadd.s32 @!p0 $0x88, s6;
	s7 =	simm.s32 @p2 $0x1082  }
0x22: {  	[simem:s7], [sflag:s8] =	dma.local @!p0 [hbm:s6], $0xF7A  }
0x23: {  	s9 =	sor.u32 $0xD0000000, s2;
	s6 =	simm.s32 $0x108;
	_ =	swait.ge @!p0 [sflag:s8], $0x0  }
0x24: {  	s3 =	sadd.s32 $0x88, s3;
	s6 =	simm.s32 @!p1 $0x1082;
	[sflag:s4] =	ssyncset.s32 $0xFFFFF086  }
0x25: {  	[simem:s6], [sflag:s4] =	dma.local [hbm:s3], $0xF7A  }
0x26: {  	[smem:$0x3F95] =	sst s1;
	(tag) =	ssettag s2;
	_ =	strace s9  }
0x27: {  	s1 =	sld [smem:$0x3FA5]  }
0x28: {  	s2 =	sld [smem:$0x3FA6]  }
0x29: {  	s4 =	sld [smem:$0x3FA8]  }
0x2a: {  	p0 =	seq.s32 s5, $0x0;
	s5 =	sld [smem:$0x3FA9]  }
0x2b: {  	s6 =	sld [smem:$0x3FAA]  }
0x2c: {  	s7 =	sld [smem:$0x3FAB]  }
0x2d: {  	s3 =	simm.s32 $0x108;
	s8 =	sld [smem:$0x3FAC]  }
0x2e: {  	s3 =	simm.s32 @!p0 $0x1082;
	s9 =	sld [smem:$0x3FAD]  }
0x2f: {  	lr =	sadd.s32 s0, s3;
	s0 =	sld [smem:$0x3FA4]  }
0x30: {  	s3 =	sld [smem:$0x3FA7]  }
0x31: {  	[smem:$0x3FB0] =	sst s10  }
0x32: {  	s10 =	sld [smem:$0x3FAE];
	_ =	sdelay $0x3  }
0x33: {  	p0 =	seq.s32 s10, $0x1;
	s10 =	sld [smem:$0x3FB0];
	_ =	sdelay $0x3  }
0x34: {  	[smem:$0x3FB0] =	sst s10  }
0x35: {  	s10 =	sld [smem:$0x3FAF];
	_ =	sdelay $0x3  }
0x36: {  	p1 =	seq.s32 s10, $0x1;
	s10 =	sld [smem:$0x3FB0];
	_ =	sdelay $0x3  }
0x37: {  	[smem:$0x3FB0] =	sst s10  }
0x38: {  	s10 =	sld [smem:$0x3FB1]  }
0x39: {  	_ = 	snop;
	(pc) =	sbr.ind lr, $3  }
0x3a: {  	_ = 	snop  }
0x3b: {  	_ = 	snop  }
0x3c: {  	p2 =	seq.s32 s10, $0x1;
	s10 =	sld [smem:$0x3FB0]  }
0x3d: {  	_ =	shalt  }
0x3e: {  	_ =	shalt  }
0x3f: {  	_ =	shalt  }
0x40: {  	_ =	shalt  }
0x41: {  	_ =	shalt  }
0x42: {  	_ =	shalt  }
0x43: {  	_ =	shalt  }
0x44: {  	_ =	shalt  }
0x45: {  	_ =	shalt  }
0x46: {  	_ =	shalt  }
0x47: {  	_ =	shalt  }
0x48: {  	_ =	shalt  }
0x49: {  	_ =	shalt  }
0x4a: {  	_ =	shalt  }
0x4b: {  	_ =	shalt  }
0x4c: {  	_ =	shalt  }
0x4d: {  	_ =	shalt  }
0x4e: {  	_ =	shalt  }
0x4f: {  	_ =	shalt  }
0x50: {  	_ =	shalt  }
0x51: {  	_ =	shalt  }
0x52: {  	_ =	shalt  }
0x53: {  	_ =	shalt  }
0x54: {  	_ =	shalt  }
0x55: {  	_ =	shalt  }
0x56: {  	_ =	shalt  }
0x57: {  	_ =	shalt  }
0x58: {  	_ =	shalt  }
0x59: {  	_ =	shalt  }
0x5a: {  	_ =	shalt  }
0x5b: {  	_ =	shalt  }
0x5c: {  	_ =	shalt  }
0x5d: {  	_ =	shalt  }
0x5e: {  	_ =	shalt  }
0x5f: {  	_ =	shalt  }
0x60: {  	_ =	shalt  }
0x61: {  	_ =	shalt  }
0x62: {  	_ =	shalt  }
0x63: {  	_ =	shalt  }
0x64: {  	_ =	shalt  }
0x65: {  	_ =	shalt  }
0x66: {  	_ =	shalt  }
0x67: {  	_ =	shalt  }
0x68: {  	_ =	shalt  }
0x69: {  	_ =	shalt  }
0x6a: {  	_ =	shalt  }
0x6b: {  	_ =	shalt  }
0x6c: {  	_ =	shalt  }
0x6d: {  	_ =	shalt  }
0x6e: {  	_ =	shalt  }
0x6f: {  	_ =	shalt  }
0x70: {  	_ =	shalt  }
0x71: {  	_ =	shalt  }
0x72: {  	_ =	shalt  }
0x73: {  	_ =	shalt  }
0x74: {  	_ =	shalt  }
0x75: {  	_ =	shalt  }
0x76: {  	_ =	shalt  }
0x77: {  	_ =	shalt  }
0x78: {  	_ =	shalt  }
0x79: {  	_ =	shalt  }
0x7a: {  	_ =	shalt  }
0x7b: {  	_ =	shalt  }
0x7c: {  	_ =	shalt  }
0x7d: {  	_ =	shalt  }
0x7e: {  	_ =	shalt  }
0x7f: {  	_ =	shalt  }
0x80: {  	_ =	shalt  }
0x81: {  	_ =	shalt  }
0x82: {  	_ =	shalt  }
0x83: {  	_ =	shalt  }
0x84: {  	_ =	shalt  }
0x85: {  	_ =	shalt  }
0x86: {  	_ =	shalt  }
0x87: {  	_ =	shalt  }
.Lfunc_end0:
.L_simem_size_0:
called_computation.1_lowered:
.L_overlay_start_0:
0x88: {  	s2 =	sld [smem:$0x3FD9]  }
0x89: {  	s3 =	sld [smem:$0x3FFE];
	_ =	sdelay $0x1  }
0x8a: {  	s1 =	srdreg.scid  }
0x8b: {  	s0 =	sand.u32 $0x1, s1  }
0x8c: {  	s16 =	sshll.u32 s0, $0xA;
	s2 =	sadd.s32 s3, s2  }
0x8d: {  	s2 =	sadd.s32 s2, s16  }
0x8e: {  	[smem:$0x3FBC] =	sst s2  }
0x8f: {  	_ = 	snop  }
0x90: {  	(tm) =	ssettm $0x1  }
0x91: {  	s17 =	sld [smem:$0x3FFB];
	_ =	sdelay $0x3  }
0x92: {  	_ =	strace s17  }
0x93: {  	s2 =	sld [smem:$0x3FFC];
	_ =	sdelay $0x3  }
0x94: {  	_ =	strace s2  }
0x95: {  	s2 =	sld [smem:$0x3FFD];
	_ =	sdelay $0x3  }
0x96: {  	_ =	strace s2  }
0x97: {  	_ =	strace $0x8FFFFFFF  }
0x98: {  	s18 =	sld [smem:$0x3FDB];
	_ =	sdelay $0x1  }
0x99: {  	s19 =	simm.s32 $_scs_section_size  }
0x9a: {  	s4 =	simm.s32 $_size__tile_overlayer_lowered;
	s5 =	simm.s32 $_tile_overlayer_lowered  }
0x9b: {  	s22 =	simm.s32 $0x1BFF;
	s21 =	sshll.u32 s5, $0x1;
	s2 =	sadd.s32 s19, s18  }
0x9c: {  	s6 =	simm.s32 $0x0;
	s20 =	sshll.u32 s4, $0x1;
	s4 =	sadd.s32 s21, s2  }
0x9d: {  	[timem:s6], [sflag:s22] =	dma.local [hbm:s4], s20  }
0x9e: {  	_ =	swait.ge [sflag:s22], s20  }
0x9f: {  	s3 =	ssub.s32 $0x0, s20;
	[sflag:s22] =	ssyncset.done $0x0  }
0xa0: {  	[sflag:s22] =	ssyncadd.s32 s3;
	_ =	sdelay $0x1  }
0xa1: {  	s23 =	simm.s32 $0x1B8B  }
0xa2: {  	_ =	swait.ge [sflag:s23], $0x1  }
0xa3: {  	[sflag:s23] =	ssyncset.done $0x0  }
0xa4: {  	s25 =	simm.s32 $0x1B8E;
	s24 =	sld [smem:$0x3FFE];
	[sflag:s23] =	ssyncadd.s32 $0xFFFFFFFF  }
0xa5: {  	s26 =	simm.s32 $execute0_lowered;
	[smem:$0x3FD2] =	sst s25  }
0xa6: {  	s4 =	sshll.u32 s26, $0x1;
	_ =	strace $0x80000046;
	[dreg:$0x1] =	wrdreg $0xFFFFFFFF  }
0xa7: {  	s28 =	simm.s32 $_size_execute0_lowered;
	s2 =	sadd.s32 s2, s4;
	[dreg:$0x0] =	wrdreg $0x0  }
0xa8: {  	s4 =	sshll.u32 s28, $0x1;
	[dreg:$0x2] =	wrdreg s2  }
0xa9: {  	[dreg:$0x3] =	wrdreg s4  }
0xaa: {  	[dreg:$0x4] =	wrdreg $0xC0  }
0xab: {  	_ =	task [dreg:s6], $0x5FFFF  }
0xac: {  	[dreg:$0x1] =	wrdreg $0xFFFFFFFF  }
0xad: {  	[dreg:$0x0] =	wrdreg $0x60  }
0xae: {  	[dreg:$0x2] =	wrdreg s24  }
0xaf: {  	[dreg:$0x3] =	wrdreg $0xA  }
0xb0: {  	_ =	task.clear_ibuf [dreg:s6], $0x4FFFF;
	_ =	strace $0x90000046  }
0xb1: {  	s29 =	simm.s32 $0xA;
	_ =	strace $0x80000048  }
0xb2: {  	_ =	swait.ge [sflag:s29], $0x1  }
0xb3: {  	[sflag:s29] =	ssyncadd.s32 $0xFFFFFFFF  }
0xb4: {  	_ =	strace $0x90000048  }
0xb5: {  	_ =	sfence  }
0xb6: {  	s30 =	sld [smem:$0x0];
	_ =	sdelay $0x2  }
0xb7: {  	s31 =	sshll.u32 s1, $0xD;
	s1 =	sshrl.u32 s1, $0x2  }
0xb8: {  	s3 =	sand.u32 $0x4000, s31;
	s1 =	sadd.s32 s1, s30  }
0xb9: {  	s0 =	sor.u32 s3, s0;
	s1 =	sshll.u32 s1, $0x11  }
0xba: {  	s0 =	sor.u32 s1, s0  }
0xbb: {  	s0 =	sadd.s32 $0x8F2B, s0  }
0xbc: {  	[sflag:s0] =	ssyncadd.remote.s32 $0x1  }
0xbd: {  	_ =	sfence.sel $0xFFFF  }
0xbe: {  	[dreg:$0x0] =	wrdreg $0xFFFFFFFF;
	(pc) =	sbr.abs _section_cstart, $3  }
0xbf: {  	[dreg:$0x1] =	wrdreg $0xFFFFFFFF  }
0xc0: {  	_ =	task.clear_ibuf [dreg:s6], $0x2FFFF;
	_ =	strace $0x9FFFFFFF  }
0xc1: {  	(tm) =	ssettm $0x7FFFFFFF  }
tec
execute0_lowered:
.L_overlay_start_1:
0x0: {  	(tag) =	ssettag $0x1  }
0x1: {  	s4 =	rddreg [dreg:$0x0]  }
0x2: {  	s0 =	rddreg [dreg:$0x1]  }
0x3: {  	s3 =	srdreg.scid;
	s1 =	stileid.u32;
	s2 =	simm.s32 $0x0  }
0x4: {  	s10 =	simm.s32 $0x1;
	s11 =	simm.s32 $0x0;
	s6 =	smul.u32 $0x2710, s1  }
0x5: {  	s5 =	sand.u32 $0x1, s3;
	[smem:$0x7FF] =	sst s2;
	s8 =	smul.u32 $0x27100, s1  }
0x6: {  	s3 =	sadd.s32 $0xCE00, s4;
	s7 =	smul.u32 $0x1388, s5;
	s9 =	ssub.s32 $0x2, s5  }
0x7: {  	_ =	strace $0x80000047;
	s5 =	smul.u32 $0x13880, s5;
	s31 =	sshrl.u32 s9, $0x1  }
0x8: {  	s30 =	sadd.s32 s8, s4;
	s6 =	sadd.s32 s7, s6;
	s8 =	ssub.s32 s9, s31  }
0x9: {  	s5 =	sadd.s32 s5, s30;
	s7 =	simm.s32 $0x2;
	s6 =	sshrl.u32 s6, $0x3  }
0xa: {  	s9 =	simm.s32 $0x80;
	s5 =	sadd.s32 $0x34000, s5;
	s6 =	sadd.s32 s6, s4  }
0xb: {  	s4 =	smax.u32 s8, $0x1;
	s8 =	simm.s32 $0x28;
	s6 =	sadd.s32 $0x7E00, s6  }
.LBB2_1:
0xc: {  	s12 =	sadd.s32 $0x0, s6  }
0xd: {  	[tilespmem:s2], [sflag:$0x2] =	stream.linear.gather [hbm4b:s12+s2], $0x28, $0x38;
	[tilespmem:$0x1480] =	vst v63  }
0xe: {  	_ =	swait.ge [sflag:s7], $0x28  }
0xf: {  	[sflag:s7] =	ssyncset.done $0x0  }
0x10: {  	[sflag:s7] =	ssyncadd.s32 $0xFFFFFFD8  }
0x11: {  	[tilespmem:s9], [sflag:$0x1] =	stream.indirect.gather [hbm4b:s3+s8], $0x80, s2, s8, $0xb8;
	[tilespmem:$0x1480] =	vst v63  }
0x12: {  	_ =	swait.ge [sflag:s10], $0x1400  }
0x13: {  	[sflag:s10] =	ssyncset.done $0x0  }
0x14: {  	[sflag:s10] =	ssyncadd.s32 $0xFFFFEC00  }
0x15: {  	[hbm4b:s5+s2] =	stream.linear.scatter [tilespmem:s9], [sflag:$0x2], $0x1400, $0x38;
	[tilespmem:$0x1480] =	vst v63  }
0x16: {  	s13 =	simm.s32 $0x5;
	_ =	swait.ge [sflag:s7], $0x1400  }
0x17: {  	s14 =	simm.s32 $0xA;
	s12 =	sadd.s32 $0x280, s5;
	[sflag:s7] =	ssyncset.done $0x0  }
.LBB2_2:
0x18: {  	s15 =	sadd.s32 s13, s6  }
0x19: {  	[sflag:s7] =	ssyncadd.s32 $0xFFFFEC00;
	s13 =	smov.u32 s14;
	s16 =	sadd.s32 $0x5, s14  }
0x1a: {  	[tilespmem:s2], [sflag:$0x2] =	stream.linear.gather [hbm4b:s15+s2], $0x28, $0x38;
	[tilespmem:$0x1480] =	vst v63  }
0x1b: {  	p0 =	sne.s32 s14, $0x26C;
	_ =	swait.ge [sflag:s7], $0x28  }
0x1c: {  	[sflag:s7] =	ssyncset.done $0x0  }
0x1d: {  	[sflag:s7] =	ssyncadd.s32 $0xFFFFFFD8  }
0x1e: {  	[tilespmem:s9], [sflag:$0x1] =	stream.indirect.gather [hbm4b:s3+s8], $0x80, s2, s8, $0xb8;
	[tilespmem:$0x1480] =	vst v63  }
0x1f: {  	_ =	swait.ge [sflag:s10], $0x1400  }
.Ltmp0:
0x20: {  	[sflag:s10] =	ssyncset.done $0x0;
	(pc) =	sbr.rel @p0 .LBB2_2-.Ltmp0, $4  }
0x21: {  	[sflag:s10] =	ssyncadd.s32 $0xFFFFEC00  }
0x22: {  	[hbm4b:s12+s2] =	stream.linear.scatter [tilespmem:s9], [sflag:$0x2], $0x1400, $0x38;
	[tilespmem:$0x1480] =	vst v63  }
0x23: {  	_ =	swait.ge [sflag:s7], $0x1400  }
0x24: {  	s14 =	smov.u32 s16;
	s12 =	sadd.s32 $0x280, s12;
	[sflag:s7] =	ssyncset.done $0x0  }
0x25: {  	s13 =	sadd.s32 s13, s6;
	[sflag:s7] =	ssyncadd.s32 $0xFFFFEC00  }
0x26: {  	[tilespmem:s2], [sflag:$0x2] =	stream.linear.gather [hbm4b:s13+s2], $0x28, $0x38;
	[tilespmem:$0x1480] =	vst v63  }
0x27: {  	_ =	swait.ge [sflag:s7], $0x28  }
0x28: {  	[sflag:s7] =	ssyncset.done $0x0  }
0x29: {  	[sflag:s7] =	ssyncadd.s32 $0xFFFFFFD8  }
0x2a: {  	[tilespmem:s9], [sflag:$0x1] =	stream.indirect.gather [hbm4b:s3+s8], $0x80, s2, s8, $0xb8;
	[tilespmem:$0x1480] =	vst v63  }
0x2b: {  	s11 =	sadd.s32 $0x1, s11;
	_ =	swait.ge [sflag:s10], $0x1400  }
0x2c: {  	p0 =	sne.s32 s11, s4;
	[sflag:s10] =	ssyncset.done $0x0  }
.Ltmp1:
0x2d: {  	[sflag:s10] =	ssyncadd.s32 $0xFFFFEC00;
	(pc) =	sbr.rel @p0 .LBB2_1-.Ltmp1, $4  }
0x2e: {  	[hbm4b:s12+s2] =	stream.linear.scatter [tilespmem:s9], [sflag:$0x2], $0x1400, $0x38;
	[tilespmem:$0x1480] =	vst v63  }
0x2f: {  	_ =	swait.ge [sflag:s7], $0x1400  }
0x30: {  	[sflag:s7] =	ssyncset.done $0x0  }
0x31: {  	[sflag:s7] =	ssyncadd.s32 $0xFFFFEC00  }
0x32: {  	_ =	sfence.sel $0x180000  }
0x33: {  	[bflag:$0x0] =	sbarrier.arrive $0xFFFF  }
0x34: {  	p0 =	sne.s32 s1, $0x0;
	_ =	strace $0x90000047  }
0x35: {  	s0 =	sadd.s32 @!p0 $0x100000, s0;
	[bflag:$0x2] =	sbarrier.arrive $0xFFFF  }
0x36: {  	[sflag:s0] =	ssyncadd.tile.s32 @!p0 $0x1;
	_ =	shalt  }
.Lfunc_end2:
_tile_overlayer_lowered:
.L_overlay_start_2:
0x37: {  	(tag) =	ssettag $0x2  }
0x38: {  	s0 =	rddreg [dreg:$0x0];
	s2 =	stileid.u32  }
0x39: {  	s1 =	rddreg [dreg:$0x1];
	p0 =	sne.s32 s2, $0x0  }
0x3a: {  	s3 =	rddreg [dreg:$0x2];
	[bflag:$0x3] =	sbarrier.arrive $0xFFFF;
	s2 =	simm.s32 @!p0 $0x1C02  }
0x3b: {  	[timem:s3], [sflag:s2] =	dma.local @!p0 [hbm:s0], s1  }
0x3c: {  	s0 =	simm.s32 @!p0 $0x2  }
0x3d: {  	_ =	swait.ge @!p0 [sflag:s0], s1  }
0x3e: {  	s1 =	ssub.s32 @!p0 $0x0, s1;
	[sflag:s0] =	ssyncset.done @!p0 $0x0  }
0x3f: {  	[sflag:s0] =	ssyncadd.s32 @!p0 s1  }
0x40: {  	[bflag:$0x3] =	sbarrier.arrive $0xFFFF  }
0x41: {  	_ =	shalt  }

// kernel: kernel.19.cloned.1.call-start
scs
__scs_entry_jumppad:
0x0: {  	(pc) =	sbr.rel $0x88, $3  }
0x1: {  	(tag) =	ssettag $0x0;
	lr =	simm.s32 $0x1  }
0x2: {  	[smem:$0x3F95] =	sst lr;
	_ =	strace $0xD0000000  }
0x3: {  	_ = 	snop  }
0x4: {  	_ = 	snop  }
0x5: {  	_ = 	snop  }
0x6: {  	_ = 	snop  }
0x7: {  	_ = 	snop  }
__scs_overlays_trampoline_lowered:
0x8: {  	[smem:$0x3FA4] =	sst s0  }
0x9: {  	[smem:$0x3FA5] =	sst s1  }
0xa: {  	[smem:$0x3FA6] =	sst s2  }
0xb: {  	[smem:$0x3FA7] =	sst s3  }
0xc: {  	[smem:$0x3FA8] =	sst s4  }
0xd: {  	[smem:$0x3FA9] =	sst s5  }
0xe: {  	[smem:$0x3FAA] =	sst s6  }
0xf: {  	[smem:$0x3FAB] =	sst s7  }
0x10: {  	[smem:$0x3FAC] =	sst s8  }
0x11: {  	[smem:$0x3FAD] =	sst s9;
	s0 =	simm.s32 @!p0 $0x0  }
0x12: {  	s1 =	sld [smem:$0x3F93];
	s0 =	simm.s32 @p0 $0x1  }
0x13: {  	[smem:$0x3FAE] =	sst s0;
	s0 =	simm.s32 @!p1 $0x0  }
0x14: {  	s2 =	sld [smem:$0x3F92];
	s0 =	simm.s32 @p1 $0x1  }
0x15: {  	[smem:$0x3FAF] =	sst s0;
	s0 =	simm.s32 @!p2 $0x0  }
0x16: {  	s3 =	sld [smem:$0x3FDB];
	s0 =	simm.s32 @p2 $0x1  }
0x17: {  	s4 =	simm.s32 $0x1BF5;
	[smem:$0x3FB1] =	sst s0  }
0x18: {  	s0 =	sld [smem:$0x3F94];
	_ =	swait.ge [sflag:s4], $0x0  }
0x19: {  	s7 =	sld [smem:$0x3F95]  }
0x1a: {  	s8 =	sadd.s32 $0xFFFFE003, lr  }
0x1b: {  	s9 =	sadd.s32 $0xFFFFFEF7, lr;
	s5 =	simm.s32 $0xFFFFFFFF;
	p2 =	slt.u32 s8, $0xFFFFF086  }
0x1c: {  	p1 =	slt.u32 s9, $0xF7A;
	s5 =	simm.s32 @!p2 $0x0  }
0x1d: {  	s5 =	simm.s32 @p1 $0x1;
	p0 =	seq.s32 s7, s2  }
0x1e: {  	s7 =	smul.u32 @!p0 $0xF7A, s2;
	p2 =	seq.s32 @!p0 s5, $0x0  }
0x1f: {  	s9 =	smul.u32 $0xF7A, s1;
	s8 =	simm.s32 @!p0 $0x1BF5;
	p2 =	por !p2, p0  }
0x20: {  	[sflag:s8] =	ssyncset.s32 @!p0 $0xFFFFF086;
	s6 =	sadd.s32 @!p0 s3, s7;
	s7 =	simm.s32 @!p0 $0x108  }
0x21: {  	s3 =	sadd.s32 s3, s9;
	s6 =	sadd.s32 @!p0 $0x88, s6;
	s7 =	simm.s32 @p2 $0x1082  }
0x22: {  	[simem:s7], [sflag:s8] =	dma.local @!p0 [hbm:s6], $0xF7A  }
0x23: {  	s9 =	sor.u32 $0xD0000000, s2;
	s6 =	simm.s32 $0x108;
	_ =	swait.ge @!p0 [sflag:s8], $0x0  }
0x24: {  	s3 =	sadd.s32 $0x88, s3;
	s6 =	simm.s32 @!p1 $0x1082;
	[sflag:s4] =	ssyncset.s32 $0xFFFFF086  }
0x25: {  	[simem:s6], [sflag:s4] =	dma.local [hbm:s3], $0xF7A  }
0x26: {  	[smem:$0x3F95] =	sst s1;
	(tag) =	ssettag s2;
	_ =	strace s9  }
0x27: {  	s1 =	sld [smem:$0x3FA5]  }
0x28: {  	s2 =	sld [smem:$0x3FA6]  }
0x29: {  	s4 =	sld [smem:$0x3FA8]  }
0x2a: {  	p0 =	seq.s32 s5, $0x0;
	s5 =	sld [smem:$0x3FA9]  }
0x2b: {  	s6 =	sld [smem:$0x3FAA]  }
0x2c: {  	s7 =	sld [smem:$0x3FAB]  }
0x2d: {  	s3 =	simm.s32 $0x108;
	s8 =	sld [smem:$0x3FAC]  }
0x2e: {  	s3 =	simm.s32 @!p0 $0x1082;
	s9 =	sld [smem:$0x3FAD]  }
0x2f: {  	lr =	sadd.s32 s0, s3;
	s0 =	sld [smem:$0x3FA4]  }
0x30: {  	s3 =	sld [smem:$0x3FA7]  }
0x31: {  	[smem:$0x3FB0] =	sst s10  }
0x32: {  	s10 =	sld [smem:$0x3FAE];
	_ =	sdelay $0x3  }
0x33: {  	p0 =	seq.s32 s10, $0x1;
	s10 =	sld [smem:$0x3FB0];
	_ =	sdelay $0x3  }
0x34: {  	[smem:$0x3FB0] =	sst s10  }
0x35: {  	s10 =	sld [smem:$0x3FAF];
	_ =	sdelay $0x3  }
0x36: {  	p1 =	seq.s32 s10, $0x1;
	s10 =	sld [smem:$0x3FB0];
	_ =	sdelay $0x3  }
0x37: {  	[smem:$0x3FB0] =	sst s10  }
0x38: {  	s10 =	sld [smem:$0x3FB1]  }
0x39: {  	_ = 	snop;
	(pc) =	sbr.ind lr, $3  }
0x3a: {  	_ = 	snop  }
0x3b: {  	_ = 	snop  }
0x3c: {  	p2 =	seq.s32 s10, $0x1;
	s10 =	sld [smem:$0x3FB0]  }
0x3d: {  	_ =	shalt  }
0x3e: {  	_ =	shalt  }
0x3f: {  	_ =	shalt  }
0x40: {  	_ =	shalt  }
0x41: {  	_ =	shalt  }
0x42: {  	_ =	shalt  }
0x43: {  	_ =	shalt  }
0x44: {  	_ =	shalt  }
0x45: {  	_ =	shalt  }
0x46: {  	_ =	shalt  }
0x47: {  	_ =	shalt  }
0x48: {  	_ =	shalt  }
0x49: {  	_ =	shalt  }
0x4a: {  	_ =	shalt  }
0x4b: {  	_ =	shalt  }
0x4c: {  	_ =	shalt  }
0x4d: {  	_ =	shalt  }
0x4e: {  	_ =	shalt  }
0x4f: {  	_ =	shalt  }
0x50: {  	_ =	shalt  }
0x51: {  	_ =	shalt  }
0x52: {  	_ =	shalt  }
0x53: {  	_ =	shalt  }
0x54: {  	_ =	shalt  }
0x55: {  	_ =	shalt  }
0x56: {  	_ =	shalt  }
0x57: {  	_ =	shalt  }
0x58: {  	_ =	shalt  }
0x59: {  	_ =	shalt  }
0x5a: {  	_ =	shalt  }
0x5b: {  	_ =	shalt  }
0x5c: {  	_ =	shalt  }
0x5d: {  	_ =	shalt  }
0x5e: {  	_ =	shalt  }
0x5f: {  	_ =	shalt  }
0x60: {  	_ =	shalt  }
0x61: {  	_ =	shalt  }
0x62: {  	_ =	shalt  }
0x63: {  	_ =	shalt  }
0x64: {  	_ =	shalt  }
0x65: {  	_ =	shalt  }
0x66: {  	_ =	shalt  }
0x67: {  	_ =	shalt  }
0x68: {  	_ =	shalt  }
0x69: {  	_ =	shalt  }
0x6a: {  	_ =	shalt  }
0x6b: {  	_ =	shalt  }
0x6c: {  	_ =	shalt  }
0x6d: {  	_ =	shalt  }
0x6e: {  	_ =	shalt  }
0x6f: {  	_ =	shalt  }
0x70: {  	_ =	shalt  }
0x71: {  	_ =	shalt  }
0x72: {  	_ =	shalt  }
0x73: {  	_ =	shalt  }
0x74: {  	_ =	shalt  }
0x75: {  	_ =	shalt  }
0x76: {  	_ =	shalt  }
0x77: {  	_ =	shalt  }
0x78: {  	_ =	shalt  }
0x79: {  	_ =	shalt  }
0x7a: {  	_ =	shalt  }
0x7b: {  	_ =	shalt  }
0x7c: {  	_ =	shalt  }
0x7d: {  	_ =	shalt  }
0x7e: {  	_ =	shalt  }
0x7f: {  	_ =	shalt  }
0x80: {  	_ =	shalt  }
0x81: {  	_ =	shalt  }
0x82: {  	_ =	shalt  }
0x83: {  	_ =	shalt  }
0x84: {  	_ =	shalt  }
0x85: {  	_ =	shalt  }
0x86: {  	_ =	shalt  }
0x87: {  	_ =	shalt  }
.Lfunc_end0:
.L_simem_size_0:
called_computation.2_lowered:
.L_overlay_start_0:
0x88: {  	s2 =	sld [smem:$0x3FD9]  }
0x89: {  	s3 =	sld [smem:$0x3FFE];
	_ =	sdelay $0x1  }
0x8a: {  	s1 =	srdreg.scid  }
0x8b: {  	s0 =	sand.u32 $0x1, s1  }
0x8c: {  	s17 =	sshll.u32 s0, $0xA;
	s2 =	sadd.s32 s3, s2  }
0x8d: {  	s2 =	sadd.s32 s2, s17  }
0x8e: {  	[smem:$0x3FBC] =	sst s2  }
0x8f: {  	_ = 	snop  }
0x90: {  	(tm) =	ssettm $0x1  }
0x91: {  	s18 =	sld [smem:$0x3FFB];
	_ =	sdelay $0x3  }
0x92: {  	_ =	strace s18  }
0x93: {  	s2 =	sld [smem:$0x3FFC];
	_ =	sdelay $0x3  }
0x94: {  	_ =	strace s2  }
0x95: {  	s2 =	sld [smem:$0x3FFD];
	_ =	sdelay $0x3  }
0x96: {  	_ =	strace s2  }
0x97: {  	_ =	strace $0x8FFFFFFF  }
0x98: {  	s19 =	sld [smem:$0x3FDB];
	_ =	sdelay $0x1  }
0x99: {  	s20 =	simm.s32 $_scs_section_size  }
0x9a: {  	s4 =	simm.s32 $_size__tile_overlayer_lowered;
	s5 =	simm.s32 $_tile_overlayer_lowered  }
0x9b: {  	s6 =	simm.s32 $0x1BFF;
	s21 =	sshll.u32 s5, $0x1;
	s3 =	sadd.s32 s20, s19  }
0x9c: {  	s22 =	simm.s32 $0x0;
	s4 =	sshll.u32 s4, $0x1;
	s5 =	sadd.s32 s21, s3  }
0x9d: {  	[timem:s22], [sflag:s6] =	dma.local [hbm:s5], s4  }
0x9e: {  	_ =	swait.ge [sflag:s6], s4  }
0x9f: {  	s4 =	ssub.s32 $0x0, s4;
	[sflag:s6] =	ssyncset.done $0x0  }
0xa0: {  	[sflag:s6] =	ssyncadd.s32 s4;
	_ =	sdelay $0x1  }
0xa1: {  	s23 =	simm.s32 $0x1B8B  }
0xa2: {  	_ =	swait.ge [sflag:s23], $0x1  }
0xa3: {  	[sflag:s23] =	ssyncset.done $0x0  }
0xa4: {  	[sflag:s23] =	ssyncadd.s32 $0xFFFFFFFF  }
0xa5: {  	s4 =	sld [smem:$0x0]  }
0xa6: {  	s5 =	sand.u32 $0xFFFFFFFE, s1  }
0xa7: {  	p0 =	sne.s32 s1, s5  }
0xa8: {  	s5 =	sshll.u32 @p0 s5, $0xE  }
0xa9: {  	s5 =	sadd.s32 @p0 $0x11B8D, s5;
	s6 =	sshll.u32 @p0 s4, $0x11  }
0xaa: {  	s5 =	sor.u32 @p0 s6, s5  }
0xab: {  	[sflag:s5] =	ssyncadd.remote.s32 @p0 $0x1;
	_ =	sdelay $0x1  }
0xac: {  	s5 =	simm.s32 @p0 $0x1B8D  }
0xad: {  	_ =	swait.eq @p0 [sflag:s5], $0x1  }
0xae: {  	[sflag:s5] =	ssyncadd.s32 @p0 $0xFFFFFFFF  }
0xaf: {  	s6 =	sshll.u32 @!p0 s1, $0xE  }
0xb0: {  	s6 =	sor.u32 @!p0 $0x4000, s6;
	s5 =	simm.s32 @!p0 $0x1B8D  }
0xb1: {  	s4 =	sshll.u32 @!p0 s4, $0x11;
	s6 =	sadd.s32 @!p0 $0x11B8D, s6;
	_ =	swait.eq @!p0 [sflag:s5], $0x1  }
0xb2: {  	s4 =	sor.u32 @!p0 s4, s6;
	[sflag:s5] =	ssyncadd.s32 @!p0 $0xFFFFFFFF  }
0xb3: {  	s25 =	simm.s32 $0x1B8E;
	s24 =	sld [smem:$0x3FFE];
	[sflag:s4] =	ssyncadd.remote.s32 @!p0 $0x1  }
0xb4: {  	s26 =	simm.s32 $execute0_lowered;
	[smem:$0x3FD2] =	sst s25  }
0xb5: {  	s5 =	sshll.u32 s26, $0x1;
	_ =	strace $0x80000055;
	[dreg:$0x1] =	wrdreg $0xFFFFFFFF  }
0xb6: {  	s28 =	simm.s32 $_size_execute0_lowered;
	s3 =	sadd.s32 s3, s5;
	[dreg:$0x0] =	wrdreg $0x0  }
0xb7: {  	s5 =	sshll.u32 s28, $0x1;
	[dreg:$0x2] =	wrdreg s3  }
0xb8: {  	[dreg:$0x3] =	wrdreg s5  }
0xb9: {  	[dreg:$0x4] =	wrdreg $0xC0  }
0xba: {  	_ =	task [dreg:s22], $0x5FFFF  }
0xbb: {  	[dreg:$0x1] =	wrdreg $0xFFFFFFFF  }
0xbc: {  	[dreg:$0x0] =	wrdreg $0x60  }
0xbd: {  	[dreg:$0x2] =	wrdreg s24  }
0xbe: {  	[dreg:$0x3] =	wrdreg $0x14800  }
0xbf: {  	[dreg:$0x4] =	wrdreg $0x9  }
0xc0: {  	_ =	task.clear_ibuf [dreg:s22], $0x5FFFF;
	_ =	strace $0x90000055  }
0xc1: {  	s29 =	simm.s32 $0x9;
	_ =	strace $0x80000057  }
0xc2: {  	_ =	swait.ge [sflag:s29], $0x1  }
0xc3: {  	[sflag:s29] =	ssyncadd.s32 $0xFFFFFFFF  }
0xc4: {  	_ =	strace $0x90000057  }
0xc5: {  	_ =	sfence  }
0xc6: {  	s30 =	sld [smem:$0x0];
	_ =	sdelay $0x2  }
0xc7: {  	s31 =	sshll.u32 s1, $0xD;
	s1 =	sshrl.u32 s1, $0x2  }
0xc8: {  	s4 =	sand.u32 $0x4000, s31;
	s1 =	sadd.s32 s1, s30  }
0xc9: {  	s0 =	sor.u32 s4, s0;
	s1 =	sshll.u32 s1, $0x11  }
0xca: {  	s0 =	sor.u32 s1, s0  }
0xcb: {  	s0 =	sadd.s32 $0x8F2B, s0  }
0xcc: {  	[sflag:s0] =	ssyncadd.remote.s32 $0x1  }
0xcd: {  	_ =	sfence.sel $0xFFFF  }
0xce: {  	[dreg:$0x0] =	wrdreg $0xFFFFFFFF;
	(pc) =	sbr.abs _section_cstart, $3  }
0xcf: {  	[dreg:$0x1] =	wrdreg $0xFFFFFFFF  }
0xd0: {  	_ =	task.clear_ibuf [dreg:s22], $0x2FFFF;
	_ =	strace $0x9FFFFFFF  }
0xd1: {  	(tm) =	ssettm $0x7FFFFFFF  }
tec
execute0_lowered:
.L_overlay_start_1:
0x0: {  	(tag) =	ssettag $0x1  }
0x1: {  	s0 =	stileid.u32;
	s1 =	srdreg.scid  }
0x2: {  	s5 =	rddreg [dreg:$0x0];
	s4 =	smul.u32 $0x27100, s0  }
0x3: {  	s2 =	rddreg [dreg:$0x1];
	s3 =	simm.s32 $0x0;
	s7 =	smul.u32 $0x2710, s0  }
0x4: {  	s15 =	simm.s32 $0x28;
	s16 =	simm.s32 $0x0;
	s24 =	smul.u32 $0x13C00, s0  }
0x5: {  	s6 =	sand.u32 $0x1, s1;
	s1 =	rddreg [dreg:$0x2];
	s29 =	smul.u32 $0x4F000, s0  }
0x6: {  	[smem:$0x7FF] =	sst s3;
	s12 =	sshll.u32 s0, $0x6;
	s8 =	smul.u32 $0x1388, s6  }
0x7: {  	s9 =	smul.u32 $0x13C000, s6;
	_ =	strace $0x80000056;
	s28 =	ssub.s32 $0x2, s6  }
0x8: {  	s13 =	smul.u32 $0x13880, s6;
	s10 =	sadd.s32 s4, s5;
	s4 =	sadd.s32 $0x2E00, s5  }
0x9: {  	s30 =	sshrl.u32 s28, $0x1;
	s7 =	sadd.s32 s8, s7;
	s25 =	sadd.s32 s24, s9  }
0xa: {  	s9 =	sshrl.u32 s29, $0x2;
	s8 =	ssub.s32 s28, s30;
	s31 =	sadd.s32 s13, s10  }
0xb: {  	s13 =	simm.s32 $0x1;
	s7 =	sshrl.u32 s7, $0x3;
	s26 =	sshrl.u32 s25, $0x3  }
0xc: {  	s14 =	sadd.s32 s9, s2;
	s11 =	sadd.s32 s7, s5;
	s7 =	sadd.s32 s26, s5  }
0xd: {  	s5 =	sor.u32 $0x1C03, s12;
	s10 =	sshrl.u32 s14, $0x3;
	s12 =	simm.s32 $0x80  }
0xe: {  	s14 =	simm.s32 $0x2;
	s6 =	sadd.s32 $0x36AE00, s7;
	s7 =	smax.u32 s8, $0x1  }
0xf: {  	s8 =	sadd.s32 $0xEDA000, s31;
	s9 =	sadd.s32 $0x7E00, s11;
	s11 =	simm.s32 $0x3  }
.LBB2_1:
0x10: {  	[spmem:s10], [sflag:s5] =	dma.local [hbm:s4], $0x2780  }
0x11: {  	_ =	swait.ge [sflag:s11], $0x2780  }
0x12: {  	[sflag:s11] =	ssyncset.done $0x0  }
0x13: {  	[sflag:s11] =	ssyncadd.s32 $0xFFFFD880  }
0x14: {  	s17 =	sadd.s32 $0x0, s9;
	[bflag:$0x0] =	sbarrier.arrive $0xFFFF  }
0x15: {  	[tilespmem:s3], [sflag:$0x1] =	stream.linear.gather [hbm4b:s17+s3], $0x28, $0x38;
	[tilespmem:$0x15080] =	vst v63  }
0x16: {  	_ = 	snop  }
0x17: {  	[tilespmem:s12], [sflag:$0x2] =	stream.linear.gather [hbm4b:s8+s3], $0x1400, $0x38;
	[tilespmem:$0x15080] =	vst v63  }
0x18: {  	_ =	swait.ge [sflag:s13], $0x28  }
0x19: {  	[sflag:s13] =	ssyncset.done $0x0  }
0x1a: {  	[sflag:s13] =	ssyncadd.s32 $0xFFFFFFD8  }
0x1b: {  	_ =	swait.ge [sflag:s14], $0x1400  }
0x1c: {  	[sflag:s14] =	ssyncset.done $0x0  }
0x1d: {  	[sflag:s14] =	ssyncadd.s32 $0xFFFFEC00  }
0x1e: {  	[spmem:s2] =	stream.indirect.scatter.add.f32 [tilespmem:s12], [sflag:$0x3], $0x80, s3, s15, $0xb8;
	[tilespmem:$0x15080] =	vst v63  }
0x1f: {  	s18 =	simm.s32 $0x5;
	_ =	swait.ge [sflag:s11], $0x1400  }
0x20: {  	s19 =	simm.s32 $0xA;
	s17 =	sadd.s32 $0x280, s8;
	[sflag:s11] =	ssyncset.done $0x0  }
.LBB2_2:
0x21: {  	s20 =	sadd.s32 s18, s9  }
0x22: {  	[sflag:s11] =	ssyncadd.s32 $0xFFFFEC00;
	s18 =	smov.u32 s19;
	s21 =	sadd.s32 $0x5, s19  }
0x23: {  	[tilespmem:s3], [sflag:$0x1] =	stream.linear.gather [hbm4b:s20+s3], $0x28, $0x38;
	[tilespmem:$0x15080] =	vst v63  }
0x24: {  	p0 =	sne.s32 s19, $0x26C  }
0x25: {  	[tilespmem:s12], [sflag:$0x2] =	stream.linear.gather [hbm4b:s17+s3], $0x1400, $0x38;
	[tilespmem:$0x15080] =	vst v63  }
0x26: {  	_ =	swait.ge [sflag:s13], $0x28  }
0x27: {  	[sflag:s13] =	ssyncset.done $0x0  }
0x28: {  	[sflag:s13] =	ssyncadd.s32 $0xFFFFFFD8  }
0x29: {  	_ =	swait.ge [sflag:s14], $0x1400  }
.Ltmp0:
0x2a: {  	[sflag:s14] =	ssyncset.done $0x0;
	(pc) =	sbr.rel @p0 .LBB2_2-.Ltmp0, $4  }
0x2b: {  	[sflag:s14] =	ssyncadd.s32 $0xFFFFEC00  }
0x2c: {  	[spmem:s2] =	stream.indirect.scatter.add.f32 [tilespmem:s12], [sflag:$0x3], $0x80, s3, s15, $0xb8;
	[tilespmem:$0x15080] =	vst v63  }
0x2d: {  	_ =	swait.ge [sflag:s11], $0x1400  }
0x2e: {  	s19 =	smov.u32 s21;
	s17 =	sadd.s32 $0x280, s17;
	[sflag:s11] =	ssyncset.done $0x0  }
0x2f: {  	s18 =	sadd.s32 s18, s9;
	[sflag:s11] =	ssyncadd.s32 $0xFFFFEC00  }
0x30: {  	[tilespmem:s3], [sflag:$0x1] =	stream.linear.gather [hbm4b:s18+s3], $0x28, $0x38;
	[tilespmem:$0x15080] =	vst v63  }
0x31: {  	_ = 	snop  }
0x32: {  	[tilespmem:s12], [sflag:$0x2] =	stream.linear.gather [hbm4b:s17+s3], $0x1400, $0x38;
	[tilespmem:$0x15080] =	vst v63  }
0x33: {  	_ =	swait.ge [sflag:s13], $0x28  }
0x34: {  	[sflag:s13] =	ssyncset.done $0x0  }
0x35: {  	[sflag:s13] =	ssyncadd.s32 $0xFFFFFFD8  }
0x36: {  	_ =	swait.ge [sflag:s14], $0x1400  }
0x37: {  	[sflag:s14] =	ssyncset.done $0x0  }
0x38: {  	[sflag:s14] =	ssyncadd.s32 $0xFFFFEC00  }
0x39: {  	[spmem:s2] =	stream.indirect.scatter.add.f32 [tilespmem:s12], [sflag:$0x3], $0x80, s3, s15, $0xb8;
	[tilespmem:$0x15080] =	vst v63  }
0x3a: {  	_ =	swait.ge [sflag:s11], $0x1400  }
0x3b: {  	s16 =	sadd.s32 $0x1, s16;
	[sflag:s11] =	ssyncset.done $0x0  }
0x3c: {  	p0 =	sne.s32 s16, s7;
	[sflag:s11] =	ssyncadd.s32 $0xFFFFEC00  }
.Ltmp1:
0x3d: {  	[bflag:$0x0] =	sbarrier.arrive $0xFFFF;
	(pc) =	sbr.rel @p0 .LBB2_1-.Ltmp1, $4  }
0x3e: {  	[hbm:s6], [sflag:s5] =	dma.local [spmem:s10], $0x2780  }
0x3f: {  	_ =	swait.ge [sflag:s11], $0x2780  }
0x40: {  	[sflag:s11] =	ssyncset.done $0x0  }
0x41: {  	[sflag:s11] =	ssyncadd.s32 $0xFFFFD880  }
0x42: {  	_ =	sfence.sel $0x180000  }
0x43: {  	[bflag:$0x0] =	sbarrier.arrive $0xFFFF  }
0x44: {  	p0 =	sne.s32 s0, $0x0;
	_ =	strace $0x90000056  }
0x45: {  	s0 =	sadd.s32 @!p0 $0x100000, s1;
	[bflag:$0x2] =	sbarrier.arrive $0xFFFF  }
0x46: {  	[sflag:s0] =	ssyncadd.tile.s32 @!p0 $0x1;
	_ =	shalt  }
.Lfunc_end2:
_tile_overlayer_lowered:
.L_overlay_start_2:
0x47: {  	(tag) =	ssettag $0x2  }
0x48: {  	s0 =	rddreg [dreg:$0x0];
	s2 =	stileid.u32  }
0x49: {  	s1 =	rddreg [dreg:$0x1];
	p0 =	sne.s32 s2, $0x0  }
0x4a: {  	s3 =	rddreg [dreg:$0x2];
	[bflag:$0x3] =	sbarrier.arrive $0xFFFF;
	s2 =	simm.s32 @!p0 $0x1C03  }
0x4b: {  	[timem:s3], [sflag:s2] =	dma.local @!p0 [hbm:s0], s1  }
0x4c: {  	s0 =	simm.s32 @!p0 $0x3  }
0x4d: {  	_ =	swait.ge @!p0 [sflag:s0], s1  }
0x4e: {  	s1 =	ssub.s32 @!p0 $0x0, s1;
	[sflag:s0] =	ssyncset.done @!p0 $0x0  }
0x4f: {  	[sflag:s0] =	ssyncadd.s32 @!p0 s1  }
0x50: {  	[bflag:$0x3] =	sbarrier.arrive $0xFFFF  }
0x51: {  	_ =	shalt  }

// kernel: kernel.22.cloned.1.call-start
scs
__scs_entry_jumppad:
0x0: {  	(pc) =	sbr.rel $0x88, $3  }
0x1: {  	(tag) =	ssettag $0x0;
	lr =	simm.s32 $0x1  }
0x2: {  	[smem:$0x3F95] =	sst lr;
	_ =	strace $0xD0000000  }
0x3: {  	_ = 	snop  }
0x4: {  	_ = 	snop  }
0x5: {  	_ = 	snop  }
0x6: {  	_ = 	snop  }
0x7: {  	_ = 	snop  }
__scs_overlays_trampoline_lowered:
0x8: {  	[smem:$0x3FA4] =	sst s0  }
0x9: {  	[smem:$0x3FA5] =	sst s1  }
0xa: {  	[smem:$0x3FA6] =	sst s2  }
0xb: {  	[smem:$0x3FA7] =	sst s3  }
0xc: {  	[smem:$0x3FA8] =	sst s4  }
0xd: {  	[smem:$0x3FA9] =	sst s5  }
0xe: {  	[smem:$0x3FAA] =	sst s6  }
0xf: {  	[smem:$0x3FAB] =	sst s7  }
0x10: {  	[smem:$0x3FAC] =	sst s8  }
0x11: {  	[smem:$0x3FAD] =	sst s9;
	s0 =	simm.s32 @!p0 $0x0  }
0x12: {  	s1 =	sld [smem:$0x3F93];
	s0 =	simm.s32 @p0 $0x1  }
0x13: {  	[smem:$0x3FAE] =	sst s0;
	s0 =	simm.s32 @!p1 $0x0  }
0x14: {  	s2 =	sld [smem:$0x3F92];
	s0 =	simm.s32 @p1 $0x1  }
0x15: {  	[smem:$0x3FAF] =	sst s0;
	s0 =	simm.s32 @!p2 $0x0  }
0x16: {  	s3 =	sld [smem:$0x3FDB];
	s0 =	simm.s32 @p2 $0x1  }
0x17: {  	s4 =	simm.s32 $0x1BF5;
	[smem:$0x3FB1] =	sst s0  }
0x18: {  	s0 =	sld [smem:$0x3F94];
	_ =	swait.ge [sflag:s4], $0x0  }
0x19: {  	s7 =	sld [smem:$0x3F95]  }
0x1a: {  	s8 =	sadd.s32 $0xFFFFE003, lr  }
0x1b: {  	s9 =	sadd.s32 $0xFFFFFEF7, lr;
	s5 =	simm.s32 $0xFFFFFFFF;
	p2 =	slt.u32 s8, $0xFFFFF086  }
0x1c: {  	p1 =	slt.u32 s9, $0xF7A;
	s5 =	simm.s32 @!p2 $0x0  }
0x1d: {  	s5 =	simm.s32 @p1 $0x1;
	p0 =	seq.s32 s7, s2  }
0x1e: {  	s7 =	smul.u32 @!p0 $0xF7A, s2;
	p2 =	seq.s32 @!p0 s5, $0x0  }
0x1f: {  	s9 =	smul.u32 $0xF7A, s1;
	s8 =	simm.s32 @!p0 $0x1BF5;
	p2 =	por !p2, p0  }
0x20: {  	[sflag:s8] =	ssyncset.s32 @!p0 $0xFFFFF086;
	s6 =	sadd.s32 @!p0 s3, s7;
	s7 =	simm.s32 @!p0 $0x108  }
0x21: {  	s3 =	sadd.s32 s3, s9;
	s6 =	sadd.s32 @!p0 $0x88, s6;
	s7 =	simm.s32 @p2 $0x1082  }
0x22: {  	[simem:s7], [sflag:s8] =	dma.local @!p0 [hbm:s6], $0xF7A  }
0x23: {  	s9 =	sor.u32 $0xD0000000, s2;
	s6 =	simm.s32 $0x108;
	_ =	swait.ge @!p0 [sflag:s8], $0x0  }
0x24: {  	s3 =	sadd.s32 $0x88, s3;
	s6 =	simm.s32 @!p1 $0x1082;
	[sflag:s4] =	ssyncset.s32 $0xFFFFF086  }
0x25: {  	[simem:s6], [sflag:s4] =	dma.local [hbm:s3], $0xF7A  }
0x26: {  	[smem:$0x3F95] =	sst s1;
	(tag) =	ssettag s2;
	_ =	strace s9  }
0x27: {  	s1 =	sld [smem:$0x3FA5]  }
0x28: {  	s2 =	sld [smem:$0x3FA6]  }
0x29: {  	s4 =	sld [smem:$0x3FA8]  }
0x2a: {  	p0 =	seq.s32 s5, $0x0;
	s5 =	sld [smem:$0x3FA9]  }
0x2b: {  	s6 =	sld [smem:$0x3FAA]  }
0x2c: {  	s7 =	sld [smem:$0x3FAB]  }
0x2d: {  	s3 =	simm.s32 $0x108;
	s8 =	sld [smem:$0x3FAC]  }
0x2e: {  	s3 =	simm.s32 @!p0 $0x1082;
	s9 =	sld [smem:$0x3FAD]  }
0x2f: {  	lr =	sadd.s32 s0, s3;
	s0 =	sld [smem:$0x3FA4]  }
0x30: {  	s3 =	sld [smem:$0x3FA7]  }
0x31: {  	[smem:$0x3FB0] =	sst s10  }
0x32: {  	s10 =	sld [smem:$0x3FAE];
	_ =	sdelay $0x3  }
0x33: {  	p0 =	seq.s32 s10, $0x1;
	s10 =	sld [smem:$0x3FB0];
	_ =	sdelay $0x3  }
0x34: {  	[smem:$0x3FB0] =	sst s10  }
0x35: {  	s10 =	sld [smem:$0x3FAF];
	_ =	sdelay $0x3  }
0x36: {  	p1 =	seq.s32 s10, $0x1;
	s10 =	sld [smem:$0x3FB0];
	_ =	sdelay $0x3  }
0x37: {  	[smem:$0x3FB0] =	sst s10  }
0x38: {  	s10 =	sld [smem:$0x3FB1]  }
0x39: {  	_ = 	snop;
	(pc) =	sbr.ind lr, $3  }
0x3a: {  	_ = 	snop  }
0x3b: {  	_ = 	snop  }
0x3c: {  	p2 =	seq.s32 s10, $0x1;
	s10 =	sld [smem:$0x3FB0]  }
0x3d: {  	_ =	shalt  }
0x3e: {  	_ =	shalt  }
0x3f: {  	_ =	shalt  }
0x40: {  	_ =	shalt  }
0x41: {  	_ =	shalt  }
0x42: {  	_ =	shalt  }
0x43: {  	_ =	shalt  }
0x44: {  	_ =	shalt  }
0x45: {  	_ =	shalt  }
0x46: {  	_ =	shalt  }
0x47: {  	_ =	shalt  }
0x48: {  	_ =	shalt  }
0x49: {  	_ =	shalt  }
0x4a: {  	_ =	shalt  }
0x4b: {  	_ =	shalt  }
0x4c: {  	_ =	shalt  }
0x4d: {  	_ =	shalt  }
0x4e: {  	_ =	shalt  }
0x4f: {  	_ =	shalt  }
0x50: {  	_ =	shalt  }
0x51: {  	_ =	shalt  }
0x52: {  	_ =	shalt  }
0x53: {  	_ =	shalt  }
0x54: {  	_ =	shalt  }
0x55: {  	_ =	shalt  }
0x56: {  	_ =	shalt  }
0x57: {  	_ =	shalt  }
0x58: {  	_ =	shalt  }
0x59: {  	_ =	shalt  }
0x5a: {  	_ =	shalt  }
0x5b: {  	_ =	shalt  }
0x5c: {  	_ =	shalt  }
0x5d: {  	_ =	shalt  }
0x5e: {  	_ =	shalt  }
0x5f: {  	_ =	shalt  }
0x60: {  	_ =	shalt  }
0x61: {  	_ =	shalt  }
0x62: {  	_ =	shalt  }
0x63: {  	_ =	shalt  }
0x64: {  	_ =	shalt  }
0x65: {  	_ =	shalt  }
0x66: {  	_ =	shalt  }
0x67: {  	_ =	shalt  }
0x68: {  	_ =	shalt  }
0x69: {  	_ =	shalt  }
0x6a: {  	_ =	shalt  }
0x6b: {  	_ =	shalt  }
0x6c: {  	_ =	shalt  }
0x6d: {  	_ =	shalt  }
0x6e: {  	_ =	shalt  }
0x6f: {  	_ =	shalt  }
0x70: {  	_ =	shalt  }
0x71: {  	_ =	shalt  }
0x72: {  	_ =	shalt  }
0x73: {  	_ =	shalt  }
0x74: {  	_ =	shalt  }
0x75: {  	_ =	shalt  }
0x76: {  	_ =	shalt  }
0x77: {  	_ =	shalt  }
0x78: {  	_ =	shalt  }
0x79: {  	_ =	shalt  }
0x7a: {  	_ =	shalt  }
0x7b: {  	_ =	shalt  }
0x7c: {  	_ =	shalt  }
0x7d: {  	_ =	shalt  }
0x7e: {  	_ =	shalt  }
0x7f: {  	_ =	shalt  }
0x80: {  	_ =	shalt  }
0x81: {  	_ =	shalt  }
0x82: {  	_ =	shalt  }
0x83: {  	_ =	shalt  }
0x84: {  	_ =	shalt  }
0x85: {  	_ =	shalt  }
0x86: {  	_ =	shalt  }
0x87: {  	_ =	shalt  }
.Lfunc_end0:
.L_simem_size_0:
called_computation.3_lowered:
.L_overlay_start_0:
0x88: {  	s2 =	sld [smem:$0x3FD9]  }
0x89: {  	s3 =	sld [smem:$0x3FFE];
	_ =	sdelay $0x1  }
0x8a: {  	s1 =	srdreg.scid  }
0x8b: {  	s0 =	sand.u32 $0x1, s1  }
0x8c: {  	s17 =	sshll.u32 s0, $0xA;
	s2 =	sadd.s32 s3, s2  }
0x8d: {  	s2 =	sadd.s32 s2, s17  }
0x8e: {  	[smem:$0x3FBC] =	sst s2  }
0x8f: {  	_ = 	snop  }
0x90: {  	(tm) =	ssettm $0x1  }
0x91: {  	s18 =	sld [smem:$0x3FFB];
	_ =	sdelay $0x3  }
0x92: {  	_ =	strace s18  }
0x93: {  	s2 =	sld [smem:$0x3FFC];
	_ =	sdelay $0x3  }
0x94: {  	_ =	strace s2  }
0x95: {  	s2 =	sld [smem:$0x3FFD];
	_ =	sdelay $0x3  }
0x96: {  	_ =	strace s2  }
0x97: {  	_ =	strace $0x8FFFFFFF  }
0x98: {  	s19 =	sld [smem:$0x3FDB];
	_ =	sdelay $0x1  }
0x99: {  	s20 =	simm.s32 $_scs_section_size  }
0x9a: {  	s4 =	simm.s32 $_size__tile_overlayer_lowered;
	s5 =	simm.s32 $_tile_overlayer_lowered  }
0x9b: {  	s6 =	simm.s32 $0x1BFF;
	s21 =	sshll.u32 s5, $0x1;
	s3 =	sadd.s32 s20, s19  }
0x9c: {  	s22 =	simm.s32 $0x0;
	s4 =	sshll.u32 s4, $0x1;
	s5 =	sadd.s32 s21, s3  }
0x9d: {  	[timem:s22], [sflag:s6] =	dma.local [hbm:s5], s4  }
0x9e: {  	_ =	swait.ge [sflag:s6], s4  }
0x9f: {  	s4 =	ssub.s32 $0x0, s4;
	[sflag:s6] =	ssyncset.done $0x0  }
0xa0: {  	[sflag:s6] =	ssyncadd.s32 s4;
	_ =	sdelay $0x1  }
0xa1: {  	s23 =	simm.s32 $0x1B8B  }
0xa2: {  	_ =	swait.ge [sflag:s23], $0x1  }
0xa3: {  	[sflag:s23] =	ssyncset.done $0x0  }
0xa4: {  	[sflag:s23] =	ssyncadd.s32 $0xFFFFFFFF  }
0xa5: {  	s4 =	sld [smem:$0x0]  }
0xa6: {  	s5 =	sand.u32 $0xFFFFFFFE, s1  }
0xa7: {  	p0 =	sne.s32 s1, s5  }
0xa8: {  	s5 =	sshll.u32 @p0 s5, $0xE  }
0xa9: {  	s5 =	sadd.s32 @p0 $0x11B8D, s5;
	s6 =	sshll.u32 @p0 s4, $0x11  }
0xaa: {  	s5 =	sor.u32 @p0 s6, s5  }
0xab: {  	[sflag:s5] =	ssyncadd.remote.s32 @p0 $0x1;
	_ =	sdelay $0x1  }
0xac: {  	s5 =	simm.s32 @p0 $0x1B8D  }
0xad: {  	_ =	swait.eq @p0 [sflag:s5], $0x1  }
0xae: {  	[sflag:s5] =	ssyncadd.s32 @p0 $0xFFFFFFFF  }
0xaf: {  	s6 =	sshll.u32 @!p0 s1, $0xE  }
0xb0: {  	s6 =	sor.u32 @!p0 $0x4000, s6;
	s5 =	simm.s32 @!p0 $0x1B8D  }
0xb1: {  	s4 =	sshll.u32 @!p0 s4, $0x11;
	s6 =	sadd.s32 @!p0 $0x11B8D, s6;
	_ =	swait.eq @!p0 [sflag:s5], $0x1  }
0xb2: {  	s4 =	sor.u32 @!p0 s4, s6;
	[sflag:s5] =	ssyncadd.s32 @!p0 $0xFFFFFFFF  }
0xb3: {  	s25 =	simm.s32 $0x1B8E;
	s24 =	sld [smem:$0x3FFE];
	[sflag:s4] =	ssyncadd.remote.s32 @!p0 $0x1  }
0xb4: {  	s26 =	simm.s32 $execute0_lowered;
	[smem:$0x3FD2] =	sst s25  }
0xb5: {  	s5 =	sshll.u32 s26, $0x1;
	_ =	strace $0x80000052;
	[dreg:$0x1] =	wrdreg $0xFFFFFFFF  }
0xb6: {  	s28 =	simm.s32 $_size_execute0_lowered;
	s3 =	sadd.s32 s3, s5;
	[dreg:$0x0] =	wrdreg $0x0  }
0xb7: {  	s5 =	sshll.u32 s28, $0x1;
	[dreg:$0x2] =	wrdreg s3  }
0xb8: {  	[dreg:$0x3] =	wrdreg s5  }
0xb9: {  	[dreg:$0x4] =	wrdreg $0xC0  }
0xba: {  	_ =	task [dreg:s22], $0x5FFFF  }
0xbb: {  	[dreg:$0x1] =	wrdreg $0xFFFFFFFF  }
0xbc: {  	[dreg:$0x0] =	wrdreg $0x60  }
0xbd: {  	[dreg:$0x2] =	wrdreg s24  }
0xbe: {  	[dreg:$0x3] =	wrdreg $0x14800  }
0xbf: {  	[dreg:$0x4] =	wrdreg $0xA  }
0xc0: {  	_ =	task.clear_ibuf [dreg:s22], $0x5FFFF;
	_ =	strace $0x90000052  }
0xc1: {  	s29 =	simm.s32 $0xA;
	_ =	strace $0x80000054  }
0xc2: {  	_ =	swait.ge [sflag:s29], $0x1  }
0xc3: {  	[sflag:s29] =	ssyncadd.s32 $0xFFFFFFFF  }
0xc4: {  	_ =	strace $0x90000054  }
0xc5: {  	_ =	sfence  }
0xc6: {  	s30 =	sld [smem:$0x0];
	_ =	sdelay $0x2  }
0xc7: {  	s31 =	sshll.u32 s1, $0xD;
	s1 =	sshrl.u32 s1, $0x2  }
0xc8: {  	s4 =	sand.u32 $0x4000, s31;
	s1 =	sadd.s32 s1, s30  }
0xc9: {  	s0 =	sor.u32 s4, s0;
	s1 =	sshll.u32 s1, $0x11  }
0xca: {  	s0 =	sor.u32 s1, s0  }
0xcb: {  	s0 =	sadd.s32 $0x8F2B, s0  }
0xcc: {  	[sflag:s0] =	ssyncadd.remote.s32 $0x1  }
0xcd: {  	_ =	sfence.sel $0xFFFF  }
0xce: {  	[dreg:$0x0] =	wrdreg $0xFFFFFFFF;
	(pc) =	sbr.abs _section_cstart, $3  }
0xcf: {  	[dreg:$0x1] =	wrdreg $0xFFFFFFFF  }
0xd0: {  	_ =	task.clear_ibuf [dreg:s22], $0x2FFFF;
	_ =	strace $0x9FFFFFFF  }
0xd1: {  	(tm) =	ssettm $0x7FFFFFFF  }
tec
execute0_lowered:
.L_overlay_start_1:
0x0: {  	(tag) =	ssettag $0x1  }
0x1: {  	s0 =	stileid.u32;
	s1 =	srdreg.scid  }
0x2: {  	s5 =	rddreg [dreg:$0x0];
	s4 =	smul.u32 $0x27100, s0  }
0x3: {  	s2 =	rddreg [dreg:$0x1];
	s3 =	simm.s32 $0x0;
	s7 =	smul.u32 $0x2710, s0  }
0x4: {  	s15 =	simm.s32 $0x28;
	s16 =	simm.s32 $0x0;
	s24 =	smul.u32 $0x13C00, s0  }
0x5: {  	s6 =	sand.u32 $0x1, s1;
	s1 =	rddreg [dreg:$0x2];
	s29 =	smul.u32 $0x4F000, s0  }
0x6: {  	[smem:$0x7FF] =	sst s3;
	s12 =	sshll.u32 s0, $0x6;
	s8 =	smul.u32 $0x1388, s6  }
0x7: {  	s9 =	smul.u32 $0x13C000, s6;
	_ =	strace $0x80000053;
	s28 =	ssub.s32 $0x2, s6  }
0x8: {  	s13 =	smul.u32 $0x13880, s6;
	s10 =	sadd.s32 s4, s5;
	s4 =	sadd.s32 $0x2E00, s5  }
0x9: {  	s30 =	sshrl.u32 s28, $0x1;
	s7 =	sadd.s32 s8, s7;
	s25 =	sadd.s32 s24, s9  }
0xa: {  	s9 =	sshrl.u32 s29, $0x2;
	s8 =	ssub.s32 s28, s30;
	s31 =	sadd.s32 s13, s10  }
0xb: {  	s13 =	simm.s32 $0x1;
	s7 =	sshrl.u32 s7, $0x3;
	s26 =	sshrl.u32 s25, $0x3  }
0xc: {  	s14 =	sadd.s32 s9, s2;
	s11 =	sadd.s32 s7, s5;
	s7 =	sadd.s32 s26, s5  }
0xd: {  	s5 =	sor.u32 $0x1C03, s12;
	s10 =	sshrl.u32 s14, $0x3;
	s12 =	simm.s32 $0x80  }
0xe: {  	s14 =	simm.s32 $0x2;
	s6 =	sadd.s32 $0x31BE00, s7;
	s7 =	smax.u32 s8, $0x1  }
0xf: {  	s8 =	sadd.s32 $0xC69000, s31;
	s9 =	sadd.s32 $0x7E00, s11;
	s11 =	simm.s32 $0x3  }
.LBB2_1:
0x10: {  	[spmem:s10], [sflag:s5] =	dma.local [hbm:s4], $0x2780  }
0x11: {  	_ =	swait.ge [sflag:s11], $0x2780  }
0x12: {  	[sflag:s11] =	ssyncset.done $0x0  }
0x13: {  	[sflag:s11] =	ssyncadd.s32 $0xFFFFD880  }
0x14: {  	s17 =	sadd.s32 $0x0, s9;
	[bflag:$0x0] =	sbarrier.arrive $0xFFFF  }
0x15: {  	[tilespmem:s3], [sflag:$0x1] =	stream.linear.gather [hbm4b:s17+s3], $0x28, $0x38;
	[tilespmem:$0x15080] =	vst v63  }
0x16: {  	_ = 	snop  }
0x17: {  	[tilespmem:s12], [sflag:$0x2] =	stream.linear.gather [hbm4b:s8+s3], $0x1400, $0x38;
	[tilespmem:$0x15080] =	vst v63  }
0x18: {  	_ =	swait.ge [sflag:s13], $0x28  }
0x19: {  	[sflag:s13] =	ssyncset.done $0x0  }
0x1a: {  	[sflag:s13] =	ssyncadd.s32 $0xFFFFFFD8  }
0x1b: {  	_ =	swait.ge [sflag:s14], $0x1400  }
0x1c: {  	[sflag:s14] =	ssyncset.done $0x0  }
0x1d: {  	[sflag:s14] =	ssyncadd.s32 $0xFFFFEC00  }
0x1e: {  	[spmem:s2] =	stream.indirect.scatter.add.f32 [tilespmem:s12], [sflag:$0x3], $0x80, s3, s15, $0xb8;
	[tilespmem:$0x15080] =	vst v63  }
0x1f: {  	s18 =	simm.s32 $0x5;
	_ =	swait.ge [sflag:s11], $0x1400  }
0x20: {  	s19 =	simm.s32 $0xA;
	s17 =	sadd.s32 $0x280, s8;
	[sflag:s11] =	ssyncset.done $0x0  }
.LBB2_2:
0x21: {  	s20 =	sadd.s32 s18, s9  }
0x22: {  	[sflag:s11] =	ssyncadd.s32 $0xFFFFEC00;
	s18 =	smov.u32 s19;
	s21 =	sadd.s32 $0x5, s19  }
0x23: {  	[tilespmem:s3], [sflag:$0x1] =	stream.linear.gather [hbm4b:s20+s3], $0x28, $0x38;
	[tilespmem:$0x15080] =	vst v63  }
0x24: {  	p0 =	sne.s32 s19, $0x26C  }
0x25: {  	[tilespmem:s12], [sflag:$0x2] =	stream.linear.gather [hbm4b:s17+s3], $0x1400, $0x38;
	[tilespmem:$0x15080] =	vst v63  }
0x26: {  	_ =	swait.ge [sflag:s13], $0x28  }
0x27: {  	[sflag:s13] =	ssyncset.done $0x0  }
0x28: {  	[sflag:s13] =	ssyncadd.s32 $0xFFFFFFD8  }
0x29: {  	_ =	swait.ge [sflag:s14], $0x1400  }
.Ltmp0:
0x2a: {  	[sflag:s14] =	ssyncset.done $0x0;
	(pc) =	sbr.rel @p0 .LBB2_2-.Ltmp0, $4  }
0x2b: {  	[sflag:s14] =	ssyncadd.s32 $0xFFFFEC00  }
0x2c: {  	[spmem:s2] =	stream.indirect.scatter.add.f32 [tilespmem:s12], [sflag:$0x3], $0x80, s3, s15, $0xb8;
	[tilespmem:$0x15080] =	vst v63  }
0x2d: {  	_ =	swait.ge [sflag:s11], $0x1400  }
0x2e: {  	s19 =	smov.u32 s21;
	s17 =	sadd.s32 $0x280, s17;
	[sflag:s11] =	ssyncset.done $0x0  }
0x2f: {  	s18 =	sadd.s32 s18, s9;
	[sflag:s11] =	ssyncadd.s32 $0xFFFFEC00  }
0x30: {  	[tilespmem:s3], [sflag:$0x1] =	stream.linear.gather [hbm4b:s18+s3], $0x28, $0x38;
	[tilespmem:$0x15080] =	vst v63  }
0x31: {  	_ = 	snop  }
0x32: {  	[tilespmem:s12], [sflag:$0x2] =	stream.linear.gather [hbm4b:s17+s3], $0x1400, $0x38;
	[tilespmem:$0x15080] =	vst v63  }
0x33: {  	_ =	swait.ge [sflag:s13], $0x28  }
0x34: {  	[sflag:s13] =	ssyncset.done $0x0  }
0x35: {  	[sflag:s13] =	ssyncadd.s32 $0xFFFFFFD8  }
0x36: {  	_ =	swait.ge [sflag:s14], $0x1400  }
0x37: {  	[sflag:s14] =	ssyncset.done $0x0  }
0x38: {  	[sflag:s14] =	ssyncadd.s32 $0xFFFFEC00  }
0x39: {  	[spmem:s2] =	stream.indirect.scatter.add.f32 [tilespmem:s12], [sflag:$0x3], $0x80, s3, s15, $0xb8;
	[tilespmem:$0x15080] =	vst v63  }
0x3a: {  	_ =	swait.ge [sflag:s11], $0x1400  }
0x3b: {  	s16 =	sadd.s32 $0x1, s16;
	[sflag:s11] =	ssyncset.done $0x0  }
0x3c: {  	p0 =	sne.s32 s16, s7;
	[sflag:s11] =	ssyncadd.s32 $0xFFFFEC00  }
.Ltmp1:
0x3d: {  	[bflag:$0x0] =	sbarrier.arrive $0xFFFF;
	(pc) =	sbr.rel @p0 .LBB2_1-.Ltmp1, $4  }
0x3e: {  	[hbm:s6], [sflag:s5] =	dma.local [spmem:s10], $0x2780  }
0x3f: {  	_ =	swait.ge [sflag:s11], $0x2780  }
0x40: {  	[sflag:s11] =	ssyncset.done $0x0  }
0x41: {  	[sflag:s11] =	ssyncadd.s32 $0xFFFFD880  }
0x42: {  	_ =	sfence.sel $0x180000  }
0x43: {  	[bflag:$0x0] =	sbarrier.arrive $0xFFFF  }
0x44: {  	p0 =	sne.s32 s0, $0x0;
	_ =	strace $0x90000053  }
0x45: {  	s0 =	sadd.s32 @!p0 $0x100000, s1;
	[bflag:$0x2] =	sbarrier.arrive $0xFFFF  }
0x46: {  	[sflag:s0] =	ssyncadd.tile.s32 @!p0 $0x1;
	_ =	shalt  }
.Lfunc_end2:
_tile_overlayer_lowered:
.L_overlay_start_2:
0x47: {  	(tag) =	ssettag $0x2  }
0x48: {  	s0 =	rddreg [dreg:$0x0];
	s2 =	stileid.u32  }
0x49: {  	s1 =	rddreg [dreg:$0x1];
	p0 =	sne.s32 s2, $0x0  }
0x4a: {  	s3 =	rddreg [dreg:$0x2];
	[bflag:$0x3] =	sbarrier.arrive $0xFFFF;
	s2 =	simm.s32 @!p0 $0x1C03  }
0x4b: {  	[timem:s3], [sflag:s2] =	dma.local @!p0 [hbm:s0], s1  }
0x4c: {  	s0 =	simm.s32 @!p0 $0x3  }
0x4d: {  	_ =	swait.ge @!p0 [sflag:s0], s1  }
0x4e: {  	s1 =	ssub.s32 @!p0 $0x0, s1;
	[sflag:s0] =	ssyncset.done @!p0 $0x0  }
0x4f: {  	[sflag:s0] =	ssyncadd.s32 @!p0 s1  }
0x50: {  	[bflag:$0x3] =	sbarrier.arrive $0xFFFF  }
0x51: {  	_ =	shalt  }

// kernel: kernel.25.cloned.1.call-start
scs
__scs_entry_jumppad:
0x0: {  	(pc) =	sbr.rel $0x88, $3  }
0x1: {  	(tag) =	ssettag $0x0;
	lr =	simm.s32 $0x1  }
0x2: {  	[smem:$0x3F95] =	sst lr;
	_ =	strace $0xD0000000  }
0x3: {  	_ = 	snop  }
0x4: {  	_ = 	snop  }
0x5: {  	_ = 	snop  }
0x6: {  	_ = 	snop  }
0x7: {  	_ = 	snop  }
__scs_overlays_trampoline_lowered:
0x8: {  	[smem:$0x3FA4] =	sst s0  }
0x9: {  	[smem:$0x3FA5] =	sst s1  }
0xa: {  	[smem:$0x3FA6] =	sst s2  }
0xb: {  	[smem:$0x3FA7] =	sst s3  }
0xc: {  	[smem:$0x3FA8] =	sst s4  }
0xd: {  	[smem:$0x3FA9] =	sst s5  }
0xe: {  	[smem:$0x3FAA] =	sst s6  }
0xf: {  	[smem:$0x3FAB] =	sst s7  }
0x10: {  	[smem:$0x3FAC] =	sst s8  }
0x11: {  	[smem:$0x3FAD] =	sst s9;
	s0 =	simm.s32 @!p0 $0x0  }
0x12: {  	s1 =	sld [smem:$0x3F93];
	s0 =	simm.s32 @p0 $0x1  }
0x13: {  	[smem:$0x3FAE] =	sst s0;
	s0 =	simm.s32 @!p1 $0x0  }
0x14: {  	s2 =	sld [smem:$0x3F92];
	s0 =	simm.s32 @p1 $0x1  }
0x15: {  	[smem:$0x3FAF] =	sst s0;
	s0 =	simm.s32 @!p2 $0x0  }
0x16: {  	s3 =	sld [smem:$0x3FDB];
	s0 =	simm.s32 @p2 $0x1  }
0x17: {  	s4 =	simm.s32 $0x1BF5;
	[smem:$0x3FB1] =	sst s0  }
0x18: {  	s0 =	sld [smem:$0x3F94];
	_ =	swait.ge [sflag:s4], $0x0  }
0x19: {  	s7 =	sld [smem:$0x3F95]  }
0x1a: {  	s8 =	sadd.s32 $0xFFFFE003, lr  }
0x1b: {  	s9 =	sadd.s32 $0xFFFFFEF7, lr;
	s5 =	simm.s32 $0xFFFFFFFF;
	p2 =	slt.u32 s8, $0xFFFFF086  }
0x1c: {  	p1 =	slt.u32 s9, $0xF7A;
	s5 =	simm.s32 @!p2 $0x0  }
0x1d: {  	s5 =	simm.s32 @p1 $0x1;
	p0 =	seq.s32 s7, s2  }
0x1e: {  	s7 =	smul.u32 @!p0 $0xF7A, s2;
	p2 =	seq.s32 @!p0 s5, $0x0  }
0x1f: {  	s9 =	smul.u32 $0xF7A, s1;
	s8 =	simm.s32 @!p0 $0x1BF5;
	p2 =	por !p2, p0  }
0x20: {  	[sflag:s8] =	ssyncset.s32 @!p0 $0xFFFFF086;
	s6 =	sadd.s32 @!p0 s3, s7;
	s7 =	simm.s32 @!p0 $0x108  }
0x21: {  	s3 =	sadd.s32 s3, s9;
	s6 =	sadd.s32 @!p0 $0x88, s6;
	s7 =	simm.s32 @p2 $0x1082  }
0x22: {  	[simem:s7], [sflag:s8] =	dma.local @!p0 [hbm:s6], $0xF7A  }
0x23: {  	s9 =	sor.u32 $0xD0000000, s2;
	s6 =	simm.s32 $0x108;
	_ =	swait.ge @!p0 [sflag:s8], $0x0  }
0x24: {  	s3 =	sadd.s32 $0x88, s3;
	s6 =	simm.s32 @!p1 $0x1082;
	[sflag:s4] =	ssyncset.s32 $0xFFFFF086  }
0x25: {  	[simem:s6], [sflag:s4] =	dma.local [hbm:s3], $0xF7A  }
0x26: {  	[smem:$0x3F95] =	sst s1;
	(tag) =	ssettag s2;
	_ =	strace s9  }
0x27: {  	s1 =	sld [smem:$0x3FA5]  }
0x28: {  	s2 =	sld [smem:$0x3FA6]  }
0x29: {  	s4 =	sld [smem:$0x3FA8]  }
0x2a: {  	p0 =	seq.s32 s5, $0x0;
	s5 =	sld [smem:$0x3FA9]  }
0x2b: {  	s6 =	sld [smem:$0x3FAA]  }
0x2c: {  	s7 =	sld [smem:$0x3FAB]  }
0x2d: {  	s3 =	simm.s32 $0x108;
	s8 =	sld [smem:$0x3FAC]  }
0x2e: {  	s3 =	simm.s32 @!p0 $0x1082;
	s9 =	sld [smem:$0x3FAD]  }
0x2f: {  	lr =	sadd.s32 s0, s3;
	s0 =	sld [smem:$0x3FA4]  }
0x30: {  	s3 =	sld [smem:$0x3FA7]  }
0x31: {  	[smem:$0x3FB0] =	sst s10  }
0x32: {  	s10 =	sld [smem:$0x3FAE];
	_ =	sdelay $0x3  }
0x33: {  	p0 =	seq.s32 s10, $0x1;
	s10 =	sld [smem:$0x3FB0];
	_ =	sdelay $0x3  }
0x34: {  	[smem:$0x3FB0] =	sst s10  }
0x35: {  	s10 =	sld [smem:$0x3FAF];
	_ =	sdelay $0x3  }
0x36: {  	p1 =	seq.s32 s10, $0x1;
	s10 =	sld [smem:$0x3FB0];
	_ =	sdelay $0x3  }
0x37: {  	[smem:$0x3FB0] =	sst s10  }
0x38: {  	s10 =	sld [smem:$0x3FB1]  }
0x39: {  	_ = 	snop;
	(pc) =	sbr.ind lr, $3  }
0x3a: {  	_ = 	snop  }
0x3b: {  	_ = 	snop  }
0x3c: {  	p2 =	seq.s32 s10, $0x1;
	s10 =	sld [smem:$0x3FB0]  }
0x3d: {  	_ =	shalt  }
0x3e: {  	_ =	shalt  }
0x3f: {  	_ =	shalt  }
0x40: {  	_ =	shalt  }
0x41: {  	_ =	shalt  }
0x42: {  	_ =	shalt  }
0x43: {  	_ =	shalt  }
0x44: {  	_ =	shalt  }
0x45: {  	_ =	shalt  }
0x46: {  	_ =	shalt  }
0x47: {  	_ =	shalt  }
0x48: {  	_ =	shalt  }
0x49: {  	_ =	shalt  }
0x4a: {  	_ =	shalt  }
0x4b: {  	_ =	shalt  }
0x4c: {  	_ =	shalt  }
0x4d: {  	_ =	shalt  }
0x4e: {  	_ =	shalt  }
0x4f: {  	_ =	shalt  }
0x50: {  	_ =	shalt  }
0x51: {  	_ =	shalt  }
0x52: {  	_ =	shalt  }
0x53: {  	_ =	shalt  }
0x54: {  	_ =	shalt  }
0x55: {  	_ =	shalt  }
0x56: {  	_ =	shalt  }
0x57: {  	_ =	shalt  }
0x58: {  	_ =	shalt  }
0x59: {  	_ =	shalt  }
0x5a: {  	_ =	shalt  }
0x5b: {  	_ =	shalt  }
0x5c: {  	_ =	shalt  }
0x5d: {  	_ =	shalt  }
0x5e: {  	_ =	shalt  }
0x5f: {  	_ =	shalt  }
0x60: {  	_ =	shalt  }
0x61: {  	_ =	shalt  }
0x62: {  	_ =	shalt  }
0x63: {  	_ =	shalt  }
0x64: {  	_ =	shalt  }
0x65: {  	_ =	shalt  }
0x66: {  	_ =	shalt  }
0x67: {  	_ =	shalt  }
0x68: {  	_ =	shalt  }
0x69: {  	_ =	shalt  }
0x6a: {  	_ =	shalt  }
0x6b: {  	_ =	shalt  }
0x6c: {  	_ =	shalt  }
0x6d: {  	_ =	shalt  }
0x6e: {  	_ =	shalt  }
0x6f: {  	_ =	shalt  }
0x70: {  	_ =	shalt  }
0x71: {  	_ =	shalt  }
0x72: {  	_ =	shalt  }
0x73: {  	_ =	shalt  }
0x74: {  	_ =	shalt  }
0x75: {  	_ =	shalt  }
0x76: {  	_ =	shalt  }
0x77: {  	_ =	shalt  }
0x78: {  	_ =	shalt  }
0x79: {  	_ =	shalt  }
0x7a: {  	_ =	shalt  }
0x7b: {  	_ =	shalt  }
0x7c: {  	_ =	shalt  }
0x7d: {  	_ =	shalt  }
0x7e: {  	_ =	shalt  }
0x7f: {  	_ =	shalt  }
0x80: {  	_ =	shalt  }
0x81: {  	_ =	shalt  }
0x82: {  	_ =	shalt  }
0x83: {  	_ =	shalt  }
0x84: {  	_ =	shalt  }
0x85: {  	_ =	shalt  }
0x86: {  	_ =	shalt  }
0x87: {  	_ =	shalt  }
.Lfunc_end0:
.L_simem_size_0:
called_computation.4_lowered:
.L_overlay_start_0:
0x88: {  	s2 =	sld [smem:$0x3FD9]  }
0x89: {  	s3 =	sld [smem:$0x3FFE];
	_ =	sdelay $0x1  }
0x8a: {  	s1 =	srdreg.scid  }
0x8b: {  	s0 =	sand.u32 $0x1, s1  }
0x8c: {  	s17 =	sshll.u32 s0, $0xA;
	s2 =	sadd.s32 s3, s2  }
0x8d: {  	s2 =	sadd.s32 s2, s17  }
0x8e: {  	[smem:$0x3FBC] =	sst s2  }
0x8f: {  	_ = 	snop  }
0x90: {  	(tm) =	ssettm $0x1  }
0x91: {  	s18 =	sld [smem:$0x3FFB];
	_ =	sdelay $0x3  }
0x92: {  	_ =	strace s18  }
0x93: {  	s2 =	sld [smem:$0x3FFC];
	_ =	sdelay $0x3  }
0x94: {  	_ =	strace s2  }
0x95: {  	s2 =	sld [smem:$0x3FFD];
	_ =	sdelay $0x3  }
0x96: {  	_ =	strace s2  }
0x97: {  	_ =	strace $0x8FFFFFFF  }
0x98: {  	s19 =	sld [smem:$0x3FDB];
	_ =	sdelay $0x1  }
0x99: {  	s20 =	simm.s32 $_scs_section_size  }
0x9a: {  	s4 =	simm.s32 $_size__tile_overlayer_lowered;
	s5 =	simm.s32 $_tile_overlayer_lowered  }
0x9b: {  	s6 =	simm.s32 $0x1BFF;
	s21 =	sshll.u32 s5, $0x1;
	s3 =	sadd.s32 s20, s19  }
0x9c: {  	s22 =	simm.s32 $0x0;
	s4 =	sshll.u32 s4, $0x1;
	s5 =	sadd.s32 s21, s3  }
0x9d: {  	[timem:s22], [sflag:s6] =	dma.local [hbm:s5], s4  }
0x9e: {  	_ =	swait.ge [sflag:s6], s4  }
0x9f: {  	s4 =	ssub.s32 $0x0, s4;
	[sflag:s6] =	ssyncset.done $0x0  }
0xa0: {  	[sflag:s6] =	ssyncadd.s32 s4;
	_ =	sdelay $0x1  }
0xa1: {  	s23 =	simm.s32 $0x1B8B  }
0xa2: {  	_ =	swait.ge [sflag:s23], $0x1  }
0xa3: {  	[sflag:s23] =	ssyncset.done $0x0  }
0xa4: {  	[sflag:s23] =	ssyncadd.s32 $0xFFFFFFFF  }
0xa5: {  	s4 =	sld [smem:$0x0]  }
0xa6: {  	s5 =	sand.u32 $0xFFFFFFFE, s1  }
0xa7: {  	p0 =	sne.s32 s1, s5  }
0xa8: {  	s5 =	sshll.u32 @p0 s5, $0xE  }
0xa9: {  	s5 =	sadd.s32 @p0 $0x11B8D, s5;
	s6 =	sshll.u32 @p0 s4, $0x11  }
0xaa: {  	s5 =	sor.u32 @p0 s6, s5  }
0xab: {  	[sflag:s5] =	ssyncadd.remote.s32 @p0 $0x1;
	_ =	sdelay $0x1  }
0xac: {  	s5 =	simm.s32 @p0 $0x1B8D  }
0xad: {  	_ =	swait.eq @p0 [sflag:s5], $0x1  }
0xae: {  	[sflag:s5] =	ssyncadd.s32 @p0 $0xFFFFFFFF  }
0xaf: {  	s6 =	sshll.u32 @!p0 s1, $0xE  }
0xb0: {  	s6 =	sor.u32 @!p0 $0x4000, s6;
	s5 =	simm.s32 @!p0 $0x1B8D  }
0xb1: {  	s4 =	sshll.u32 @!p0 s4, $0x11;
	s6 =	sadd.s32 @!p0 $0x11B8D, s6;
	_ =	swait.eq @!p0 [sflag:s5], $0x1  }
0xb2: {  	s4 =	sor.u32 @!p0 s4, s6;
	[sflag:s5] =	ssyncadd.s32 @!p0 $0xFFFFFFFF  }
0xb3: {  	s25 =	simm.s32 $0x1B8E;
	s24 =	sld [smem:$0x3FFE];
	[sflag:s4] =	ssyncadd.remote.s32 @!p0 $0x1  }
0xb4: {  	s26 =	simm.s32 $execute0_lowered;
	[smem:$0x3FD2] =	sst s25  }
0xb5: {  	s5 =	sshll.u32 s26, $0x1;
	_ =	strace $0x8000004F;
	[dreg:$0x1] =	wrdreg $0xFFFFFFFF  }
0xb6: {  	s28 =	simm.s32 $_size_execute0_lowered;
	s3 =	sadd.s32 s3, s5;
	[dreg:$0x0] =	wrdreg $0x0  }
0xb7: {  	s5 =	sshll.u32 s28, $0x1;
	[dreg:$0x2] =	wrdreg s3  }
0xb8: {  	[dreg:$0x3] =	wrdreg s5  }
0xb9: {  	[dreg:$0x4] =	wrdreg $0xC0  }
0xba: {  	_ =	task [dreg:s22], $0x5FFFF  }
0xbb: {  	[dreg:$0x1] =	wrdreg $0xFFFFFFFF  }
0xbc: {  	[dreg:$0x0] =	wrdreg $0x60  }
0xbd: {  	[dreg:$0x2] =	wrdreg s24  }
0xbe: {  	[dreg:$0x3] =	wrdreg $0x14800  }
0xbf: {  	[dreg:$0x4] =	wrdreg $0xB  }
0xc0: {  	_ =	task.clear_ibuf [dreg:s22], $0x5FFFF;
	_ =	strace $0x9000004F  }
0xc1: {  	s29 =	simm.s32 $0xB;
	_ =	strace $0x80000051  }
0xc2: {  	_ =	swait.ge [sflag:s29], $0x1  }
0xc3: {  	[sflag:s29] =	ssyncadd.s32 $0xFFFFFFFF  }
0xc4: {  	_ =	strace $0x90000051  }
0xc5: {  	_ =	sfence  }
0xc6: {  	s30 =	sld [smem:$0x0];
	_ =	sdelay $0x2  }
0xc7: {  	s31 =	sshll.u32 s1, $0xD;
	s1 =	sshrl.u32 s1, $0x2  }
0xc8: {  	s4 =	sand.u32 $0x4000, s31;
	s1 =	sadd.s32 s1, s30  }
0xc9: {  	s0 =	sor.u32 s4, s0;
	s1 =	sshll.u32 s1, $0x11  }
0xca: {  	s0 =	sor.u32 s1, s0  }
0xcb: {  	s0 =	sadd.s32 $0x8F2B, s0  }
0xcc: {  	[sflag:s0] =	ssyncadd.remote.s32 $0x1  }
0xcd: {  	_ =	sfence.sel $0xFFFF  }
0xce: {  	[dreg:$0x0] =	wrdreg $0xFFFFFFFF;
	(pc) =	sbr.abs _section_cstart, $3  }
0xcf: {  	[dreg:$0x1] =	wrdreg $0xFFFFFFFF  }
0xd0: {  	_ =	task.clear_ibuf [dreg:s22], $0x2FFFF;
	_ =	strace $0x9FFFFFFF  }
0xd1: {  	(tm) =	ssettm $0x7FFFFFFF  }
tec
execute0_lowered:
.L_overlay_start_1:
0x0: {  	(tag) =	ssettag $0x1  }
0x1: {  	s0 =	stileid.u32;
	s1 =	srdreg.scid  }
0x2: {  	s5 =	rddreg [dreg:$0x0];
	s4 =	smul.u32 $0x27100, s0  }
0x3: {  	s2 =	rddreg [dreg:$0x1];
	s3 =	simm.s32 $0x0;
	s7 =	smul.u32 $0x2710, s0  }
0x4: {  	s15 =	simm.s32 $0x28;
	s16 =	simm.s32 $0x0;
	s24 =	smul.u32 $0x13C00, s0  }
0x5: {  	s6 =	sand.u32 $0x1, s1;
	s1 =	rddreg [dreg:$0x2];
	s29 =	smul.u32 $0x4F000, s0  }
0x6: {  	[smem:$0x7FF] =	sst s3;
	s12 =	sshll.u32 s0, $0x6;
	s8 =	smul.u32 $0x1388, s6  }
0x7: {  	s9 =	smul.u32 $0x13C000, s6;
	_ =	strace $0x80000050;
	s28 =	ssub.s32 $0x2, s6  }
0x8: {  	s13 =	smul.u32 $0x13880, s6;
	s10 =	sadd.s32 s4, s5;
	s4 =	sadd.s32 $0x2E00, s5  }
0x9: {  	s30 =	sshrl.u32 s28, $0x1;
	s7 =	sadd.s32 s8, s7;
	s25 =	sadd.s32 s24, s9  }
0xa: {  	s9 =	sshrl.u32 s29, $0x2;
	s8 =	ssub.s32 s28, s30;
	s31 =	sadd.s32 s13, s10  }
0xb: {  	s13 =	simm.s32 $0x1;
	s7 =	sshrl.u32 s7, $0x3;
	s26 =	sshrl.u32 s25, $0x3  }
0xc: {  	s14 =	sadd.s32 s9, s2;
	s11 =	sadd.s32 s7, s5;
	s7 =	sadd.s32 s26, s5  }
0xd: {  	s5 =	sor.u32 $0x1C03, s12;
	s10 =	sshrl.u32 s14, $0x3;
	s12 =	simm.s32 $0x80  }
0xe: {  	s14 =	simm.s32 $0x2;
	s6 =	sadd.s32 $0x2CCE00, s7;
	s7 =	smax.u32 s8, $0x1  }
0xf: {  	s8 =	sadd.s32 $0x9F8000, s31;
	s9 =	sadd.s32 $0x7E00, s11;
	s11 =	simm.s32 $0x3  }
.LBB2_1:
0x10: {  	[spmem:s10], [sflag:s5] =	dma.local [hbm:s4], $0x2780  }
0x11: {  	_ =	swait.ge [sflag:s11], $0x2780  }
0x12: {  	[sflag:s11] =	ssyncset.done $0x0  }
0x13: {  	[sflag:s11] =	ssyncadd.s32 $0xFFFFD880  }
0x14: {  	s17 =	sadd.s32 $0x0, s9;
	[bflag:$0x0] =	sbarrier.arrive $0xFFFF  }
0x15: {  	[tilespmem:s3], [sflag:$0x1] =	stream.linear.gather [hbm4b:s17+s3], $0x28, $0x38;
	[tilespmem:$0x15080] =	vst v63  }
0x16: {  	_ = 	snop  }
0x17: {  	[tilespmem:s12], [sflag:$0x2] =	stream.linear.gather [hbm4b:s8+s3], $0x1400, $0x38;
	[tilespmem:$0x15080] =	vst v63  }
0x18: {  	_ =	swait.ge [sflag:s13], $0x28  }
0x19: {  	[sflag:s13] =	ssyncset.done $0x0  }
0x1a: {  	[sflag:s13] =	ssyncadd.s32 $0xFFFFFFD8  }
0x1b: {  	_ =	swait.ge [sflag:s14], $0x1400  }
0x1c: {  	[sflag:s14] =	ssyncset.done $0x0  }
0x1d: {  	[sflag:s14] =	ssyncadd.s32 $0xFFFFEC00  }
0x1e: {  	[spmem:s2] =	stream.indirect.scatter.add.f32 [tilespmem:s12], [sflag:$0x3], $0x80, s3, s15, $0xb8;
	[tilespmem:$0x15080] =	vst v63  }
0x1f: {  	s18 =	simm.s32 $0x5;
	_ =	swait.ge [sflag:s11], $0x1400  }
0x20: {  	s19 =	simm.s32 $0xA;
	s17 =	sadd.s32 $0x280, s8;
	[sflag:s11] =	ssyncset.done $0x0  }
.LBB2_2:
0x21: {  	s20 =	sadd.s32 s18, s9  }
0x22: {  	[sflag:s11] =	ssyncadd.s32 $0xFFFFEC00;
	s18 =	smov.u32 s19;
	s21 =	sadd.s32 $0x5, s19  }
0x23: {  	[tilespmem:s3], [sflag:$0x1] =	stream.linear.gather [hbm4b:s20+s3], $0x28, $0x38;
	[tilespmem:$0x15080] =	vst v63  }
0x24: {  	p0 =	sne.s32 s19, $0x26C  }
0x25: {  	[tilespmem:s12], [sflag:$0x2] =	stream.linear.gather [hbm4b:s17+s3], $0x1400, $0x38;
	[tilespmem:$0x15080] =	vst v63  }
0x26: {  	_ =	swait.ge [sflag:s13], $0x28  }
0x27: {  	[sflag:s13] =	ssyncset.done $0x0  }
0x28: {  	[sflag:s13] =	ssyncadd.s32 $0xFFFFFFD8  }
0x29: {  	_ =	swait.ge [sflag:s14], $0x1400  }
.Ltmp0:
0x2a: {  	[sflag:s14] =	ssyncset.done $0x0;
	(pc) =	sbr.rel @p0 .LBB2_2-.Ltmp0, $4  }
0x2b: {  	[sflag:s14] =	ssyncadd.s32 $0xFFFFEC00  }
0x2c: {  	[spmem:s2] =	stream.indirect.scatter.add.f32 [tilespmem:s12], [sflag:$0x3], $0x80, s3, s15, $0xb8;
	[tilespmem:$0x15080] =	vst v63  }
0x2d: {  	_ =	swait.ge [sflag:s11], $0x1400  }
0x2e: {  	s19 =	smov.u32 s21;
	s17 =	sadd.s32 $0x280, s17;
	[sflag:s11] =	ssyncset.done $0x0  }
0x2f: {  	s18 =	sadd.s32 s18, s9;
	[sflag:s11] =	ssyncadd.s32 $0xFFFFEC00  }
0x30: {  	[tilespmem:s3], [sflag:$0x1] =	stream.linear.gather [hbm4b:s18+s3], $0x28, $0x38;
	[tilespmem:$0x15080] =	vst v63  }
0x31: {  	_ = 	snop  }
0x32: {  	[tilespmem:s12], [sflag:$0x2] =	stream.linear.gather [hbm4b:s17+s3], $0x1400, $0x38;
	[tilespmem:$0x15080] =	vst v63  }
0x33: {  	_ =	swait.ge [sflag:s13], $0x28  }
0x34: {  	[sflag:s13] =	ssyncset.done $0x0  }
0x35: {  	[sflag:s13] =	ssyncadd.s32 $0xFFFFFFD8  }
0x36: {  	_ =	swait.ge [sflag:s14], $0x1400  }
0x37: {  	[sflag:s14] =	ssyncset.done $0x0  }
0x38: {  	[sflag:s14] =	ssyncadd.s32 $0xFFFFEC00  }
0x39: {  	[spmem:s2] =	stream.indirect.scatter.add.f32 [tilespmem:s12], [sflag:$0x3], $0x80, s3, s15, $0xb8;
	[tilespmem:$0x15080] =	vst v63  }
0x3a: {  	_ =	swait.ge [sflag:s11], $0x1400  }
0x3b: {  	s16 =	sadd.s32 $0x1, s16;
	[sflag:s11] =	ssyncset.done $0x0  }
0x3c: {  	p0 =	sne.s32 s16, s7;
	[sflag:s11] =	ssyncadd.s32 $0xFFFFEC00  }
.Ltmp1:
0x3d: {  	[bflag:$0x0] =	sbarrier.arrive $0xFFFF;
	(pc) =	sbr.rel @p0 .LBB2_1-.Ltmp1, $4  }
0x3e: {  	[hbm:s6], [sflag:s5] =	dma.local [spmem:s10], $0x2780  }
0x3f: {  	_ =	swait.ge [sflag:s11], $0x2780  }
0x40: {  	[sflag:s11] =	ssyncset.done $0x0  }
0x41: {  	[sflag:s11] =	ssyncadd.s32 $0xFFFFD880  }
0x42: {  	_ =	sfence.sel $0x180000  }
0x43: {  	[bflag:$0x0] =	sbarrier.arrive $0xFFFF  }
0x44: {  	p0 =	sne.s32 s0, $0x0;
	_ =	strace $0x90000050  }
0x45: {  	s0 =	sadd.s32 @!p0 $0x100000, s1;
	[bflag:$0x2] =	sbarrier.arrive $0xFFFF  }
0x46: {  	[sflag:s0] =	ssyncadd.tile.s32 @!p0 $0x1;
	_ =	shalt  }
.Lfunc_end2:
_tile_overlayer_lowered:
.L_overlay_start_2:
0x47: {  	(tag) =	ssettag $0x2  }
0x48: {  	s0 =	rddreg [dreg:$0x0];
	s2 =	stileid.u32  }
0x49: {  	s1 =	rddreg [dreg:$0x1];
	p0 =	sne.s32 s2, $0x0  }
0x4a: {  	s3 =	rddreg [dreg:$0x2];
	[bflag:$0x3] =	sbarrier.arrive $0xFFFF;
	s2 =	simm.s32 @!p0 $0x1C03  }
0x4b: {  	[timem:s3], [sflag:s2] =	dma.local @!p0 [hbm:s0], s1  }
0x4c: {  	s0 =	simm.s32 @!p0 $0x3  }
0x4d: {  	_ =	swait.ge @!p0 [sflag:s0], s1  }
0x4e: {  	s1 =	ssub.s32 @!p0 $0x0, s1;
	[sflag:s0] =	ssyncset.done @!p0 $0x0  }
0x4f: {  	[sflag:s0] =	ssyncadd.s32 @!p0 s1  }
0x50: {  	[bflag:$0x3] =	sbarrier.arrive $0xFFFF  }
0x51: {  	_ =	shalt  }

// kernel: kernel.28.cloned.1.call-start
scs
__scs_entry_jumppad:
0x0: {  	(pc) =	sbr.rel $0x88, $3  }
0x1: {  	(tag) =	ssettag $0x0;
	lr =	simm.s32 $0x1  }
0x2: {  	[smem:$0x3F95] =	sst lr;
	_ =	strace $0xD0000000  }
0x3: {  	_ = 	snop  }
0x4: {  	_ = 	snop  }
0x5: {  	_ = 	snop  }
0x6: {  	_ = 	snop  }
0x7: {  	_ = 	snop  }
__scs_overlays_trampoline_lowered:
0x8: {  	[smem:$0x3FA4] =	sst s0  }
0x9: {  	[smem:$0x3FA5] =	sst s1  }
0xa: {  	[smem:$0x3FA6] =	sst s2  }
0xb: {  	[smem:$0x3FA7] =	sst s3  }
0xc: {  	[smem:$0x3FA8] =	sst s4  }
0xd: {  	[smem:$0x3FA9] =	sst s5  }
0xe: {  	[smem:$0x3FAA] =	sst s6  }
0xf: {  	[smem:$0x3FAB] =	sst s7  }
0x10: {  	[smem:$0x3FAC] =	sst s8  }
0x11: {  	[smem:$0x3FAD] =	sst s9;
	s0 =	simm.s32 @!p0 $0x0  }
0x12: {  	s1 =	sld [smem:$0x3F93];
	s0 =	simm.s32 @p0 $0x1  }
0x13: {  	[smem:$0x3FAE] =	sst s0;
	s0 =	simm.s32 @!p1 $0x0  }
0x14: {  	s2 =	sld [smem:$0x3F92];
	s0 =	simm.s32 @p1 $0x1  }
0x15: {  	[smem:$0x3FAF] =	sst s0;
	s0 =	simm.s32 @!p2 $0x0  }
0x16: {  	s3 =	sld [smem:$0x3FDB];
	s0 =	simm.s32 @p2 $0x1  }
0x17: {  	s4 =	simm.s32 $0x1BF5;
	[smem:$0x3FB1] =	sst s0  }
0x18: {  	s0 =	sld [smem:$0x3F94];
	_ =	swait.ge [sflag:s4], $0x0  }
0x19: {  	s7 =	sld [smem:$0x3F95]  }
0x1a: {  	s8 =	sadd.s32 $0xFFFFE003, lr  }
0x1b: {  	s9 =	sadd.s32 $0xFFFFFEF7, lr;
	s5 =	simm.s32 $0xFFFFFFFF;
	p2 =	slt.u32 s8, $0xFFFFF086  }
0x1c: {  	p1 =	slt.u32 s9, $0xF7A;
	s5 =	simm.s32 @!p2 $0x0  }
0x1d: {  	s5 =	simm.s32 @p1 $0x1;
	p0 =	seq.s32 s7, s2  }
0x1e: {  	s7 =	smul.u32 @!p0 $0xF7A, s2;
	p2 =	seq.s32 @!p0 s5, $0x0  }
0x1f: {  	s9 =	smul.u32 $0xF7A, s1;
	s8 =	simm.s32 @!p0 $0x1BF5;
	p2 =	por !p2, p0  }
0x20: {  	[sflag:s8] =	ssyncset.s32 @!p0 $0xFFFFF086;
	s6 =	sadd.s32 @!p0 s3, s7;
	s7 =	simm.s32 @!p0 $0x108  }
0x21: {  	s3 =	sadd.s32 s3, s9;
	s6 =	sadd.s32 @!p0 $0x88, s6;
	s7 =	simm.s32 @p2 $0x1082  }
0x22: {  	[simem:s7], [sflag:s8] =	dma.local @!p0 [hbm:s6], $0xF7A  }
0x23: {  	s9 =	sor.u32 $0xD0000000, s2;
	s6 =	simm.s32 $0x108;
	_ =	swait.ge @!p0 [sflag:s8], $0x0  }
0x24: {  	s3 =	sadd.s32 $0x88, s3;
	s6 =	simm.s32 @!p1 $0x1082;
	[sflag:s4] =	ssyncset.s32 $0xFFFFF086  }
0x25: {  	[simem:s6], [sflag:s4] =	dma.local [hbm:s3], $0xF7A  }
0x26: {  	[smem:$0x3F95] =	sst s1;
	(tag) =	ssettag s2;
	_ =	strace s9  }
0x27: {  	s1 =	sld [smem:$0x3FA5]  }
0x28: {  	s2 =	sld [smem:$0x3FA6]  }
0x29: {  	s4 =	sld [smem:$0x3FA8]  }
0x2a: {  	p0 =	seq.s32 s5, $0x0;
	s5 =	sld [smem:$0x3FA9]  }
0x2b: {  	s6 =	sld [smem:$0x3FAA]  }
0x2c: {  	s7 =	sld [smem:$0x3FAB]  }
0x2d: {  	s3 =	simm.s32 $0x108;
	s8 =	sld [smem:$0x3FAC]  }
0x2e: {  	s3 =	simm.s32 @!p0 $0x1082;
	s9 =	sld [smem:$0x3FAD]  }
0x2f: {  	lr =	sadd.s32 s0, s3;
	s0 =	sld [smem:$0x3FA4]  }
0x30: {  	s3 =	sld [smem:$0x3FA7]  }
0x31: {  	[smem:$0x3FB0] =	sst s10  }
0x32: {  	s10 =	sld [smem:$0x3FAE];
	_ =	sdelay $0x3  }
0x33: {  	p0 =	seq.s32 s10, $0x1;
	s10 =	sld [smem:$0x3FB0];
	_ =	sdelay $0x3  }
0x34: {  	[smem:$0x3FB0] =	sst s10  }
0x35: {  	s10 =	sld [smem:$0x3FAF];
	_ =	sdelay $0x3  }
0x36: {  	p1 =	seq.s32 s10, $0x1;
	s10 =	sld [smem:$0x3FB0];
	_ =	sdelay $0x3  }
0x37: {  	[smem:$0x3FB0] =	sst s10  }
0x38: {  	s10 =	sld [smem:$0x3FB1]  }
0x39: {  	_ = 	snop;
	(pc) =	sbr.ind lr, $3  }
0x3a: {  	_ = 	snop  }
0x3b: {  	_ = 	snop  }
0x3c: {  	p2 =	seq.s32 s10, $0x1;
	s10 =	sld [smem:$0x3FB0]  }
0x3d: {  	_ =	shalt  }
0x3e: {  	_ =	shalt  }
0x3f: {  	_ =	shalt  }
0x40: {  	_ =	shalt  }
0x41: {  	_ =	shalt  }
0x42: {  	_ =	shalt  }
0x43: {  	_ =	shalt  }
0x44: {  	_ =	shalt  }
0x45: {  	_ =	shalt  }
0x46: {  	_ =	shalt  }
0x47: {  	_ =	shalt  }
0x48: {  	_ =	shalt  }
0x49: {  	_ =	shalt  }
0x4a: {  	_ =	shalt  }
0x4b: {  	_ =	shalt  }
0x4c: {  	_ =	shalt  }
0x4d: {  	_ =	shalt  }
0x4e: {  	_ =	shalt  }
0x4f: {  	_ =	shalt  }
0x50: {  	_ =	shalt  }
0x51: {  	_ =	shalt  }
0x52: {  	_ =	shalt  }
0x53: {  	_ =	shalt  }
0x54: {  	_ =	shalt  }
0x55: {  	_ =	shalt  }
0x56: {  	_ =	shalt  }
0x57: {  	_ =	shalt  }
0x58: {  	_ =	shalt  }
0x59: {  	_ =	shalt  }
0x5a: {  	_ =	shalt  }
0x5b: {  	_ =	shalt  }
0x5c: {  	_ =	shalt  }
0x5d: {  	_ =	shalt  }
0x5e: {  	_ =	shalt  }
0x5f: {  	_ =	shalt  }
0x60: {  	_ =	shalt  }
0x61: {  	_ =	shalt  }
0x62: {  	_ =	shalt  }
0x63: {  	_ =	shalt  }
0x64: {  	_ =	shalt  }
0x65: {  	_ =	shalt  }
0x66: {  	_ =	shalt  }
0x67: {  	_ =	shalt  }
0x68: {  	_ =	shalt  }
0x69: {  	_ =	shalt  }
0x6a: {  	_ =	shalt  }
0x6b: {  	_ =	shalt  }
0x6c: {  	_ =	shalt  }
0x6d: {  	_ =	shalt  }
0x6e: {  	_ =	shalt  }
0x6f: {  	_ =	shalt  }
0x70: {  	_ =	shalt  }
0x71: {  	_ =	shalt  }
0x72: {  	_ =	shalt  }
0x73: {  	_ =	shalt  }
0x74: {  	_ =	shalt  }
0x75: {  	_ =	shalt  }
0x76: {  	_ =	shalt  }
0x77: {  	_ =	shalt  }
0x78: {  	_ =	shalt  }
0x79: {  	_ =	shalt  }
0x7a: {  	_ =	shalt  }
0x7b: {  	_ =	shalt  }
0x7c: {  	_ =	shalt  }
0x7d: {  	_ =	shalt  }
0x7e: {  	_ =	shalt  }
0x7f: {  	_ =	shalt  }
0x80: {  	_ =	shalt  }
0x81: {  	_ =	shalt  }
0x82: {  	_ =	shalt  }
0x83: {  	_ =	shalt  }
0x84: {  	_ =	shalt  }
0x85: {  	_ =	shalt  }
0x86: {  	_ =	shalt  }
0x87: {  	_ =	shalt  }
.Lfunc_end0:
.L_simem_size_0:
called_computation.5_lowered:
.L_overlay_start_0:
0x88: {  	s2 =	sld [smem:$0x3FD9]  }
0x89: {  	s3 =	sld [smem:$0x3FFE];
	_ =	sdelay $0x1  }
0x8a: {  	s1 =	srdreg.scid  }
0x8b: {  	s0 =	sand.u32 $0x1, s1  }
0x8c: {  	s16 =	sshll.u32 s0, $0xA;
	s2 =	sadd.s32 s3, s2  }
0x8d: {  	s2 =	sadd.s32 s2, s16  }
0x8e: {  	[smem:$0x3FBC] =	sst s2  }
0x8f: {  	_ = 	snop  }
0x90: {  	(tm) =	ssettm $0x1  }
0x91: {  	s17 =	sld [smem:$0x3FFB];
	_ =	sdelay $0x3  }
0x92: {  	_ =	strace s17  }
0x93: {  	s2 =	sld [smem:$0x3FFC];
	_ =	sdelay $0x3  }
0x94: {  	_ =	strace s2  }
0x95: {  	s2 =	sld [smem:$0x3FFD];
	_ =	sdelay $0x3  }
0x96: {  	_ =	strace s2  }
0x97: {  	_ =	strace $0x8FFFFFFF  }
0x98: {  	s18 =	sld [smem:$0x3FDB];
	_ =	sdelay $0x1  }
0x99: {  	s19 =	simm.s32 $_scs_section_size  }
0x9a: {  	s4 =	simm.s32 $_size__tile_overlayer_lowered;
	s5 =	simm.s32 $_tile_overlayer_lowered  }
0x9b: {  	s22 =	simm.s32 $0x1BFF;
	s21 =	sshll.u32 s5, $0x1;
	s2 =	sadd.s32 s19, s18  }
0x9c: {  	s6 =	simm.s32 $0x0;
	s20 =	sshll.u32 s4, $0x1;
	s4 =	sadd.s32 s21, s2  }
0x9d: {  	[timem:s6], [sflag:s22] =	dma.local [hbm:s4], s20  }
0x9e: {  	_ =	swait.ge [sflag:s22], s20  }
0x9f: {  	s3 =	ssub.s32 $0x0, s20;
	[sflag:s22] =	ssyncset.done $0x0  }
0xa0: {  	[sflag:s22] =	ssyncadd.s32 s3;
	_ =	sdelay $0x1  }
0xa1: {  	s23 =	simm.s32 $0x1B8B  }
0xa2: {  	_ =	swait.ge [sflag:s23], $0x1  }
0xa3: {  	[sflag:s23] =	ssyncset.done $0x0  }
0xa4: {  	s25 =	simm.s32 $0x1B8E;
	s24 =	sld [smem:$0x3FFE];
	[sflag:s23] =	ssyncadd.s32 $0xFFFFFFFF  }
0xa5: {  	s26 =	simm.s32 $execute0_lowered;
	[smem:$0x3FD2] =	sst s25  }
0xa6: {  	s4 =	sshll.u32 s26, $0x1;
	_ =	strace $0x8000004C;
	[dreg:$0x1] =	wrdreg $0xFFFFFFFF  }
0xa7: {  	s28 =	simm.s32 $_size_execute0_lowered;
	s2 =	sadd.s32 s2, s4;
	[dreg:$0x0] =	wrdreg $0x0  }
0xa8: {  	s4 =	sshll.u32 s28, $0x1;
	[dreg:$0x2] =	wrdreg s2  }
0xa9: {  	[dreg:$0x3] =	wrdreg s4  }
0xaa: {  	[dreg:$0x4] =	wrdreg $0xC0  }
0xab: {  	_ =	task [dreg:s6], $0x5FFFF  }
0xac: {  	[dreg:$0x1] =	wrdreg $0xFFFFFFFF  }
0xad: {  	[dreg:$0x0] =	wrdreg $0x60  }
0xae: {  	[dreg:$0x2] =	wrdreg s24  }
0xaf: {  	[dreg:$0x3] =	wrdreg $0x14800  }
0xb0: {  	[dreg:$0x4] =	wrdreg $0xC  }
0xb1: {  	_ =	task.clear_ibuf [dreg:s6], $0x5FFFF;
	_ =	strace $0x9000004C  }
0xb2: {  	s29 =	simm.s32 $0xC;
	_ =	strace $0x8000004E  }
0xb3: {  	_ =	swait.ge [sflag:s29], $0x1  }
0xb4: {  	[sflag:s29] =	ssyncadd.s32 $0xFFFFFFFF  }
0xb5: {  	_ =	strace $0x9000004E  }
0xb6: {  	_ =	sfence  }
0xb7: {  	s30 =	sld [smem:$0x0];
	_ =	sdelay $0x2  }
0xb8: {  	s31 =	sshll.u32 s1, $0xD;
	s1 =	sshrl.u32 s1, $0x2  }
0xb9: {  	s3 =	sand.u32 $0x4000, s31;
	s1 =	sadd.s32 s1, s30  }
0xba: {  	s0 =	sor.u32 s3, s0;
	s1 =	sshll.u32 s1, $0x11  }
0xbb: {  	s0 =	sor.u32 s1, s0  }
0xbc: {  	s0 =	sadd.s32 $0x8F2B, s0  }
0xbd: {  	[sflag:s0] =	ssyncadd.remote.s32 $0x1  }
0xbe: {  	_ =	sfence.sel $0xFFFF  }
0xbf: {  	[dreg:$0x0] =	wrdreg $0xFFFFFFFF;
	(pc) =	sbr.abs _section_cstart, $3  }
0xc0: {  	[dreg:$0x1] =	wrdreg $0xFFFFFFFF  }
0xc1: {  	_ =	task.clear_ibuf [dreg:s6], $0x2FFFF;
	_ =	strace $0x9FFFFFFF  }
0xc2: {  	(tm) =	ssettm $0x7FFFFFFF  }
0xc3: {  	_ =	shalt  }
tec
execute0_lowered:
.L_overlay_start_1:
0x0: {  	(tag) =	ssettag $0x1  }
0x1: {  	s0 =	stileid.u32;
	s1 =	srdreg.scid  }
0x2: {  	s5 =	rddreg [dreg:$0x0];
	s4 =	smul.u32 $0x27100, s0  }
0x3: {  	s2 =	rddreg [dreg:$0x1];
	s3 =	simm.s32 $0x0;
	s7 =	smul.u32 $0x2710, s0  }
0x4: {  	s15 =	simm.s32 $0x28;
	s16 =	simm.s32 $0x0;
	s24 =	smul.u32 $0x13C00, s0  }
0x5: {  	s6 =	sand.u32 $0x1, s1;
	s1 =	rddreg [dreg:$0x2];
	s29 =	smul.u32 $0x4F000, s0  }
0x6: {  	[smem:$0x7FF] =	sst s3;
	s12 =	sshll.u32 s0, $0x6;
	s8 =	smul.u32 $0x1388, s6  }
0x7: {  	s9 =	smul.u32 $0x13C000, s6;
	_ =	strace $0x8000004D;
	s28 =	ssub.s32 $0x2, s6  }
0x8: {  	s13 =	smul.u32 $0x13880, s6;
	s10 =	sadd.s32 s4, s5;
	s4 =	sadd.s32 $0x2E00, s5  }
0x9: {  	s30 =	sshrl.u32 s28, $0x1;
	s7 =	sadd.s32 s8, s7;
	s25 =	sadd.s32 s24, s9  }
0xa: {  	s9 =	sshrl.u32 s29, $0x2;
	s8 =	ssub.s32 s28, s30;
	s31 =	sadd.s32 s13, s10  }
0xb: {  	s13 =	simm.s32 $0x1;
	s7 =	sshrl.u32 s7, $0x3;
	s26 =	sshrl.u32 s25, $0x3  }
0xc: {  	s14 =	sadd.s32 s9, s2;
	s11 =	sadd.s32 s7, s5;
	s7 =	sadd.s32 s26, s5  }
0xd: {  	s5 =	sor.u32 $0x1C03, s12;
	s10 =	sshrl.u32 s14, $0x3;
	s12 =	simm.s32 $0x80  }
0xe: {  	s14 =	simm.s32 $0x2;
	s6 =	sadd.s32 $0x27DE00, s7;
	s7 =	smax.u32 s8, $0x1  }
0xf: {  	s8 =	sadd.s32 $0xCE00, s31;
	s9 =	sadd.s32 $0x7E00, s11;
	s11 =	simm.s32 $0x3  }
.LBB2_1:
0x10: {  	[spmem:s10], [sflag:s5] =	dma.local [hbm:s4], $0x2780  }
0x11: {  	_ =	swait.ge [sflag:s11], $0x2780  }
0x12: {  	[sflag:s11] =	ssyncset.done $0x0  }
0x13: {  	[sflag:s11] =	ssyncadd.s32 $0xFFFFD880  }
0x14: {  	s17 =	sadd.s32 $0x0, s9;
	[bflag:$0x0] =	sbarrier.arrive $0xFFFF  }
0x15: {  	[tilespmem:s3], [sflag:$0x1] =	stream.linear.gather [hbm4b:s17+s3], $0x28, $0x38;
	[tilespmem:$0x15080] =	vst v63  }
0x16: {  	_ = 	snop  }
0x17: {  	[tilespmem:s12], [sflag:$0x2] =	stream.linear.gather [hbm4b:s8+s3], $0x1400, $0x38;
	[tilespmem:$0x15080] =	vst v63  }
0x18: {  	_ =	swait.ge [sflag:s13], $0x28  }
0x19: {  	[sflag:s13] =	ssyncset.done $0x0  }
0x1a: {  	[sflag:s13] =	ssyncadd.s32 $0xFFFFFFD8  }
0x1b: {  	_ =	swait.ge [sflag:s14], $0x1400  }
0x1c: {  	[sflag:s14] =	ssyncset.done $0x0  }
0x1d: {  	[sflag:s14] =	ssyncadd.s32 $0xFFFFEC00  }
0x1e: {  	[spmem:s2] =	stream.indirect.scatter.add.f32 [tilespmem:s12], [sflag:$0x3], $0x80, s3, s15, $0xb8;
	[tilespmem:$0x15080] =	vst v63  }
0x1f: {  	s18 =	simm.s32 $0x5;
	_ =	swait.ge [sflag:s11], $0x1400  }
0x20: {  	s19 =	simm.s32 $0xA;
	s17 =	sadd.s32 $0x280, s8;
	[sflag:s11] =	ssyncset.done $0x0  }
.LBB2_2:
0x21: {  	s20 =	sadd.s32 s18, s9  }
0x22: {  	[sflag:s11] =	ssyncadd.s32 $0xFFFFEC00;
	s18 =	smov.u32 s19;
	s21 =	sadd.s32 $0x5, s19  }
0x23: {  	[tilespmem:s3], [sflag:$0x1] =	stream.linear.gather [hbm4b:s20+s3], $0x28, $0x38;
	[tilespmem:$0x15080] =	vst v63  }
0x24: {  	p0 =	sne.s32 s19, $0x26C  }
0x25: {  	[tilespmem:s12], [sflag:$0x2] =	stream.linear.gather [hbm4b:s17+s3], $0x1400, $0x38;
	[tilespmem:$0x15080] =	vst v63  }
0x26: {  	_ =	swait.ge [sflag:s13], $0x28  }
0x27: {  	[sflag:s13] =	ssyncset.done $0x0  }
0x28: {  	[sflag:s13] =	ssyncadd.s32 $0xFFFFFFD8  }
0x29: {  	_ =	swait.ge [sflag:s14], $0x1400  }
.Ltmp0:
0x2a: {  	[sflag:s14] =	ssyncset.done $0x0;
	(pc) =	sbr.rel @p0 .LBB2_2-.Ltmp0, $4  }
0x2b: {  	[sflag:s14] =	ssyncadd.s32 $0xFFFFEC00  }
0x2c: {  	[spmem:s2] =	stream.indirect.scatter.add.f32 [tilespmem:s12], [sflag:$0x3], $0x80, s3, s15, $0xb8;
	[tilespmem:$0x15080] =	vst v63  }
0x2d: {  	_ =	swait.ge [sflag:s11], $0x1400  }
0x2e: {  	s19 =	smov.u32 s21;
	s17 =	sadd.s32 $0x280, s17;
	[sflag:s11] =	ssyncset.done $0x0  }
0x2f: {  	s18 =	sadd.s32 s18, s9;
	[sflag:s11] =	ssyncadd.s32 $0xFFFFEC00  }
0x30: {  	[tilespmem:s3], [sflag:$0x1] =	stream.linear.gather [hbm4b:s18+s3], $0x28, $0x38;
	[tilespmem:$0x15080] =	vst v63  }
0x31: {  	_ = 	snop  }
0x32: {  	[tilespmem:s12], [sflag:$0x2] =	stream.linear.gather [hbm4b:s17+s3], $0x1400, $0x38;
	[tilespmem:$0x15080] =	vst v63  }
0x33: {  	_ =	swait.ge [sflag:s13], $0x28  }
0x34: {  	[sflag:s13] =	ssyncset.done $0x0  }
0x35: {  	[sflag:s13] =	ssyncadd.s32 $0xFFFFFFD8  }
0x36: {  	_ =	swait.ge [sflag:s14], $0x1400  }
0x37: {  	[sflag:s14] =	ssyncset.done $0x0  }
0x38: {  	[sflag:s14] =	ssyncadd.s32 $0xFFFFEC00  }
0x39: {  	[spmem:s2] =	stream.indirect.scatter.add.f32 [tilespmem:s12], [sflag:$0x3], $0x80, s3, s15, $0xb8;
	[tilespmem:$0x15080] =	vst v63  }
0x3a: {  	_ =	swait.ge [sflag:s11], $0x1400  }
0x3b: {  	s16 =	sadd.s32 $0x1, s16;
	[sflag:s11] =	ssyncset.done $0x0  }
0x3c: {  	p0 =	sne.s32 s16, s7;
	[sflag:s11] =	ssyncadd.s32 $0xFFFFEC00  }
.Ltmp1:
0x3d: {  	[bflag:$0x0] =	sbarrier.arrive $0xFFFF;
	(pc) =	sbr.rel @p0 .LBB2_1-.Ltmp1, $4  }
0x3e: {  	[hbm:s6], [sflag:s5] =	dma.local [spmem:s10], $0x2780  }
0x3f: {  	_ =	swait.ge [sflag:s11], $0x2780  }
0x40: {  	[sflag:s11] =	ssyncset.done $0x0  }
0x41: {  	[sflag:s11] =	ssyncadd.s32 $0xFFFFD880  }
0x42: {  	_ =	sfence.sel $0x180000  }
0x43: {  	[bflag:$0x0] =	sbarrier.arrive $0xFFFF  }
0x44: {  	p0 =	sne.s32 s0, $0x0;
	_ =	strace $0x9000004D  }
0x45: {  	s0 =	sadd.s32 @!p0 $0x100000, s1;
	[bflag:$0x2] =	sbarrier.arrive $0xFFFF  }
0x46: {  	[sflag:s0] =	ssyncadd.tile.s32 @!p0 $0x1;
	_ =	shalt  }
.Lfunc_end2:
_tile_overlayer_lowered:
.L_overlay_start_2:
0x47: {  	(tag) =	ssettag $0x2  }
0x48: {  	s0 =	rddreg [dreg:$0x0];
	s2 =	stileid.u32  }
0x49: {  	s1 =	rddreg [dreg:$0x1];
	p0 =	sne.s32 s2, $0x0  }
0x4a: {  	s3 =	rddreg [dreg:$0x2];
	[bflag:$0x3] =	sbarrier.arrive $0xFFFF;
	s2 =	simm.s32 @!p0 $0x1C03  }
0x4b: {  	[timem:s3], [sflag:s2] =	dma.local @!p0 [hbm:s0], s1  }
0x4c: {  	s0 =	simm.s32 @!p0 $0x3  }
0x4d: {  	_ =	swait.ge @!p0 [sflag:s0], s1  }
0x4e: {  	s1 =	ssub.s32 @!p0 $0x0, s1;
	[sflag:s0] =	ssyncset.done @!p0 $0x0  }
0x4f: {  	[sflag:s0] =	ssyncadd.s32 @!p0 s1  }
0x50: {  	[bflag:$0x3] =	sbarrier.arrive $0xFFFF  }
0x51: {  	_ =	shalt  }

// kernel: kernel.31.cloned.1.call-start
scs
__scs_entry_jumppad:
0x0: {  	(pc) =	sbr.rel $0x88, $3  }
0x1: {  	(tag) =	ssettag $0x0;
	lr =	simm.s32 $0x1  }
0x2: {  	[smem:$0x3F95] =	sst lr;
	_ =	strace $0xD0000000  }
0x3: {  	_ = 	snop  }
0x4: {  	_ = 	snop  }
0x5: {  	_ = 	snop  }
0x6: {  	_ = 	snop  }
0x7: {  	_ = 	snop  }
__scs_overlays_trampoline_lowered:
0x8: {  	[smem:$0x3FA4] =	sst s0  }
0x9: {  	[smem:$0x3FA5] =	sst s1  }
0xa: {  	[smem:$0x3FA6] =	sst s2  }
0xb: {  	[smem:$0x3FA7] =	sst s3  }
0xc: {  	[smem:$0x3FA8] =	sst s4  }
0xd: {  	[smem:$0x3FA9] =	sst s5  }
0xe: {  	[smem:$0x3FAA] =	sst s6  }
0xf: {  	[smem:$0x3FAB] =	sst s7  }
0x10: {  	[smem:$0x3FAC] =	sst s8  }
0x11: {  	[smem:$0x3FAD] =	sst s9;
	s0 =	simm.s32 @!p0 $0x0  }
0x12: {  	s1 =	sld [smem:$0x3F93];
	s0 =	simm.s32 @p0 $0x1  }
0x13: {  	[smem:$0x3FAE] =	sst s0;
	s0 =	simm.s32 @!p1 $0x0  }
0x14: {  	s2 =	sld [smem:$0x3F92];
	s0 =	simm.s32 @p1 $0x1  }
0x15: {  	[smem:$0x3FAF] =	sst s0;
	s0 =	simm.s32 @!p2 $0x0  }
0x16: {  	s3 =	sld [smem:$0x3FDB];
	s0 =	simm.s32 @p2 $0x1  }
0x17: {  	s4 =	simm.s32 $0x1BF5;
	[smem:$0x3FB1] =	sst s0  }
0x18: {  	s0 =	sld [smem:$0x3F94];
	_ =	swait.ge [sflag:s4], $0x0  }
0x19: {  	s7 =	sld [smem:$0x3F95]  }
0x1a: {  	s8 =	sadd.s32 $0xFFFFE003, lr  }
0x1b: {  	s9 =	sadd.s32 $0xFFFFFEF7, lr;
	s5 =	simm.s32 $0xFFFFFFFF;
	p2 =	slt.u32 s8, $0xFFFFF086  }
0x1c: {  	p1 =	slt.u32 s9, $0xF7A;
	s5 =	simm.s32 @!p2 $0x0  }
0x1d: {  	s5 =	simm.s32 @p1 $0x1;
	p0 =	seq.s32 s7, s2  }
0x1e: {  	s7 =	smul.u32 @!p0 $0xF7A, s2;
	p2 =	seq.s32 @!p0 s5, $0x0  }
0x1f: {  	s9 =	smul.u32 $0xF7A, s1;
	s8 =	simm.s32 @!p0 $0x1BF5;
	p2 =	por !p2, p0  }
0x20: {  	[sflag:s8] =	ssyncset.s32 @!p0 $0xFFFFF086;
	s6 =	sadd.s32 @!p0 s3, s7;
	s7 =	simm.s32 @!p0 $0x108  }
0x21: {  	s3 =	sadd.s32 s3, s9;
	s6 =	sadd.s32 @!p0 $0x88, s6;
	s7 =	simm.s32 @p2 $0x1082  }
0x22: {  	[simem:s7], [sflag:s8] =	dma.local @!p0 [hbm:s6], $0xF7A  }
0x23: {  	s9 =	sor.u32 $0xD0000000, s2;
	s6 =	simm.s32 $0x108;
	_ =	swait.ge @!p0 [sflag:s8], $0x0  }
0x24: {  	s3 =	sadd.s32 $0x88, s3;
	s6 =	simm.s32 @!p1 $0x1082;
	[sflag:s4] =	ssyncset.s32 $0xFFFFF086  }
0x25: {  	[simem:s6], [sflag:s4] =	dma.local [hbm:s3], $0xF7A  }
0x26: {  	[smem:$0x3F95] =	sst s1;
	(tag) =	ssettag s2;
	_ =	strace s9  }
0x27: {  	s1 =	sld [smem:$0x3FA5]  }
0x28: {  	s2 =	sld [smem:$0x3FA6]  }
0x29: {  	s4 =	sld [smem:$0x3FA8]  }
0x2a: {  	p0 =	seq.s32 s5, $0x0;
	s5 =	sld [smem:$0x3FA9]  }
0x2b: {  	s6 =	sld [smem:$0x3FAA]  }
0x2c: {  	s7 =	sld [smem:$0x3FAB]  }
0x2d: {  	s3 =	simm.s32 $0x108;
	s8 =	sld [smem:$0x3FAC]  }
0x2e: {  	s3 =	simm.s32 @!p0 $0x1082;
	s9 =	sld [smem:$0x3FAD]  }
0x2f: {  	lr =	sadd.s32 s0, s3;
	s0 =	sld [smem:$0x3FA4]  }
0x30: {  	s3 =	sld [smem:$0x3FA7]  }
0x31: {  	[smem:$0x3FB0] =	sst s10  }
0x32: {  	s10 =	sld [smem:$0x3FAE];
	_ =	sdelay $0x3  }
0x33: {  	p0 =	seq.s32 s10, $0x1;
	s10 =	sld [smem:$0x3FB0];
	_ =	sdelay $0x3  }
0x34: {  	[smem:$0x3FB0] =	sst s10  }
0x35: {  	s10 =	sld [smem:$0x3FAF];
	_ =	sdelay $0x3  }
0x36: {  	p1 =	seq.s32 s10, $0x1;
	s10 =	sld [smem:$0x3FB0];
	_ =	sdelay $0x3  }
0x37: {  	[smem:$0x3FB0] =	sst s10  }
0x38: {  	s10 =	sld [smem:$0x3FB1]  }
0x39: {  	_ = 	snop;
	(pc) =	sbr.ind lr, $3  }
0x3a: {  	_ = 	snop  }
0x3b: {  	_ = 	snop  }
0x3c: {  	p2 =	seq.s32 s10, $0x1;
	s10 =	sld [smem:$0x3FB0]  }
0x3d: {  	_ =	shalt  }
0x3e: {  	_ =	shalt  }
0x3f: {  	_ =	shalt  }
0x40: {  	_ =	shalt  }
0x41: {  	_ =	shalt  }
0x42: {  	_ =	shalt  }
0x43: {  	_ =	shalt  }
0x44: {  	_ =	shalt  }
0x45: {  	_ =	shalt  }
0x46: {  	_ =	shalt  }
0x47: {  	_ =	shalt  }
0x48: {  	_ =	shalt  }
0x49: {  	_ =	shalt  }
0x4a: {  	_ =	shalt  }
0x4b: {  	_ =	shalt  }
0x4c: {  	_ =	shalt  }
0x4d: {  	_ =	shalt  }
0x4e: {  	_ =	shalt  }
0x4f: {  	_ =	shalt  }
0x50: {  	_ =	shalt  }
0x51: {  	_ =	shalt  }
0x52: {  	_ =	shalt  }
0x53: {  	_ =	shalt  }
0x54: {  	_ =	shalt  }
0x55: {  	_ =	shalt  }
0x56: {  	_ =	shalt  }
0x57: {  	_ =	shalt  }
0x58: {  	_ =	shalt  }
0x59: {  	_ =	shalt  }
0x5a: {  	_ =	shalt  }
0x5b: {  	_ =	shalt  }
0x5c: {  	_ =	shalt  }
0x5d: {  	_ =	shalt  }
0x5e: {  	_ =	shalt  }
0x5f: {  	_ =	shalt  }
0x60: {  	_ =	shalt  }
0x61: {  	_ =	shalt  }
0x62: {  	_ =	shalt  }
0x63: {  	_ =	shalt  }
0x64: {  	_ =	shalt  }
0x65: {  	_ =	shalt  }
0x66: {  	_ =	shalt  }
0x67: {  	_ =	shalt  }
0x68: {  	_ =	shalt  }
0x69: {  	_ =	shalt  }
0x6a: {  	_ =	shalt  }
0x6b: {  	_ =	shalt  }
0x6c: {  	_ =	shalt  }
0x6d: {  	_ =	shalt  }
0x6e: {  	_ =	shalt  }
0x6f: {  	_ =	shalt  }
0x70: {  	_ =	shalt  }
0x71: {  	_ =	shalt  }
0x72: {  	_ =	shalt  }
0x73: {  	_ =	shalt  }
0x74: {  	_ =	shalt  }
0x75: {  	_ =	shalt  }
0x76: {  	_ =	shalt  }
0x77: {  	_ =	shalt  }
0x78: {  	_ =	shalt  }
0x79: {  	_ =	shalt  }
0x7a: {  	_ =	shalt  }
0x7b: {  	_ =	shalt  }
0x7c: {  	_ =	shalt  }
0x7d: {  	_ =	shalt  }
0x7e: {  	_ =	shalt  }
0x7f: {  	_ =	shalt  }
0x80: {  	_ =	shalt  }
0x81: {  	_ =	shalt  }
0x82: {  	_ =	shalt  }
0x83: {  	_ =	shalt  }
0x84: {  	_ =	shalt  }
0x85: {  	_ =	shalt  }
0x86: {  	_ =	shalt  }
0x87: {  	_ =	shalt  }
.Lfunc_end0:
.L_simem_size_0:
called_computation.6_lowered:
.L_overlay_start_0:
0x88: {  	s2 =	sld [smem:$0x3FD9]  }
0x89: {  	s3 =	sld [smem:$0x3FFE];
	_ =	sdelay $0x1  }
0x8a: {  	s1 =	srdreg.scid  }
0x8b: {  	s0 =	sand.u32 $0x1, s1  }
0x8c: {  	s17 =	sshll.u32 s0, $0xA;
	s2 =	sadd.s32 s3, s2  }
0x8d: {  	s2 =	sadd.s32 s2, s17  }
0x8e: {  	[smem:$0x3FBC] =	sst s2  }
0x8f: {  	_ = 	snop  }
0x90: {  	s18 =	sld [smem:$0x3FD0];
	(tm) =	ssettm $0x1  }
0x91: {  	s19 =	sld [smem:$0x3FFB];
	_ =	sdelay $0x3  }
0x92: {  	_ =	strace s19  }
0x93: {  	s2 =	sld [smem:$0x3FFC];
	_ =	sdelay $0x3  }
0x94: {  	_ =	strace s2  }
0x95: {  	s2 =	sld [smem:$0x3FFD];
	_ =	sdelay $0x3  }
0x96: {  	_ =	strace s2  }
0x97: {  	_ =	strace $0x8FFFFFFF  }
0x98: {  	s20 =	sld [smem:$0x3FDB];
	_ =	sdelay $0x1  }
0x99: {  	s4 =	simm.s32 $_scs_section_size  }
0x9a: {  	s5 =	simm.s32 $_size__tile_overlayer_lowered;
	s6 =	simm.s32 $_tile_overlayer_lowered  }
0x9b: {  	s7 =	simm.s32 $0x1BFF;
	s21 =	sshll.u32 s6, $0x1;
	s4 =	sadd.s32 s4, s20  }
0x9c: {  	s22 =	simm.s32 $0x0;
	s5 =	sshll.u32 s5, $0x1;
	s6 =	sadd.s32 s21, s4  }
0x9d: {  	[timem:s22], [sflag:s7] =	dma.local [hbm:s6], s5  }
0x9e: {  	_ =	swait.ge [sflag:s7], s5  }
0x9f: {  	s5 =	ssub.s32 $0x0, s5;
	[sflag:s7] =	ssyncset.done $0x0  }
0xa0: {  	[sflag:s7] =	ssyncadd.s32 s5;
	_ =	sdelay $0x1  }
0xa1: {  	s23 =	simm.s32 $0x1B8B  }
0xa2: {  	_ =	swait.ge [sflag:s23], $0x1  }
0xa3: {  	[sflag:s23] =	ssyncset.done $0x0  }
0xa4: {  	[sflag:s23] =	ssyncadd.s32 $0xFFFFFFFF  }
0xa5: {  	s5 =	sld [smem:$0x0]  }
0xa6: {  	s6 =	sand.u32 $0xFFFFFFFE, s1  }
0xa7: {  	p0 =	sne.s32 s1, s6  }
0xa8: {  	s6 =	sshll.u32 @p0 s6, $0xE  }
0xa9: {  	s6 =	sadd.s32 @p0 $0x11B8D, s6;
	s7 =	sshll.u32 @p0 s5, $0x11  }
0xaa: {  	s6 =	sor.u32 @p0 s7, s6  }
0xab: {  	[sflag:s6] =	ssyncadd.remote.s32 @p0 $0x1;
	_ =	sdelay $0x1  }
0xac: {  	s6 =	simm.s32 @p0 $0x1B8D  }
0xad: {  	_ =	swait.eq @p0 [sflag:s6], $0x1  }
0xae: {  	[sflag:s6] =	ssyncadd.s32 @p0 $0xFFFFFFFF  }
0xaf: {  	s7 =	sshll.u32 @!p0 s1, $0xE  }
0xb0: {  	s7 =	sor.u32 @!p0 $0x4000, s7;
	s6 =	simm.s32 @!p0 $0x1B8D  }
0xb1: {  	s5 =	sshll.u32 @!p0 s5, $0x11;
	s7 =	sadd.s32 @!p0 $0x11B8D, s7;
	_ =	swait.eq @!p0 [sflag:s6], $0x1  }
0xb2: {  	s5 =	sor.u32 @!p0 s5, s7;
	[sflag:s6] =	ssyncadd.s32 @!p0 $0xFFFFFFFF  }
0xb3: {  	s25 =	simm.s32 $0x1B8E;
	s24 =	sld [smem:$0x3FFE];
	[sflag:s5] =	ssyncadd.remote.s32 @!p0 $0x1  }
0xb4: {  	s26 =	simm.s32 $execute0_lowered;
	[smem:$0x3FD2] =	sst s25  }
0xb5: {  	s6 =	sshll.u32 s26, $0x1;
	_ =	strace $0x80000058;
	[dreg:$0x1] =	wrdreg $0xFFFFFFFF  }
0xb6: {  	s28 =	simm.s32 $_size_execute0_lowered;
	s4 =	sadd.s32 s4, s6;
	[dreg:$0x0] =	wrdreg $0x0  }
0xb7: {  	s6 =	sshll.u32 s28, $0x1;
	[dreg:$0x2] =	wrdreg s4  }
0xb8: {  	[dreg:$0x3] =	wrdreg s6  }
0xb9: {  	[dreg:$0x4] =	wrdreg $0xC0  }
0xba: {  	_ =	task [dreg:s22], $0x5FFFF  }
0xbb: {  	[dreg:$0x1] =	wrdreg $0xFFFFFFFF  }
0xbc: {  	[dreg:$0x0] =	wrdreg $0x60  }
0xbd: {  	[dreg:$0x2] =	wrdreg s24  }
0xbe: {  	[dreg:$0x3] =	wrdreg s18  }
0xbf: {  	[dreg:$0x4] =	wrdreg $0x14800  }
0xc0: {  	[dreg:$0x5] =	wrdreg $0xD  }
0xc1: {  	_ =	task.clear_ibuf [dreg:s22], $0x6FFFF;
	_ =	strace $0x90000058  }
0xc2: {  	s29 =	simm.s32 $0xD;
	_ =	strace $0x8000005A  }
0xc3: {  	_ =	swait.ge [sflag:s29], $0x1  }
0xc4: {  	[sflag:s29] =	ssyncadd.s32 $0xFFFFFFFF  }
0xc5: {  	_ =	strace $0x9000005A  }
0xc6: {  	_ =	sfence  }
0xc7: {  	s30 =	sld [smem:$0x0];
	_ =	sdelay $0x2  }
0xc8: {  	s31 =	sshll.u32 s1, $0xD;
	s1 =	sshrl.u32 s1, $0x2  }
0xc9: {  	s4 =	sand.u32 $0x4000, s31;
	s1 =	sadd.s32 s1, s30  }
0xca: {  	s0 =	sor.u32 s4, s0;
	s1 =	sshll.u32 s1, $0x11  }
0xcb: {  	s0 =	sor.u32 s1, s0  }
0xcc: {  	s0 =	sadd.s32 $0x8F2B, s0  }
0xcd: {  	[sflag:s0] =	ssyncadd.remote.s32 $0x1  }
0xce: {  	_ =	sfence.sel $0xFFFF  }
0xcf: {  	[dreg:$0x0] =	wrdreg $0xFFFFFFFF;
	(pc) =	sbr.abs _section_cstart, $3  }
0xd0: {  	[dreg:$0x1] =	wrdreg $0xFFFFFFFF  }
0xd1: {  	_ =	task.clear_ibuf [dreg:s22], $0x2FFFF;
	_ =	strace $0x9FFFFFFF  }
0xd2: {  	(tm) =	ssettm $0x7FFFFFFF  }
0xd3: {  	_ =	shalt  }
tec
execute0_lowered:
.L_overlay_start_1:
0x0: {  	(tag) =	ssettag $0x1  }
0x1: {  	s4 =	rddreg [dreg:$0x0]  }
0x2: {  	s6 =	rddreg [dreg:$0x1];
	s1 =	stileid.u32  }
0x3: {  	s2 =	rddreg [dreg:$0x2];
	s5 =	smul.u32 $0x27100, s1  }
0x4: {  	s0 =	rddreg [dreg:$0x3];
	s8 =	smul.u32 $0x2710, s1  }
0x5: {  	s7 =	srdreg.scid;
	s3 =	simm.s32 $0x0;
	s23 =	smul.u32 $0x4F000, s1  }
0x6: {  	s15 =	simm.s32 $0x28;
	s7 =	sand.u32 $0x1, s7;
	s13 =	smul.u32 $0x13C00, s1  }
0x7: {  	s16 =	simm.s32 $0x0;
	[smem:$0x7FF] =	sst s3;
	s9 =	smul.u32 $0x1388, s7  }
0x8: {  	s28 =	sshll.u32 s1, $0x6;
	_ =	strace $0x80000059;
	s11 =	smul.u32 $0x13C000, s7  }
0x9: {  	s24 =	ssub.s32 $0x2, s7;
	s29 =	smul.u32 $0x13880, s7;
	s10 =	sadd.s32 s5, s4  }
0xa: {  	s25 =	sshrl.u32 s24, $0x1;
	s26 =	sshrl.u32 s23, $0x2;
	s22 =	sadd.s32 s9, s8  }
0xb: {  	s9 =	ssub.s32 s24, s25;
	s11 =	sadd.s32 s13, s11;
	s14 =	sadd.s32 s26, s2  }
0xc: {  	s31 =	sadd.s32 s29, s10;
	s13 =	simm.s32 $0x1;
	s5 =	sshrl.u32 s22, $0x3  }
0xd: {  	s30 =	sshrl.u32 s11, $0x3;
	s7 =	smax.u32 s9, $0x1;
	s8 =	sadd.s32 $0x787000, s31  }
0xe: {  	s10 =	sshrl.u32 s14, $0x3;
	s11 =	simm.s32 $0x3;
	s14 =	simm.s32 $0x2  }
0xf: {  	s12 =	sadd.s32 s5, s4;
	s4 =	sadd.s32 $0x2E00, s4;
	s5 =	sor.u32 $0x1C03, s28  }
0x10: {  	s6 =	sadd.s32 s6, s30;
	s9 =	sadd.s32 $0x7E00, s12;
	s12 =	simm.s32 $0x80  }
.LBB2_1:
0x11: {  	[spmem:s10], [sflag:s5] =	dma.local [hbm:s4], $0x2780  }
0x12: {  	_ =	swait.ge [sflag:s11], $0x2780  }
0x13: {  	[sflag:s11] =	ssyncset.done $0x0  }
0x14: {  	[sflag:s11] =	ssyncadd.s32 $0xFFFFD880  }
0x15: {  	s17 =	sadd.s32 $0x0, s9;
	[bflag:$0x0] =	sbarrier.arrive $0xFFFF  }
0x16: {  	[tilespmem:s3], [sflag:$0x1] =	stream.linear.gather [hbm4b:s17+s3], $0x28, $0x38;
	[tilespmem:$0x15080] =	vst v63  }
0x17: {  	_ = 	snop  }
0x18: {  	[tilespmem:s12], [sflag:$0x2] =	stream.linear.gather [hbm4b:s8+s3], $0x1400, $0x38;
	[tilespmem:$0x15080] =	vst v63  }
0x19: {  	_ =	swait.ge [sflag:s13], $0x28  }
0x1a: {  	[sflag:s13] =	ssyncset.done $0x0  }
0x1b: {  	[sflag:s13] =	ssyncadd.s32 $0xFFFFFFD8  }
0x1c: {  	_ =	swait.ge [sflag:s14], $0x1400  }
0x1d: {  	[sflag:s14] =	ssyncset.done $0x0  }
0x1e: {  	[sflag:s14] =	ssyncadd.s32 $0xFFFFEC00  }
0x1f: {  	[spmem:s2] =	stream.indirect.scatter.add.f32 [tilespmem:s12], [sflag:$0x3], $0x80, s3, s15, $0xb8;
	[tilespmem:$0x15080] =	vst v63  }
0x20: {  	s18 =	simm.s32 $0x5;
	_ =	swait.ge [sflag:s11], $0x1400  }
0x21: {  	s19 =	simm.s32 $0xA;
	s17 =	sadd.s32 $0x280, s8;
	[sflag:s11] =	ssyncset.done $0x0  }
.LBB2_2:
0x22: {  	s20 =	sadd.s32 s18, s9  }
0x23: {  	[sflag:s11] =	ssyncadd.s32 $0xFFFFEC00;
	s18 =	smov.u32 s19;
	s21 =	sadd.s32 $0x5, s19  }
0x24: {  	[tilespmem:s3], [sflag:$0x1] =	stream.linear.gather [hbm4b:s20+s3], $0x28, $0x38;
	[tilespmem:$0x15080] =	vst v63  }
0x25: {  	p0 =	sne.s32 s19, $0x26C  }
0x26: {  	[tilespmem:s12], [sflag:$0x2] =	stream.linear.gather [hbm4b:s17+s3], $0x1400, $0x38;
	[tilespmem:$0x15080] =	vst v63  }
0x27: {  	_ =	swait.ge [sflag:s13], $0x28  }
0x28: {  	[sflag:s13] =	ssyncset.done $0x0  }
0x29: {  	[sflag:s13] =	ssyncadd.s32 $0xFFFFFFD8  }
0x2a: {  	_ =	swait.ge [sflag:s14], $0x1400  }
.Ltmp0:
0x2b: {  	[sflag:s14] =	ssyncset.done $0x0;
	(pc) =	sbr.rel @p0 .LBB2_2-.Ltmp0, $4  }
0x2c: {  	[sflag:s14] =	ssyncadd.s32 $0xFFFFEC00  }
0x2d: {  	[spmem:s2] =	stream.indirect.scatter.add.f32 [tilespmem:s12], [sflag:$0x3], $0x80, s3, s15, $0xb8;
	[tilespmem:$0x15080] =	vst v63  }
0x2e: {  	_ =	swait.ge [sflag:s11], $0x1400  }
0x2f: {  	s19 =	smov.u32 s21;
	s17 =	sadd.s32 $0x280, s17;
	[sflag:s11] =	ssyncset.done $0x0  }
0x30: {  	s18 =	sadd.s32 s18, s9;
	[sflag:s11] =	ssyncadd.s32 $0xFFFFEC00  }
0x31: {  	[tilespmem:s3], [sflag:$0x1] =	stream.linear.gather [hbm4b:s18+s3], $0x28, $0x38;
	[tilespmem:$0x15080] =	vst v63  }
0x32: {  	_ = 	snop  }
0x33: {  	[tilespmem:s12], [sflag:$0x2] =	stream.linear.gather [hbm4b:s17+s3], $0x1400, $0x38;
	[tilespmem:$0x15080] =	vst v63  }
0x34: {  	_ =	swait.ge [sflag:s13], $0x28  }
0x35: {  	[sflag:s13] =	ssyncset.done $0x0  }
0x36: {  	[sflag:s13] =	ssyncadd.s32 $0xFFFFFFD8  }
0x37: {  	_ =	swait.ge [sflag:s14], $0x1400  }
0x38: {  	[sflag:s14] =	ssyncset.done $0x0  }
0x39: {  	[sflag:s14] =	ssyncadd.s32 $0xFFFFEC00  }
0x3a: {  	[spmem:s2] =	stream.indirect.scatter.add.f32 [tilespmem:s12], [sflag:$0x3], $0x80, s3, s15, $0xb8;
	[tilespmem:$0x15080] =	vst v63  }
0x3b: {  	_ =	swait.ge [sflag:s11], $0x1400  }
0x3c: {  	s16 =	sadd.s32 $0x1, s16;
	[sflag:s11] =	ssyncset.done $0x0  }
0x3d: {  	p0 =	sne.s32 s16, s7;
	[sflag:s11] =	ssyncadd.s32 $0xFFFFEC00  }
.Ltmp1:
0x3e: {  	[bflag:$0x0] =	sbarrier.arrive $0xFFFF;
	(pc) =	sbr.rel @p0 .LBB2_1-.Ltmp1, $4  }
0x3f: {  	[hbm:s6], [sflag:s5] =	dma.local [spmem:s10], $0x2780  }
0x40: {  	_ =	swait.ge [sflag:s11], $0x2780  }
0x41: {  	[sflag:s11] =	ssyncset.done $0x0  }
0x42: {  	[sflag:s11] =	ssyncadd.s32 $0xFFFFD880  }
0x43: {  	_ =	sfence.sel $0x180000  }
0x44: {  	[bflag:$0x0] =	sbarrier.arrive $0xFFFF  }
0x45: {  	p0 =	sne.s32 s1, $0x0;
	_ =	strace $0x90000059  }
0x46: {  	s0 =	sadd.s32 @!p0 $0x100000, s0;
	[bflag:$0x2] =	sbarrier.arrive $0xFFFF  }
0x47: {  	[sflag:s0] =	ssyncadd.tile.s32 @!p0 $0x1;
	_ =	shalt  }
.Lfunc_end2:
_tile_overlayer_lowered:
.L_overlay_start_2:
0x48: {  	(tag) =	ssettag $0x2  }
0x49: {  	s0 =	rddreg [dreg:$0x0];
	s2 =	stileid.u32  }
0x4a: {  	s1 =	rddreg [dreg:$0x1];
	p0 =	sne.s32 s2, $0x0  }
0x4b: {  	s3 =	rddreg [dreg:$0x2];
	[bflag:$0x3] =	sbarrier.arrive $0xFFFF;
	s2 =	simm.s32 @!p0 $0x1C03  }
0x4c: {  	[timem:s3], [sflag:s2] =	dma.local @!p0 [hbm:s0], s1  }
0x4d: {  	s0 =	simm.s32 @!p0 $0x3  }
0x4e: {  	_ =	swait.ge @!p0 [sflag:s0], s1  }
0x4f: {  	s1 =	ssub.s32 @!p0 $0x0, s1;
	[sflag:s0] =	ssyncset.done @!p0 $0x0  }
0x50: {  	[sflag:s0] =	ssyncadd.s32 @!p0 s1  }
0x51: {  	[bflag:$0x3] =	sbarrier.arrive $0xFFFF  }
0x52: {  	_ =	shalt  }

</sc_bundles>
